<compile_context>
chip_gen: v7x
topology: tpu7x:2x2x1
jax: 0.10.2.dev20260603
libtpu: 0.0.44.dev20260713+nightly
codegen_flags: <defaults>
</compile_context>

<pallas_src>
import functools

import jax
import jax.numpy as jnp
from jax import lax
from jax.experimental import pallas as pl
from jax.experimental.pallas import tpu as pltpu
from jax.experimental.pallas import tpu_sc as plsc

NC = 2
NS = 16
NW = NC * NS


@functools.partial(jax.jit, static_argnames=("b", "s", "d"))
def _gather_rows(ids, table, b, s, d):
    rows_per_w = (b * s) // NW
    w_per_b = s // rows_per_w
    chunk = 8
    nbuf = 6
    n_chunks = rows_per_w // chunk

    mesh = plsc.VectorSubcoreMesh(core_axis_name="c", subcore_axis_name="s")

    @functools.partial(
        pl.kernel,
        out_type=jax.ShapeDtypeStruct((b, s, d), jnp.float32),
        mesh=mesh,
        scratch_types=[
            pltpu.VMEM((rows_per_w,), jnp.int32),
            *[pltpu.VMEM((chunk, d), jnp.float32) for _ in range(nbuf)],
            *[pltpu.SemaphoreType.DMA for _ in range(2 * nbuf)],
        ],
    )
    def k(ids_hbm, table_hbm, out_hbm, idx_v, *scr):
        bufs = scr[:nbuf]
        gsems = scr[nbuf : 2 * nbuf]
        ssems = scr[2 * nbuf :]
        wid = lax.axis_index("s") * NC + lax.axis_index("c")
        b_idx = wid // w_per_b
        col0 = (wid % w_per_b) * rows_per_w
        base = wid * rows_per_w
        def fire_gather(g):
            p = g % nbuf
            return pltpu.async_copy(
                table_hbm.at[idx_v.at[pl.ds(g * chunk, chunk)]], bufs[p], gsems[p]
            )

        head = (nbuf - 1) * chunk
        pltpu.sync_copy(ids_hbm.at[pl.ds(base, head)], idx_v.at[pl.ds(0, head)])
        gathers = {}
        stores = {}
        for g in range(min(nbuf - 1, n_chunks)):
            gathers[g] = fire_gather(g)
        pltpu.sync_copy(
            ids_hbm.at[pl.ds(base + head, rows_per_w - head)],
            idx_v.at[pl.ds(head, rows_per_w - head)],
        )
        for g in range(n_chunks):
            p = g % nbuf
            gathers[g].wait()
            stores[g] = pltpu.async_copy(
                bufs[p], out_hbm.at[b_idx, pl.ds(col0 + g * chunk, chunk)], ssems[p]
            )
            nxt = g + nbuf - 1
            if nxt < n_chunks:
                if g >= 1:
                    stores[g - 1].wait()
                gathers[nxt] = fire_gather(nxt)
        for g in range(max(0, n_chunks - nbuf), n_chunks):
            stores[g].wait()

    return k(ids.reshape(b * s), table)


def kernel(input_ids, table):
    b, s = input_ids.shape
    v, d = table.shape
    if input_ids.dtype != jnp.int32:
        input_ids = input_ids.astype(jnp.int32)
    return _gather_rows(input_ids, table, b, s, d)

# --- scband reference (transcript-rebuilt; emitter-appended) ---
"""Pipeline reference for scband-embedding-27779848470868 (READ-ONLY COPY).

The authoritative reference and input builder live on the scoring server;
editing this copy changes nothing except your own understanding.
"""

import jax, jax.numpy as jnp
import numpy as np

VOCAB = 100000
D_MODEL = 2048
BATCH = 2
SEQ = 4096

def setup_inputs(seed: int = 0) -> dict:
    key = jax.random.key(seed)
    k_ids, k_tab = jax.random.split(key)
    input_ids = jax.random.randint(k_ids, (BATCH, SEQ), 0, VOCAB, dtype=jnp.int64 if jax.config.jax_enable_x64 else jnp.int32)
    table = jax.random.normal(k_tab, (VOCAB, D_MODEL), dtype=jnp.float32) * 0.02
    return {"input_ids": input_ids, "table": table}

def reference(input_ids, table):
    # Faithful translation of transformer.embed_tokens(input_ids):
    # a plain embedding-table row gather.
    return jnp.take(table, input_ids, axis=0)

if __name__ == "__main__":
    import jax
    _d = setup_inputs()
    print(jax.jit(kernel)(*tuple(_d.values())))

</pallas_src>

<mosaic_0001>
#map = affine_map<(d0, d1) -> (0)>
#map1 = affine_map<(d0, d1) -> (0, 0)>
#map2 = affine_map<(d0, d1) -> (0, 0, 0)>
module attributes {stable_mosaic.version = 14 : i64} {
  func.func @k(%arg0: i32, %arg1: i32, %arg2: memref<8192xi32, #tpu.memory_space<hbm>>, %arg3: memref<100000x2048xf32, #tpu.memory_space<hbm>>, %arg4: memref<2x4096x2048xf32, #tpu.memory_space<hbm>>, %arg5: memref<256xi32, #tpu.memory_space<vmem>>, %arg6: memref<8x2048xf32, #tpu.memory_space<vmem>>, %arg7: memref<8x2048xf32, #tpu.memory_space<vmem>>, %arg8: memref<8x2048xf32, #tpu.memory_space<vmem>>, %arg9: memref<8x2048xf32, #tpu.memory_space<vmem>>, %arg10: memref<8x2048xf32, #tpu.memory_space<vmem>>, %arg11: memref<8x2048xf32, #tpu.memory_space<vmem>>, %arg12: memref<!tpu.dma_semaphore, #tpu.memory_space<semaphore_mem>>, %arg13: memref<!tpu.dma_semaphore, #tpu.memory_space<semaphore_mem>>, %arg14: memref<!tpu.dma_semaphore, #tpu.memory_space<semaphore_mem>>, %arg15: memref<!tpu.dma_semaphore, #tpu.memory_space<semaphore_mem>>, %arg16: memref<!tpu.dma_semaphore, #tpu.memory_space<semaphore_mem>>, %arg17: memref<!tpu.dma_semaphore, #tpu.memory_space<semaphore_mem>>, %arg18: memref<!tpu.dma_semaphore, #tpu.memory_space<semaphore_mem>>, %arg19: memref<!tpu.dma_semaphore, #tpu.memory_space<semaphore_mem>>, %arg20: memref<!tpu.dma_semaphore, #tpu.memory_space<semaphore_mem>>, %arg21: memref<!tpu.dma_semaphore, #tpu.memory_space<semaphore_mem>>, %arg22: memref<!tpu.dma_semaphore, #tpu.memory_space<semaphore_mem>>, %arg23: memref<!tpu.dma_semaphore, #tpu.memory_space<semaphore_mem>>) attributes {dimension_semantics = [#tpu.dimension_semantics<core_parallel>, #tpu.dimension_semantics<subcore_parallel>], iteration_bounds = array<i64: 2, 16>, scalar_prefetch = 0 : i64, scratch_operands = 19 : i64, tpu.core_type = #tpu.core_type<sc_vector_subcore>, window_params = [{transform_indices = #map}, {transform_indices = #map1}, {transform_indices = #map2}]} {
    %mul3A = arith.constant 2 : i32
    %mul3A_0 = arith.muli %arg1, %mul3A : i32
    %add3A = arith.addi %mul3A_0, %arg0 : i32
    %jit3A = arith.constant 16 : i32
    %div3A = arith.divsi %add3A, %jit3A : i32
    %sign3A = arith.constant 0 : i32
    %sign3A_1 = arith.cmpi sgt, %add3A, %sign3A : i32
    %sign3A_2 = arith.extui %sign3A_1 : i1 to i32
    %sign3A_3 = arith.constant 0 : i32
    %sign3A_4 = arith.cmpi slt, %add3A, %sign3A_3 : i32
    %sign3A_5 = arith.extui %sign3A_4 : i1 to i32
    %sign3A_6 = arith.subi %sign3A_2, %sign3A_5 : i32
    %sign3A_7 = arith.constant 0 : i32
    %sign3A_8 = arith.cmpi sgt, %jit3A, %sign3A_7 : i32
    %sign3A_9 = arith.extui %sign3A_8 : i1 to i32
    %sign3A_10 = arith.constant 0 : i32
    %sign3A_11 = arith.cmpi slt, %jit3A, %sign3A_10 : i32
    %sign3A_12 = arith.extui %sign3A_11 : i1 to i32
    %sign3A_13 = arith.subi %sign3A_9, %sign3A_12 : i32
    %ne3A = arith.cmpi ne, %sign3A_6, %sign3A_13 : i32
    %rem3A = arith.remsi %add3A, %jit3A : i32
    %ne3A_14 = arith.constant 0 : i32
    %ne3A_15 = arith.cmpi ne, %rem3A, %ne3A_14 : i32
    %and3A = arith.andi %ne3A, %ne3A_15 : i1
    %sub3A = arith.constant 1 : i32
    %sub3A_16 = arith.subi %div3A, %sub3A : i32
    %select_n3A = arith.select %and3A, %sub3A_16, %div3A : i32
    %jit3A_17 = arith.constant 16 : i32
    %eq3A = arith.constant 0 : i32
    %eq3A_18 = arith.cmpi eq, %jit3A_17, %eq3A : i32
    %jit3A_19 = arith.constant 1 : i32
    %select_n3A_20 = arith.select %eq3A_18, %jit3A_19, %jit3A_17 : i32
    %rem3A_21 = arith.remsi %add3A, %select_n3A_20 : i32
    %ne3A_22 = arith.constant 0 : i32
    %ne3A_23 = arith.cmpi ne, %rem3A_21, %ne3A_22 : i32
    %lt3A = arith.constant 0 : i32
    %lt3A_24 = arith.cmpi slt, %rem3A_21, %lt3A : i32
    %lt3A_25 = arith.constant 0 : i32
    %lt3A_26 = arith.cmpi slt, %select_n3A_20, %lt3A_25 : i32
    %ne3A_27 = arith.xori %lt3A_24, %lt3A_26 : i1
    %and3A_28 = arith.andi %ne3A_27, %ne3A_23 : i1
    %add3A_29 = arith.addi %rem3A_21, %select_n3A_20 : i32
    %select_n3A_30 = arith.select %and3A_28, %add3A_29, %rem3A_21 : i32
    %mul3A_31 = arith.constant 256 : i32
    %mul3A_32 = arith.muli %select_n3A_30, %mul3A_31 : i32
    %mul3A_33 = arith.constant 256 : i32
    %mul3A_34 = arith.muli %add3A, %mul3A_33 : i32
    "tpu.region"() ({
      %run_scoped3A = tpu.sem_alloc : memref<!tpu.dma_semaphore, #tpu.memory_space<semaphore_mem>>
      %dma_start3A_803 = arith.constant 0 : i32
      %dma_start3A_804 = tpu.memref_slice %arg5[%dma_start3A_803] : memref<256xi32, #tpu.memory_space<vmem>> -> memref<40xi32, #tpu.memory_space<vmem>>
      %dma_start3A_805 = tpu.memref_slice %arg2[%mul3A_34] : memref<8192xi32, #tpu.memory_space<hbm>> -> memref<40xi32, #tpu.memory_space<hbm>>
      %dma_start3A_806 = arith.constant 0 : i32
      %dma_start3A_807 = tpu.memref_slice %arg5[%dma_start3A_806] : memref<256xi32, #tpu.memory_space<vmem>> -> memref<40xi32, #tpu.memory_space<vmem>>
      %dma_start3A_808 = tpu.memref_slice %arg2[%mul3A_34] : memref<8192xi32, #tpu.memory_space<hbm>> -> memref<40xi32, #tpu.memory_space<hbm>>
      tpu.enqueue_dma source(%dma_start3A_808 : memref<40xi32, #tpu.memory_space<hbm>>) target(%dma_start3A_807 : memref<40xi32, #tpu.memory_space<vmem>>) target_semaphore(%run_scoped3A : memref<!tpu.dma_semaphore, #tpu.memory_space<semaphore_mem>>)
      %dma_wait3A_809 = arith.constant 0 : i32
      %dma_wait3A_810 = tpu.memref_slice %arg5[%dma_wait3A_809] : memref<256xi32, #tpu.memory_space<vmem>> -> memref<40xi32, #tpu.memory_space<vmem>>
      %dma_wait3A_811 = tpu.memref_slice %arg2[%mul3A_34] : memref<8192xi32, #tpu.memory_space<hbm>> -> memref<40xi32, #tpu.memory_space<hbm>>
      %dma_wait3A_812 = arith.constant 0 : i32
      %dma_wait3A_813 = tpu.memref_slice %arg5[%dma_wait3A_812] : memref<256xi32, #tpu.memory_space<vmem>> -> memref<40xi32, #tpu.memory_space<vmem>>
      %dma_wait3A_814 = tpu.memref_slice %arg2[%mul3A_34] : memref<8192xi32, #tpu.memory_space<hbm>> -> memref<40xi32, #tpu.memory_space<hbm>>
      tpu.wait_dma2 semaphore(%run_scoped3A : memref<!tpu.dma_semaphore, #tpu.memory_space<semaphore_mem>>) src(%dma_wait3A_814 : memref<40xi32, #tpu.memory_space<hbm>>) dst(%dma_wait3A_813 : memref<40xi32, #tpu.memory_space<vmem>>)
      tpu.yield
    }) : () -> ()
    %dma_start3A = arith.constant 0 : i32
    %dma_start3A_35 = tpu.memref_slice %arg5[%dma_start3A] : memref<256xi32, #tpu.memory_space<vmem>> -> memref<8xi32, #tpu.memory_space<vmem>>
    %dma_start3A_36 = arith.constant 0 : i32
    %dma_start3A_37 = arith.constant 0 : i32
    %dma_start3A_38 = tpu.memref_slice %arg3[%dma_start3A_36, %dma_start3A_37] : memref<100000x2048xf32, #tpu.memory_space<hbm>> -> memref<100000x2048xf32, #tpu.memory_space<hbm>>
    tpu.enqueue_indirect_dma source(%dma_start3A_38 : memref<100000x2048xf32, #tpu.memory_space<hbm>>) target(%arg6 : memref<8x2048xf32, #tpu.memory_space<vmem>>) offsets(%dma_start3A_35 : memref<8xi32, #tpu.memory_space<vmem>>) semaphore(%arg12 : memref<!tpu.dma_semaphore, #tpu.memory_space<semaphore_mem>>)
    %dma_start3A_39 = arith.constant 8 : i32
    %dma_start3A_40 = tpu.memref_slice %arg5[%dma_start3A_39] : memref<256xi32, #tpu.memory_space<vmem>> -> memref<8xi32, #tpu.memory_space<vmem>>
    %dma_start3A_41 = arith.constant 0 : i32
    %dma_start3A_42 = arith.constant 0 : i32
    %dma_start3A_43 = tpu.memref_slice %arg3[%dma_start3A_41, %dma_start3A_42] : memref<100000x2048xf32, #tpu.memory_space<hbm>> -> memref<100000x2048xf32, #tpu.memory_space<hbm>>
    tpu.enqueue_indirect_dma source(%dma_start3A_43 : memref<100000x2048xf32, #tpu.memory_space<hbm>>) target(%arg7 : memref<8x2048xf32, #tpu.memory_space<vmem>>) offsets(%dma_start3A_40 : memref<8xi32, #tpu.memory_space<vmem>>) semaphore(%arg13 : memref<!tpu.dma_semaphore, #tpu.memory_space<semaphore_mem>>)
    %dma_start3A_44 = arith.constant 16 : i32
    %dma_start3A_45 = tpu.memref_slice %arg5[%dma_start3A_44] : memref<256xi32, #tpu.memory_space<vmem>> -> memref<8xi32, #tpu.memory_space<vmem>>
    %dma_start3A_46 = arith.constant 0 : i32
    %dma_start3A_47 = arith.constant 0 : i32
    %dma_start3A_48 = tpu.memref_slice %arg3[%dma_start3A_46, %dma_start3A_47] : memref<100000x2048xf32, #tpu.memory_space<hbm>> -> memref<100000x2048xf32, #tpu.memory_space<hbm>>
    tpu.enqueue_indirect_dma source(%dma_start3A_48 : memref<100000x2048xf32, #tpu.memory_space<hbm>>) target(%arg8 : memref<8x2048xf32, #tpu.memory_space<vmem>>) offsets(%dma_start3A_45 : memref<8xi32, #tpu.memory_space<vmem>>) semaphore(%arg14 : memref<!tpu.dma_semaphore, #tpu.memory_space<semaphore_mem>>)
    %dma_start3A_49 = arith.constant 24 : i32
    %dma_start3A_50 = tpu.memref_slice %arg5[%dma_start3A_49] : memref<256xi32, #tpu.memory_space<vmem>> -> memref<8xi32, #tpu.memory_space<vmem>>
    %dma_start3A_51 = arith.constant 0 : i32
    %dma_start3A_52 = arith.constant 0 : i32
    %dma_start3A_53 = tpu.memref_slice %arg3[%dma_start3A_51, %dma_start3A_52] : memref<100000x2048xf32, #tpu.memory_space<hbm>> -> memref<100000x2048xf32, #tpu.memory_space<hbm>>
    tpu.enqueue_indirect_dma source(%dma_start3A_53 : memref<100000x2048xf32, #tpu.memory_space<hbm>>) target(%arg9 : memref<8x2048xf32, #tpu.memory_space<vmem>>) offsets(%dma_start3A_50 : memref<8xi32, #tpu.memory_space<vmem>>) semaphore(%arg15 : memref<!tpu.dma_semaphore, #tpu.memory_space<semaphore_mem>>)
    %dma_start3A_54 = arith.constant 32 : i32
    %dma_start3A_55 = tpu.memref_slice %arg5[%dma_start3A_54] : memref<256xi32, #tpu.memory_space<vmem>> -> memref<8xi32, #tpu.memory_space<vmem>>
    %dma_start3A_56 = arith.constant 0 : i32
    %dma_start3A_57 = arith.constant 0 : i32
    %dma_start3A_58 = tpu.memref_slice %arg3[%dma_start3A_56, %dma_start3A_57] : memref<100000x2048xf32, #tpu.memory_space<hbm>> -> memref<100000x2048xf32, #tpu.memory_space<hbm>>
    tpu.enqueue_indirect_dma source(%dma_start3A_58 : memref<100000x2048xf32, #tpu.memory_space<hbm>>) target(%arg10 : memref<8x2048xf32, #tpu.memory_space<vmem>>) offsets(%dma_start3A_55 : memref<8xi32, #tpu.memory_space<vmem>>) semaphore(%arg16 : memref<!tpu.dma_semaphore, #tpu.memory_space<semaphore_mem>>)
    %add3A_59 = arith.constant 40 : i32
    %add3A_60 = arith.addi %mul3A_34, %add3A_59 : i32
    "tpu.region"() ({
      %run_scoped3A = tpu.sem_alloc : memref<!tpu.dma_semaphore, #tpu.memory_space<semaphore_mem>>
      %dma_start3A_803 = arith.constant 40 : i32
      %dma_start3A_804 = tpu.memref_slice %arg5[%dma_start3A_803] : memref<256xi32, #tpu.memory_space<vmem>> -> memref<216xi32, #tpu.memory_space<vmem>>
      %dma_start3A_805 = tpu.memref_slice %arg2[%add3A_60] : memref<8192xi32, #tpu.memory_space<hbm>> -> memref<216xi32, #tpu.memory_space<hbm>>
      %dma_start3A_806 = arith.constant 40 : i32
      %dma_start3A_807 = tpu.memref_slice %arg5[%dma_start3A_806] : memref<256xi32, #tpu.memory_space<vmem>> -> memref<216xi32, #tpu.memory_space<vmem>>
      %dma_start3A_808 = tpu.memref_slice %arg2[%add3A_60] : memref<8192xi32, #tpu.memory_space<hbm>> -> memref<216xi32, #tpu.memory_space<hbm>>
      tpu.enqueue_dma source(%dma_start3A_808 : memref<216xi32, #tpu.memory_space<hbm>>) target(%dma_start3A_807 : memref<216xi32, #tpu.memory_space<vmem>>) target_semaphore(%run_scoped3A : memref<!tpu.dma_semaphore, #tpu.memory_space<semaphore_mem>>)
      %dma_wait3A_809 = arith.constant 40 : i32
      %dma_wait3A_810 = tpu.memref_slice %arg5[%dma_wait3A_809] : memref<256xi32, #tpu.memory_space<vmem>> -> memref<216xi32, #tpu.memory_space<vmem>>
      %dma_wait3A_811 = tpu.memref_slice %arg2[%add3A_60] : memref<8192xi32, #tpu.memory_space<hbm>> -> memref<216xi32, #tpu.memory_space<hbm>>
      %dma_wait3A_812 = arith.constant 40 : i32
      %dma_wait3A_813 = tpu.memref_slice %arg5[%dma_wait3A_812] : memref<256xi32, #tpu.memory_space<vmem>> -> memref<216xi32, #tpu.memory_space<vmem>>
      %dma_wait3A_814 = tpu.memref_slice %arg2[%add3A_60] : memref<8192xi32, #tpu.memory_space<hbm>> -> memref<216xi32, #tpu.memory_space<hbm>>
      tpu.wait_dma2 semaphore(%run_scoped3A : memref<!tpu.dma_semaphore, #tpu.memory_space<semaphore_mem>>) src(%dma_wait3A_814 : memref<216xi32, #tpu.memory_space<hbm>>) dst(%dma_wait3A_813 : memref<216xi32, #tpu.memory_space<vmem>>)
      tpu.yield
    }) : () -> ()
    %dma_wait3A = arith.constant 0 : i32
    %dma_wait3A_61 = tpu.memref_slice %arg5[%dma_wait3A] : memref<256xi32, #tpu.memory_space<vmem>> -> memref<8xi32, #tpu.memory_space<vmem>>
    %dma_wait3A_62 = arith.constant 0 : i32
    %dma_wait3A_63 = arith.constant 0 : i32
    %dma_wait3A_64 = tpu.memref_slice %arg3[%dma_wait3A_62, %dma_wait3A_63] : memref<100000x2048xf32, #tpu.memory_space<hbm>> -> memref<100000x2048xf32, #tpu.memory_space<hbm>>
    tpu.wait_indirect_dma semaphore(%arg12 : memref<!tpu.dma_semaphore, #tpu.memory_space<semaphore_mem>>) src(%dma_wait3A_64 : memref<100000x2048xf32, #tpu.memory_space<hbm>>) dst(%arg6 : memref<8x2048xf32, #tpu.memory_space<vmem>>)
    %add3A_65 = arith.constant 0 : i32
    %add3A_66 = arith.addi %mul3A_32, %add3A_65 : i32
    %dma_start3A_67 = arith.constant 0 : i32
    %dma_start3A_68 = tpu.memref_slice %arg4[%select_n3A, %add3A_66, %dma_start3A_67] : memref<2x4096x2048xf32, #tpu.memory_space<hbm>> -> memref<1x8x2048xf32, #tpu.memory_space<hbm>>
    %dma_start3A_69 = tpu.memref_squeeze %dma_start3A_68 : memref<1x8x2048xf32, #tpu.memory_space<hbm>> -> memref<8x2048xf32, #tpu.memory_space<hbm>>
    %dma_start3A_70 = arith.constant 0 : i32
    %dma_start3A_71 = tpu.memref_slice %arg4[%select_n3A, %add3A_66, %dma_start3A_70] : memref<2x4096x2048xf32, #tpu.memory_space<hbm>> -> memref<1x8x2048xf32, #tpu.memory_space<hbm>>
    %dma_start3A_72 = tpu.memref_squeeze %dma_start3A_71 : memref<1x8x2048xf32, #tpu.memory_space<hbm>> -> memref<8x2048xf32, #tpu.memory_space<hbm>>
    tpu.enqueue_dma source(%arg6 : memref<8x2048xf32, #tpu.memory_space<vmem>>) target(%dma_start3A_72 : memref<8x2048xf32, #tpu.memory_space<hbm>>) target_semaphore(%arg18 : memref<!tpu.dma_semaphore, #tpu.memory_space<semaphore_mem>>)
    %dma_start3A_73 = arith.constant 40 : i32
    %dma_start3A_74 = tpu.memref_slice %arg5[%dma_start3A_73] : memref<256xi32, #tpu.memory_space<vmem>> -> memref<8xi32, #tpu.memory_space<vmem>>
    %dma_start3A_75 = arith.constant 0 : i32
    %dma_start3A_76 = arith.constant 0 : i32
    %dma_start3A_77 = tpu.memref_slice %arg3[%dma_start3A_75, %dma_start3A_76] : memref<100000x2048xf32, #tpu.memory_space<hbm>> -> memref<100000x2048xf32, #tpu.memory_space<hbm>>
    tpu.enqueue_indirect_dma source(%dma_start3A_77 : memref<100000x2048xf32, #tpu.memory_space<hbm>>) target(%arg11 : memref<8x2048xf32, #tpu.memory_space<vmem>>) offsets(%dma_start3A_74 : memref<8xi32, #tpu.memory_space<vmem>>) semaphore(%arg17 : memref<!tpu.dma_semaphore, #tpu.memory_space<semaphore_mem>>)
    %dma_wait3A_78 = arith.constant 8 : i32
    %dma_wait3A_79 = tpu.memref_slice %arg5[%dma_wait3A_78] : memref<256xi32, #tpu.memory_space<vmem>> -> memref<8xi32, #tpu.memory_space<vmem>>
    %dma_wait3A_80 = arith.constant 0 : i32
    %dma_wait3A_81 = arith.constant 0 : i32
    %dma_wait3A_82 = tpu.memref_slice %arg3[%dma_wait3A_80, %dma_wait3A_81] : memref<100000x2048xf32, #tpu.memory_space<hbm>> -> memref<100000x2048xf32, #tpu.memory_space<hbm>>
    tpu.wait_indirect_dma semaphore(%arg13 : memref<!tpu.dma_semaphore, #tpu.memory_space<semaphore_mem>>) src(%dma_wait3A_82 : memref<100000x2048xf32, #tpu.memory_space<hbm>>) dst(%arg7 : memref<8x2048xf32, #tpu.memory_space<vmem>>)
    %add3A_83 = arith.constant 8 : i32
    %add3A_84 = arith.addi %mul3A_32, %add3A_83 : i32
    %dma_start3A_85 = arith.constant 0 : i32
    %dma_start3A_86 = tpu.memref_slice %arg4[%select_n3A, %add3A_84, %dma_start3A_85] : memref<2x4096x2048xf32, #tpu.memory_space<hbm>> -> memref<1x8x2048xf32, #tpu.memory_space<hbm>>
    %dma_start3A_87 = tpu.memref_squeeze %dma_start3A_86 : memref<1x8x2048xf32, #tpu.memory_space<hbm>> -> memref<8x2048xf32, #tpu.memory_space<hbm>>
    %dma_start3A_88 = arith.constant 0 : i32
    %dma_start3A_89 = tpu.memref_slice %arg4[%select_n3A, %add3A_84, %dma_start3A_88] : memref<2x4096x2048xf32, #tpu.memory_space<hbm>> -> memref<1x8x2048xf32, #tpu.memory_space<hbm>>
    %dma_start3A_90 = tpu.memref_squeeze %dma_start3A_89 : memref<1x8x2048xf32, #tpu.memory_space<hbm>> -> memref<8x2048xf32, #tpu.memory_space<hbm>>
    tpu.enqueue_dma source(%arg7 : memref<8x2048xf32, #tpu.memory_space<vmem>>) target(%dma_start3A_90 : memref<8x2048xf32, #tpu.memory_space<hbm>>) target_semaphore(%arg19 : memref<!tpu.dma_semaphore, #tpu.memory_space<semaphore_mem>>)
    %dma_wait3A_91 = arith.constant 0 : i32
    %dma_wait3A_92 = tpu.memref_slice %arg4[%select_n3A, %add3A_66, %dma_wait3A_91] : memref<2x4096x2048xf32, #tpu.memory_space<hbm>> -> memref<1x8x2048xf32, #tpu.memory_space<hbm>>
    %dma_wait3A_93 = tpu.memref_squeeze %dma_wait3A_92 : memref<1x8x2048xf32, #tpu.memory_space<hbm>> -> memref<8x2048xf32, #tpu.memory_space<hbm>>
    %dma_wait3A_94 = arith.constant 0 : i32
    %dma_wait3A_95 = tpu.memref_slice %arg4[%select_n3A, %add3A_66, %dma_wait3A_94] : memref<2x4096x2048xf32, #tpu.memory_space<hbm>> -> memref<1x8x2048xf32, #tpu.memory_space<hbm>>
    %dma_wait3A_96 = tpu.memref_squeeze %dma_wait3A_95 : memref<1x8x2048xf32, #tpu.memory_space<hbm>> -> memref<8x2048xf32, #tpu.memory_space<hbm>>
    tpu.wait_dma2 semaphore(%arg18 : memref<!tpu.dma_semaphore, #tpu.memory_space<semaphore_mem>>) src(%arg6 : memref<8x2048xf32, #tpu.memory_space<vmem>>) dst(%dma_wait3A_96 : memref<8x2048xf32, #tpu.memory_space<hbm>>)
    %dma_start3A_97 = arith.constant 48 : i32
    %dma_start3A_98 = tpu.memref_slice %arg5[%dma_start3A_97] : memref<256xi32, #tpu.memory_space<vmem>> -> memref<8xi32, #tpu.memory_space<vmem>>
    %dma_start3A_99 = arith.constant 0 : i32
    %dma_start3A_100 = arith.constant 0 : i32
    %dma_start3A_101 = tpu.memref_slice %arg3[%dma_start3A_99, %dma_start3A_100] : memref<100000x2048xf32, #tpu.memory_space<hbm>> -> memref<100000x2048xf32, #tpu.memory_space<hbm>>
    tpu.enqueue_indirect_dma source(%dma_start3A_101 : memref<100000x2048xf32, #tpu.memory_space<hbm>>) target(%arg6 : memref<8x2048xf32, #tpu.memory_space<vmem>>) offsets(%dma_start3A_98 : memref<8xi32, #tpu.memory_space<vmem>>) semaphore(%arg12 : memref<!tpu.dma_semaphore, #tpu.memory_space<semaphore_mem>>)
    %dma_wait3A_102 = arith.constant 16 : i32
    %dma_wait3A_103 = tpu.memref_slice %arg5[%dma_wait3A_102] : memref<256xi32, #tpu.memory_space<vmem>> -> memref<8xi32, #tpu.memory_space<vmem>>
    %dma_wait3A_104 = arith.constant 0 : i32
    %dma_wait3A_105 = arith.constant 0 : i32
    %dma_wait3A_106 = tpu.memref_slice %arg3[%dma_wait3A_104, %dma_wait3A_105] : memref<100000x2048xf32, #tpu.memory_space<hbm>> -> memref<100000x2048xf32, #tpu.memory_space<hbm>>
    tpu.wait_indirect_dma semaphore(%arg14 : memref<!tpu.dma_semaphore, #tpu.memory_space<semaphore_mem>>) src(%dma_wait3A_106 : memref<100000x2048xf32, #tpu.memory_space<hbm>>) dst(%arg8 : memref<8x2048xf32, #tpu.memory_space<vmem>>)
    %add3A_107 = arith.constant 16 : i32
    %add3A_108 = arith.addi %mul3A_32, %add3A_107 : i32
    %dma_start3A_109 = arith.constant 0 : i32
    %dma_start3A_110 = tpu.memref_slice %arg4[%select_n3A, %add3A_108, %dma_start3A_109] : memref<2x4096x2048xf32, #tpu.memory_space<hbm>> -> memref<1x8x2048xf32, #tpu.memory_space<hbm>>
    %dma_start3A_111 = tpu.memref_squeeze %dma_start3A_110 : memref<1x8x2048xf32, #tpu.memory_space<hbm>> -> memref<8x2048xf32, #tpu.memory_space<hbm>>
    %dma_start3A_112 = arith.constant 0 : i32
    %dma_start3A_113 = tpu.memref_slice %arg4[%select_n3A, %add3A_108, %dma_start3A_112] : memref<2x4096x2048xf32, #tpu.memory_space<hbm>> -> memref<1x8x2048xf32, #tpu.memory_space<hbm>>
    %dma_start3A_114 = tpu.memref_squeeze %dma_start3A_113 : memref<1x8x2048xf32, #tpu.memory_space<hbm>> -> memref<8x2048xf32, #tpu.memory_space<hbm>>
    tpu.enqueue_dma source(%arg8 : memref<8x2048xf32, #tpu.memory_space<vmem>>) target(%dma_start3A_114 : memref<8x2048xf32, #tpu.memory_space<hbm>>) target_semaphore(%arg20 : memref<!tpu.dma_semaphore, #tpu.memory_space<semaphore_mem>>)
    %dma_wait3A_115 = arith.constant 0 : i32
    %dma_wait3A_116 = tpu.memref_slice %arg4[%select_n3A, %add3A_84, %dma_wait3A_115] : memref<2x4096x2048xf32, #tpu.memory_space<hbm>> -> memref<1x8x2048xf32, #tpu.memory_space<hbm>>
    %dma_wait3A_117 = tpu.memref_squeeze %dma_wait3A_116 : memref<1x8x2048xf32, #tpu.memory_space<hbm>> -> memref<8x2048xf32, #tpu.memory_space<hbm>>
    %dma_wait3A_118 = arith.constant 0 : i32
    %dma_wait3A_119 = tpu.memref_slice %arg4[%select_n3A, %add3A_84, %dma_wait3A_118] : memref<2x4096x2048xf32, #tpu.memory_space<hbm>> -> memref<1x8x2048xf32, #tpu.memory_space<hbm>>
    %dma_wait3A_120 = tpu.memref_squeeze %dma_wait3A_119 : memref<1x8x2048xf32, #tpu.memory_space<hbm>> -> memref<8x2048xf32, #tpu.memory_space<hbm>>
    tpu.wait_dma2 semaphore(%arg19 : memref<!tpu.dma_semaphore, #tpu.memory_space<semaphore_mem>>) src(%arg7 : memref<8x2048xf32, #tpu.memory_space<vmem>>) dst(%dma_wait3A_120 : memref<8x2048xf32, #tpu.memory_space<hbm>>)
    %dma_start3A_121 = arith.constant 56 : i32
    %dma_start3A_122 = tpu.memref_slice %arg5[%dma_start3A_121] : memref<256xi32, #tpu.memory_space<vmem>> -> memref<8xi32, #tpu.memory_space<vmem>>
    %dma_start3A_123 = arith.constant 0 : i32
    %dma_start3A_124 = arith.constant 0 : i32
    %dma_start3A_125 = tpu.memref_slice %arg3[%dma_start3A_123, %dma_start3A_124] : memref<100000x2048xf32, #tpu.memory_space<hbm>> -> memref<100000x2048xf32, #tpu.memory_space<hbm>>
    tpu.enqueue_indirect_dma source(%dma_start3A_125 : memref<100000x2048xf32, #tpu.memory_space<hbm>>) target(%arg7 : memref<8x2048xf32, #tpu.memory_space<vmem>>) offsets(%dma_start3A_122 : memref<8xi32, #tpu.memory_space<vmem>>) semaphore(%arg13 : memref<!tpu.dma_semaphore, #tpu.memory_space<semaphore_mem>>)
    %dma_wait3A_126 = arith.constant 24 : i32
    %dma_wait3A_127 = tpu.memref_slice %arg5[%dma_wait3A_126] : memref<256xi32, #tpu.memory_space<vmem>> -> memref<8xi32, #tpu.memory_space<vmem>>
    %dma_wait3A_128 = arith.constant 0 : i32
    %dma_wait3A_129 = arith.constant 0 : i32
    %dma_wait3A_130 = tpu.memref_slice %arg3[%dma_wait3A_128, %dma_wait3A_129] : memref<100000x2048xf32, #tpu.memory_space<hbm>> -> memref<100000x2048xf32, #tpu.memory_space<hbm>>
    tpu.wait_indirect_dma semaphore(%arg15 : memref<!tpu.dma_semaphore, #tpu.memory_space<semaphore_mem>>) src(%dma_wait3A_130 : memref<100000x2048xf32, #tpu.memory_space<hbm>>) dst(%arg9 : memref<8x2048xf32, #tpu.memory_space<vmem>>)
    %add3A_131 = arith.constant 24 : i32
    %add3A_132 = arith.addi %mul3A_32, %add3A_131 : i32
    %dma_start3A_133 = arith.constant 0 : i32
    %dma_start3A_134 = tpu.memref_slice %arg4[%select_n3A, %add3A_132, %dma_start3A_133] : memref<2x4096x2048xf32, #tpu.memory_space<hbm>> -> memref<1x8x2048xf32, #tpu.memory_space<hbm>>
    %dma_start3A_135 = tpu.memref_squeeze %dma_start3A_134 : memref<1x8x2048xf32, #tpu.memory_space<hbm>> -> memref<8x2048xf32, #tpu.memory_space<hbm>>
    %dma_start3A_136 = arith.constant 0 : i32
    %dma_start3A_137 = tpu.memref_slice %arg4[%select_n3A, %add3A_132, %dma_start3A_136] : memref<2x4096x2048xf32, #tpu.memory_space<hbm>> -> memref<1x8x2048xf32, #tpu.memory_space<hbm>>
    %dma_start3A_138 = tpu.memref_squeeze %dma_start3A_137 : memref<1x8x2048xf32, #tpu.memory_space<hbm>> -> memref<8x2048xf32, #tpu.memory_space<hbm>>
    tpu.enqueue_dma source(%arg9 : memref<8x2048xf32, #tpu.memory_space<vmem>>) target(%dma_start3A_138 : memref<8x2048xf32, #tpu.memory_space<hbm>>) target_semaphore(%arg21 : memref<!tpu.dma_semaphore, #tpu.memory_space<semaphore_mem>>)
    %dma_wait3A_139 = arith.constant 0 : i32
    %dma_wait3A_140 = tpu.memref_slice %arg4[%select_n3A, %add3A_108, %dma_wait3A_139] : memref<2x4096x2048xf32, #tpu.memory_space<hbm>> -> memref<1x8x2048xf32, #tpu.memory_space<hbm>>
    %dma_wait3A_141 = tpu.memref_squeeze %dma_wait3A_140 : memref<1x8x2048xf32, #tpu.memory_space<hbm>> -> memref<8x2048xf32, #tpu.memory_space<hbm>>
    %dma_wait3A_142 = arith.constant 0 : i32
    %dma_wait3A_143 = tpu.memref_slice %arg4[%select_n3A, %add3A_108, %dma_wait3A_142] : memref<2x4096x2048xf32, #tpu.memory_space<hbm>> -> memref<1x8x2048xf32, #tpu.memory_space<hbm>>
    %dma_wait3A_144 = tpu.memref_squeeze %dma_wait3A_143 : memref<1x8x2048xf32, #tpu.memory_space<hbm>> -> memref<8x2048xf32, #tpu.memory_space<hbm>>
    tpu.wait_dma2 semaphore(%arg20 : memref<!tpu.dma_semaphore, #tpu.memory_space<semaphore_mem>>) src(%arg8 : memref<8x2048xf32, #tpu.memory_space<vmem>>) dst(%dma_wait3A_144 : memref<8x2048xf32, #tpu.memory_space<hbm>>)
    %dma_start3A_145 = arith.constant 64 : i32
    %dma_start3A_146 = tpu.memref_slice %arg5[%dma_start3A_145] : memref<256xi32, #tpu.memory_space<vmem>> -> memref<8xi32, #tpu.memory_space<vmem>>
    %dma_start3A_147 = arith.constant 0 : i32
    %dma_start3A_148 = arith.constant 0 : i32
    %dma_start3A_149 = tpu.memref_slice %arg3[%dma_start3A_147, %dma_start3A_148] : memref<100000x2048xf32, #tpu.memory_space<hbm>> -> memref<100000x2048xf32, #tpu.memory_space<hbm>>
    tpu.enqueue_indirect_dma source(%dma_start3A_149 : memref<100000x2048xf32, #tpu.memory_space<hbm>>) target(%arg8 : memref<8x2048xf32, #tpu.memory_space<vmem>>) offsets(%dma_start3A_146 : memref<8xi32, #tpu.memory_space<vmem>>) semaphore(%arg14 : memref<!tpu.dma_semaphore, #tpu.memory_space<semaphore_mem>>)
    %dma_wait3A_150 = arith.constant 32 : i32
    %dma_wait3A_151 = tpu.memref_slice %arg5[%dma_wait3A_150] : memref<256xi32, #tpu.memory_space<vmem>> -> memref<8xi32, #tpu.memory_space<vmem>>
    %dma_wait3A_152 = arith.constant 0 : i32
    %dma_wait3A_153 = arith.constant 0 : i32
    %dma_wait3A_154 = tpu.memref_slice %arg3[%dma_wait3A_152, %dma_wait3A_153] : memref<100000x2048xf32, #tpu.memory_space<hbm>> -> memref<100000x2048xf32, #tpu.memory_space<hbm>>
    tpu.wait_indirect_dma semaphore(%arg16 : memref<!tpu.dma_semaphore, #tpu.memory_space<semaphore_mem>>) src(%dma_wait3A_154 : memref<100000x2048xf32, #tpu.memory_space<hbm>>) dst(%arg10 : memref<8x2048xf32, #tpu.memory_space<vmem>>)
    %add3A_155 = arith.constant 32 : i32
    %add3A_156 = arith.addi %mul3A_32, %add3A_155 : i32
    %dma_start3A_157 = arith.constant 0 : i32
    %dma_start3A_158 = tpu.memref_slice %arg4[%select_n3A, %add3A_156, %dma_start3A_157] : memref<2x4096x2048xf32, #tpu.memory_space<hbm>> -> memref<1x8x2048xf32, #tpu.memory_space<hbm>>
    %dma_start3A_159 = tpu.memref_squeeze %dma_start3A_158 : memref<1x8x2048xf32, #tpu.memory_space<hbm>> -> memref<8x2048xf32, #tpu.memory_space<hbm>>
    %dma_start3A_160 = arith.constant 0 : i32
    %dma_start3A_161 = tpu.memref_slice %arg4[%select_n3A, %add3A_156, %dma_start3A_160] : memref<2x4096x2048xf32, #tpu.memory_space<hbm>> -> memref<1x8x2048xf32, #tpu.memory_space<hbm>>
    %dma_start3A_162 = tpu.memref_squeeze %dma_start3A_161 : memref<1x8x2048xf32, #tpu.memory_space<hbm>> -> memref<8x2048xf32, #tpu.memory_space<hbm>>
    tpu.enqueue_dma source(%arg10 : memref<8x2048xf32, #tpu.memory_space<vmem>>) target(%dma_start3A_162 : memref<8x2048xf32, #tpu.memory_space<hbm>>) target_semaphore(%arg22 : memref<!tpu.dma_semaphore, #tpu.memory_space<semaphore_mem>>)
    %dma_wait3A_163 = arith.constant 0 : i32
    %dma_wait3A_164 = tpu.memref_slice %arg4[%select_n3A, %add3A_132, %dma_wait3A_163] : memref<2x4096x2048xf32, #tpu.memory_space<hbm>> -> memref<1x8x2048xf32, #tpu.memory_space<hbm>>
    %dma_wait3A_165 = tpu.memref_squeeze %dma_wait3A_164 : memref<1x8x2048xf32, #tpu.memory_space<hbm>> -> memref<8x2048xf32, #tpu.memory_space<hbm>>
    %dma_wait3A_166 = arith.constant 0 : i32
    %dma_wait3A_167 = tpu.memref_slice %arg4[%select_n3A, %add3A_132, %dma_wait3A_166] : memref<2x4096x2048xf32, #tpu.memory_space<hbm>> -> memref<1x8x2048xf32, #tpu.memory_space<hbm>>
    %dma_wait3A_168 = tpu.memref_squeeze %dma_wait3A_167 : memref<1x8x2048xf32, #tpu.memory_space<hbm>> -> memref<8x2048xf32, #tpu.memory_space<hbm>>
    tpu.wait_dma2 semaphore(%arg21 : memref<!tpu.dma_semaphore, #tpu.memory_space<semaphore_mem>>) src(%arg9 : memref<8x2048xf32, #tpu.memory_space<vmem>>) dst(%dma_wait3A_168 : memref<8x2048xf32, #tpu.memory_space<hbm>>)
    %dma_start3A_169 = arith.constant 72 : i32
    %dma_start3A_170 = tpu.memref_slice %arg5[%dma_start3A_169] : memref<256xi32, #tpu.memory_space<vmem>> -> memref<8xi32, #tpu.memory_space<vmem>>
    %dma_start3A_171 = arith.constant 0 : i32
    %dma_start3A_172 = arith.constant 0 : i32
    %dma_start3A_173 = tpu.memref_slice %arg3[%dma_start3A_171, %dma_start3A_172] : memref<100000x2048xf32, #tpu.memory_space<hbm>> -> memref<100000x2048xf32, #tpu.memory_space<hbm>>
    tpu.enqueue_indirect_dma source(%dma_start3A_173 : memref<100000x2048xf32, #tpu.memory_space<hbm>>) target(%arg9 : memref<8x2048xf32, #tpu.memory_space<vmem>>) offsets(%dma_start3A_170 : memref<8xi32, #tpu.memory_space<vmem>>) semaphore(%arg15 : memref<!tpu.dma_semaphore, #tpu.memory_space<semaphore_mem>>)
    %dma_wait3A_174 = arith.constant 40 : i32
    %dma_wait3A_175 = tpu.memref_slice %arg5[%dma_wait3A_174] : memref<256xi32, #tpu.memory_space<vmem>> -> memref<8xi32, #tpu.memory_space<vmem>>
    %dma_wait3A_176 = arith.constant 0 : i32
    %dma_wait3A_177 = arith.constant 0 : i32
    %dma_wait3A_178 = tpu.memref_slice %arg3[%dma_wait3A_176, %dma_wait3A_177] : memref<100000x2048xf32, #tpu.memory_space<hbm>> -> memref<100000x2048xf32, #tpu.memory_space<hbm>>
    tpu.wait_indirect_dma semaphore(%arg17 : memref<!tpu.dma_semaphore, #tpu.memory_space<semaphore_mem>>) src(%dma_wait3A_178 : memref<100000x2048xf32, #tpu.memory_space<hbm>>) dst(%arg11 : memref<8x2048xf32, #tpu.memory_space<vmem>>)
    %add3A_179 = arith.constant 40 : i32
    %add3A_180 = arith.addi %mul3A_32, %add3A_179 : i32
    %dma_start3A_181 = arith.constant 0 : i32
    %dma_start3A_182 = tpu.memref_slice %arg4[%select_n3A, %add3A_180, %dma_start3A_181] : memref<2x4096x2048xf32, #tpu.memory_space<hbm>> -> memref<1x8x2048xf32, #tpu.memory_space<hbm>>
    %dma_start3A_183 = tpu.memref_squeeze %dma_start3A_182 : memref<1x8x2048xf32, #tpu.memory_space<hbm>> -> memref<8x2048xf32, #tpu.memory_space<hbm>>
    %dma_start3A_184 = arith.constant 0 : i32
    %dma_start3A_185 = tpu.memref_slice %arg4[%select_n3A, %add3A_180, %dma_start3A_184] : memref<2x4096x2048xf32, #tpu.memory_space<hbm>> -> memref<1x8x2048xf32, #tpu.memory_space<hbm>>
    %dma_start3A_186 = tpu.memref_squeeze %dma_start3A_185 : memref<1x8x2048xf32, #tpu.memory_space<hbm>> -> memref<8x2048xf32, #tpu.memory_space<hbm>>
    tpu.enqueue_dma source(%arg11 : memref<8x2048xf32, #tpu.memory_space<vmem>>) target(%dma_start3A_186 : memref<8x2048xf32, #tpu.memory_space<hbm>>) target_semaphore(%arg23 : memref<!tpu.dma_semaphore, #tpu.memory_space<semaphore_mem>>)
    %dma_wait3A_187 = arith.constant 0 : i32
    %dma_wait3A_188 = tpu.memref_slice %arg4[%select_n3A, %add3A_156, %dma_wait3A_187] : memref<2x4096x2048xf32, #tpu.memory_space<hbm>> -> memref<1x8x2048xf32, #tpu.memory_space<hbm>>
    %dma_wait3A_189 = tpu.memref_squeeze %dma_wait3A_188 : memref<1x8x2048xf32, #tpu.memory_space<hbm>> -> memref<8x2048xf32, #tpu.memory_space<hbm>>
    %dma_wait3A_190 = arith.constant 0 : i32
    %dma_wait3A_191 = tpu.memref_slice %arg4[%select_n3A, %add3A_156, %dma_wait3A_190] : memref<2x4096x2048xf32, #tpu.memory_space<hbm>> -> memref<1x8x2048xf32, #tpu.memory_space<hbm>>
    %dma_wait3A_192 = tpu.memref_squeeze %dma_wait3A_191 : memref<1x8x2048xf32, #tpu.memory_space<hbm>> -> memref<8x2048xf32, #tpu.memory_space<hbm>>
    tpu.wait_dma2 semaphore(%arg22 : memref<!tpu.dma_semaphore, #tpu.memory_space<semaphore_mem>>) src(%arg10 : memref<8x2048xf32, #tpu.memory_space<vmem>>) dst(%dma_wait3A_192 : memref<8x2048xf32, #tpu.memory_space<hbm>>)
    %dma_start3A_193 = arith.constant 80 : i32
    %dma_start3A_194 = tpu.memref_slice %arg5[%dma_start3A_193] : memref<256xi32, #tpu.memory_space<vmem>> -> memref<8xi32, #tpu.memory_space<vmem>>
    %dma_start3A_195 = arith.constant 0 : i32
    %dma_start3A_196 = arith.constant 0 : i32
    %dma_start3A_197 = tpu.memref_slice %arg3[%dma_start3A_195, %dma_start3A_196] : memref<100000x2048xf32, #tpu.memory_space<hbm>> -> memref<100000x2048xf32, #tpu.memory_space<hbm>>
    tpu.enqueue_indirect_dma source(%dma_start3A_197 : memref<100000x2048xf32, #tpu.memory_space<hbm>>) target(%arg10 : memref<8x2048xf32, #tpu.memory_space<vmem>>) offsets(%dma_start3A_194 : memref<8xi32, #tpu.memory_space<vmem>>) semaphore(%arg16 : memref<!tpu.dma_semaphore, #tpu.memory_space<semaphore_mem>>)
    %dma_wait3A_198 = arith.constant 48 : i32
    %dma_wait3A_199 = tpu.memref_slice %arg5[%dma_wait3A_198] : memref<256xi32, #tpu.memory_space<vmem>> -> memref<8xi32, #tpu.memory_space<vmem>>
    %dma_wait3A_200 = arith.constant 0 : i32
    %dma_wait3A_201 = arith.constant 0 : i32
    %dma_wait3A_202 = tpu.memref_slice %arg3[%dma_wait3A_200, %dma_wait3A_201] : memref<100000x2048xf32, #tpu.memory_space<hbm>> -> memref<100000x2048xf32, #tpu.memory_space<hbm>>
    tpu.wait_indirect_dma semaphore(%arg12 : memref<!tpu.dma_semaphore, #tpu.memory_space<semaphore_mem>>) src(%dma_wait3A_202 : memref<100000x2048xf32, #tpu.memory_space<hbm>>) dst(%arg6 : memref<8x2048xf32, #tpu.memory_space<vmem>>)
    %add3A_203 = arith.constant 48 : i32
    %add3A_204 = arith.addi %mul3A_32, %add3A_203 : i32
    %dma_start3A_205 = arith.constant 0 : i32
    %dma_start3A_206 = tpu.memref_slice %arg4[%select_n3A, %add3A_204, %dma_start3A_205] : memref<2x4096x2048xf32, #tpu.memory_space<hbm>> -> memref<1x8x2048xf32, #tpu.memory_space<hbm>>
    %dma_start3A_207 = tpu.memref_squeeze %dma_start3A_206 : memref<1x8x2048xf32, #tpu.memory_space<hbm>> -> memref<8x2048xf32, #tpu.memory_space<hbm>>
    %dma_start3A_208 = arith.constant 0 : i32
    %dma_start3A_209 = tpu.memref_slice %arg4[%select_n3A, %add3A_204, %dma_start3A_208] : memref<2x4096x2048xf32, #tpu.memory_space<hbm>> -> memref<1x8x2048xf32, #tpu.memory_space<hbm>>
    %dma_start3A_210 = tpu.memref_squeeze %dma_start3A_209 : memref<1x8x2048xf32, #tpu.memory_space<hbm>> -> memref<8x2048xf32, #tpu.memory_space<hbm>>
    tpu.enqueue_dma source(%arg6 : memref<8x2048xf32, #tpu.memory_space<vmem>>) target(%dma_start3A_210 : memref<8x2048xf32, #tpu.memory_space<hbm>>) target_semaphore(%arg18 : memref<!tpu.dma_semaphore, #tpu.memory_space<semaphore_mem>>)
    %dma_wait3A_211 = arith.constant 0 : i32
    %dma_wait3A_212 = tpu.memref_slice %arg4[%select_n3A, %add3A_180, %dma_wait3A_211] : memref<2x4096x2048xf32, #tpu.memory_space<hbm>> -> memref<1x8x2048xf32, #tpu.memory_space<hbm>>
    %dma_wait3A_213 = tpu.memref_squeeze %dma_wait3A_212 : memref<1x8x2048xf32, #tpu.memory_space<hbm>> -> memref<8x2048xf32, #tpu.memory_space<hbm>>
    %dma_wait3A_214 = arith.constant 0 : i32
    %dma_wait3A_215 = tpu.memref_slice %arg4[%select_n3A, %add3A_180, %dma_wait3A_214] : memref<2x4096x2048xf32, #tpu.memory_space<hbm>> -> memref<1x8x2048xf32, #tpu.memory_space<hbm>>
    %dma_wait3A_216 = tpu.memref_squeeze %dma_wait3A_215 : memref<1x8x2048xf32, #tpu.memory_space<hbm>> -> memref<8x2048xf32, #tpu.memory_space<hbm>>
    tpu.wait_dma2 semaphore(%arg23 : memref<!tpu.dma_semaphore, #tpu.memory_space<semaphore_mem>>) src(%arg11 : memref<8x2048xf32, #tpu.memory_space<vmem>>) dst(%dma_wait3A_216 : memref<8x2048xf32, #tpu.memory_space<hbm>>)
    %dma_start3A_217 = arith.constant 88 : i32
    %dma_start3A_218 = tpu.memref_slice %arg5[%dma_start3A_217] : memref<256xi32, #tpu.memory_space<vmem>> -> memref<8xi32, #tpu.memory_space<vmem>>
    %dma_start3A_219 = arith.constant 0 : i32
    %dma_start3A_220 = arith.constant 0 : i32
    %dma_start3A_221 = tpu.memref_slice %arg3[%dma_start3A_219, %dma_start3A_220] : memref<100000x2048xf32, #tpu.memory_space<hbm>> -> memref<100000x2048xf32, #tpu.memory_space<hbm>>
    tpu.enqueue_indirect_dma source(%dma_start3A_221 : memref<100000x2048xf32, #tpu.memory_space<hbm>>) target(%arg11 : memref<8x2048xf32, #tpu.memory_space<vmem>>) offsets(%dma_start3A_218 : memref<8xi32, #tpu.memory_space<vmem>>) semaphore(%arg17 : memref<!tpu.dma_semaphore, #tpu.memory_space<semaphore_mem>>)
    %dma_wait3A_222 = arith.constant 56 : i32
    %dma_wait3A_223 = tpu.memref_slice %arg5[%dma_wait3A_222] : memref<256xi32, #tpu.memory_space<vmem>> -> memref<8xi32, #tpu.memory_space<vmem>>
    %dma_wait3A_224 = arith.constant 0 : i32
    %dma_wait3A_225 = arith.constant 0 : i32
    %dma_wait3A_226 = tpu.memref_slice %arg3[%dma_wait3A_224, %dma_wait3A_225] : memref<100000x2048xf32, #tpu.memory_space<hbm>> -> memref<100000x2048xf32, #tpu.memory_space<hbm>>
    tpu.wait_indirect_dma semaphore(%arg13 : memref<!tpu.dma_semaphore, #tpu.memory_space<semaphore_mem>>) src(%dma_wait3A_226 : memref<100000x2048xf32, #tpu.memory_space<hbm>>) dst(%arg7 : memref<8x2048xf32, #tpu.memory_space<vmem>>)
    %add3A_227 = arith.constant 56 : i32
    %add3A_228 = arith.addi %mul3A_32, %add3A_227 : i32
    %dma_start3A_229 = arith.constant 0 : i32
    %dma_start3A_230 = tpu.memref_slice %arg4[%select_n3A, %add3A_228, %dma_start3A_229] : memref<2x4096x2048xf32, #tpu.memory_space<hbm>> -> memref<1x8x2048xf32, #tpu.memory_space<hbm>>
    %dma_start3A_231 = tpu.memref_squeeze %dma_start3A_230 : memref<1x8x2048xf32, #tpu.memory_space<hbm>> -> memref<8x2048xf32, #tpu.memory_space<hbm>>
    %dma_start3A_232 = arith.constant 0 : i32
    %dma_start3A_233 = tpu.memref_slice %arg4[%select_n3A, %add3A_228, %dma_start3A_232] : memref<2x4096x2048xf32, #tpu.memory_space<hbm>> -> memref<1x8x2048xf32, #tpu.memory_space<hbm>>
    %dma_start3A_234 = tpu.memref_squeeze %dma_start3A_233 : memref<1x8x2048xf32, #tpu.memory_space<hbm>> -> memref<8x2048xf32, #tpu.memory_space<hbm>>
    tpu.enqueue_dma source(%arg7 : memref<8x2048xf32, #tpu.memory_space<vmem>>) target(%dma_start3A_234 : memref<8x2048xf32, #tpu.memory_space<hbm>>) target_semaphore(%arg19 : memref<!tpu.dma_semaphore, #tpu.memory_space<semaphore_mem>>)
    %dma_wait3A_235 = arith.constant 0 : i32
    %dma_wait3A_236 = tpu.memref_slice %arg4[%select_n3A, %add3A_204, %dma_wait3A_235] : memref<2x4096x2048xf32, #tpu.memory_space<hbm>> -> memref<1x8x2048xf32, #tpu.memory_space<hbm>>
    %dma_wait3A_237 = tpu.memref_squeeze %dma_wait3A_236 : memref<1x8x2048xf32, #tpu.memory_space<hbm>> -> memref<8x2048xf32, #tpu.memory_space<hbm>>
    %dma_wait3A_238 = arith.constant 0 : i32
    %dma_wait3A_239 = tpu.memref_slice %arg4[%select_n3A, %add3A_204, %dma_wait3A_238] : memref<2x4096x2048xf32, #tpu.memory_space<hbm>> -> memref<1x8x2048xf32, #tpu.memory_space<hbm>>
    %dma_wait3A_240 = tpu.memref_squeeze %dma_wait3A_239 : memref<1x8x2048xf32, #tpu.memory_space<hbm>> -> memref<8x2048xf32, #tpu.memory_space<hbm>>
    tpu.wait_dma2 semaphore(%arg18 : memref<!tpu.dma_semaphore, #tpu.memory_space<semaphore_mem>>) src(%arg6 : memref<8x2048xf32, #tpu.memory_space<vmem>>) dst(%dma_wait3A_240 : memref<8x2048xf32, #tpu.memory_space<hbm>>)
    %dma_start3A_241 = arith.constant 96 : i32
    %dma_start3A_242 = tpu.memref_slice %arg5[%dma_start3A_241] : memref<256xi32, #tpu.memory_space<vmem>> -> memref<8xi32, #tpu.memory_space<vmem>>
    %dma_start3A_243 = arith.constant 0 : i32
    %dma_start3A_244 = arith.constant 0 : i32
    %dma_start3A_245 = tpu.memref_slice %arg3[%dma_start3A_243, %dma_start3A_244] : memref<100000x2048xf32, #tpu.memory_space<hbm>> -> memref<100000x2048xf32, #tpu.memory_space<hbm>>
    tpu.enqueue_indirect_dma source(%dma_start3A_245 : memref<100000x2048xf32, #tpu.memory_space<hbm>>) target(%arg6 : memref<8x2048xf32, #tpu.memory_space<vmem>>) offsets(%dma_start3A_242 : memref<8xi32, #tpu.memory_space<vmem>>) semaphore(%arg12 : memref<!tpu.dma_semaphore, #tpu.memory_space<semaphore_mem>>)
    %dma_wait3A_246 = arith.constant 64 : i32
    %dma_wait3A_247 = tpu.memref_slice %arg5[%dma_wait3A_246] : memref<256xi32, #tpu.memory_space<vmem>> -> memref<8xi32, #tpu.memory_space<vmem>>
    %dma_wait3A_248 = arith.constant 0 : i32
    %dma_wait3A_249 = arith.constant 0 : i32
    %dma_wait3A_250 = tpu.memref_slice %arg3[%dma_wait3A_248, %dma_wait3A_249] : memref<100000x2048xf32, #tpu.memory_space<hbm>> -> memref<100000x2048xf32, #tpu.memory_space<hbm>>
    tpu.wait_indirect_dma semaphore(%arg14 : memref<!tpu.dma_semaphore, #tpu.memory_space<semaphore_mem>>) src(%dma_wait3A_250 : memref<100000x2048xf32, #tpu.memory_space<hbm>>) dst(%arg8 : memref<8x2048xf32, #tpu.memory_space<vmem>>)
    %add3A_251 = arith.constant 64 : i32
    %add3A_252 = arith.addi %mul3A_32, %add3A_251 : i32
    %dma_start3A_253 = arith.constant 0 : i32
    %dma_start3A_254 = tpu.memref_slice %arg4[%select_n3A, %add3A_252, %dma_start3A_253] : memref<2x4096x2048xf32, #tpu.memory_space<hbm>> -> memref<1x8x2048xf32, #tpu.memory_space<hbm>>
    %dma_start3A_255 = tpu.memref_squeeze %dma_start3A_254 : memref<1x8x2048xf32, #tpu.memory_space<hbm>> -> memref<8x2048xf32, #tpu.memory_space<hbm>>
    %dma_start3A_256 = arith.constant 0 : i32
    %dma_start3A_257 = tpu.memref_slice %arg4[%select_n3A, %add3A_252, %dma_start3A_256] : memref<2x4096x2048xf32, #tpu.memory_space<hbm>> -> memref<1x8x2048xf32, #tpu.memory_space<hbm>>
    %dma_start3A_258 = tpu.memref_squeeze %dma_start3A_257 : memref<1x8x2048xf32, #tpu.memory_space<hbm>> -> memref<8x2048xf32, #tpu.memory_space<hbm>>
    tpu.enqueue_dma source(%arg8 : memref<8x2048xf32, #tpu.memory_space<vmem>>) target(%dma_start3A_258 : memref<8x2048xf32, #tpu.memory_space<hbm>>) target_semaphore(%arg20 : memref<!tpu.dma_semaphore, #tpu.memory_space<semaphore_mem>>)
    %dma_wait3A_259 = arith.constant 0 : i32
    %dma_wait3A_260 = tpu.memref_slice %arg4[%select_n3A, %add3A_228, %dma_wait3A_259] : memref<2x4096x2048xf32, #tpu.memory_space<hbm>> -> memref<1x8x2048xf32, #tpu.memory_space<hbm>>
    %dma_wait3A_261 = tpu.memref_squeeze %dma_wait3A_260 : memref<1x8x2048xf32, #tpu.memory_space<hbm>> -> memref<8x2048xf32, #tpu.memory_space<hbm>>
    %dma_wait3A_262 = arith.constant 0 : i32
    %dma_wait3A_263 = tpu.memref_slice %arg4[%select_n3A, %add3A_228, %dma_wait3A_262] : memref<2x4096x2048xf32, #tpu.memory_space<hbm>> -> memref<1x8x2048xf32, #tpu.memory_space<hbm>>
    %dma_wait3A_264 = tpu.memref_squeeze %dma_wait3A_263 : memref<1x8x2048xf32, #tpu.memory_space<hbm>> -> memref<8x2048xf32, #tpu.memory_space<hbm>>
    tpu.wait_dma2 semaphore(%arg19 : memref<!tpu.dma_semaphore, #tpu.memory_space<semaphore_mem>>) src(%arg7 : memref<8x2048xf32, #tpu.memory_space<vmem>>) dst(%dma_wait3A_264 : memref<8x2048xf32, #tpu.memory_space<hbm>>)
    %dma_start3A_265 = arith.constant 104 : i32
    %dma_start3A_266 = tpu.memref_slice %arg5[%dma_start3A_265] : memref<256xi32, #tpu.memory_space<vmem>> -> memref<8xi32, #tpu.memory_space<vmem>>
    %dma_start3A_267 = arith.constant 0 : i32
    %dma_start3A_268 = arith.constant 0 : i32
    %dma_start3A_269 = tpu.memref_slice %arg3[%dma_start3A_267, %dma_start3A_268] : memref<100000x2048xf32, #tpu.memory_space<hbm>> -> memref<100000x2048xf32, #tpu.memory_space<hbm>>
    tpu.enqueue_indirect_dma source(%dma_start3A_269 : memref<100000x2048xf32, #tpu.memory_space<hbm>>) target(%arg7 : memref<8x2048xf32, #tpu.memory_space<vmem>>) offsets(%dma_start3A_266 : memref<8xi32, #tpu.memory_space<vmem>>) semaphore(%arg13 : memref<!tpu.dma_semaphore, #tpu.memory_space<semaphore_mem>>)
    %dma_wait3A_270 = arith.constant 72 : i32
    %dma_wait3A_271 = tpu.memref_slice %arg5[%dma_wait3A_270] : memref<256xi32, #tpu.memory_space<vmem>> -> memref<8xi32, #tpu.memory_space<vmem>>
    %dma_wait3A_272 = arith.constant 0 : i32
    %dma_wait3A_273 = arith.constant 0 : i32
    %dma_wait3A_274 = tpu.memref_slice %arg3[%dma_wait3A_272, %dma_wait3A_273] : memref<100000x2048xf32, #tpu.memory_space<hbm>> -> memref<100000x2048xf32, #tpu.memory_space<hbm>>
    tpu.wait_indirect_dma semaphore(%arg15 : memref<!tpu.dma_semaphore, #tpu.memory_space<semaphore_mem>>) src(%dma_wait3A_274 : memref<100000x2048xf32, #tpu.memory_space<hbm>>) dst(%arg9 : memref<8x2048xf32, #tpu.memory_space<vmem>>)
    %add3A_275 = arith.constant 72 : i32
    %add3A_276 = arith.addi %mul3A_32, %add3A_275 : i32
    %dma_start3A_277 = arith.constant 0 : i32
    %dma_start3A_278 = tpu.memref_slice %arg4[%select_n3A, %add3A_276, %dma_start3A_277] : memref<2x4096x2048xf32, #tpu.memory_space<hbm>> -> memref<1x8x2048xf32, #tpu.memory_space<hbm>>
    %dma_start3A_279 = tpu.memref_squeeze %dma_start3A_278 : memref<1x8x2048xf32, #tpu.memory_space<hbm>> -> memref<8x2048xf32, #tpu.memory_space<hbm>>
    %dma_start3A_280 = arith.constant 0 : i32
    %dma_start3A_281 = tpu.memref_slice %arg4[%select_n3A, %add3A_276, %dma_start3A_280] : memref<2x4096x2048xf32, #tpu.memory_space<hbm>> -> memref<1x8x2048xf32, #tpu.memory_space<hbm>>
    %dma_start3A_282 = tpu.memref_squeeze %dma_start3A_281 : memref<1x8x2048xf32, #tpu.memory_space<hbm>> -> memref<8x2048xf32, #tpu.memory_space<hbm>>
    tpu.enqueue_dma source(%arg9 : memref<8x2048xf32, #tpu.memory_space<vmem>>) target(%dma_start3A_282 : memref<8x2048xf32, #tpu.memory_space<hbm>>) target_semaphore(%arg21 : memref<!tpu.dma_semaphore, #tpu.memory_space<semaphore_mem>>)
    %dma_wait3A_283 = arith.constant 0 : i32
    %dma_wait3A_284 = tpu.memref_slice %arg4[%select_n3A, %add3A_252, %dma_wait3A_283] : memref<2x4096x2048xf32, #tpu.memory_space<hbm>> -> memref<1x8x2048xf32, #tpu.memory_space<hbm>>
    %dma_wait3A_285 = tpu.memref_squeeze %dma_wait3A_284 : memref<1x8x2048xf32, #tpu.memory_space<hbm>> -> memref<8x2048xf32, #tpu.memory_space<hbm>>
    %dma_wait3A_286 = arith.constant 0 : i32
    %dma_wait3A_287 = tpu.memref_slice %arg4[%select_n3A, %add3A_252, %dma_wait3A_286] : memref<2x4096x2048xf32, #tpu.memory_space<hbm>> -> memref<1x8x2048xf32, #tpu.memory_space<hbm>>
    %dma_wait3A_288 = tpu.memref_squeeze %dma_wait3A_287 : memref<1x8x2048xf32, #tpu.memory_space<hbm>> -> memref<8x2048xf32, #tpu.memory_space<hbm>>
    tpu.wait_dma2 semaphore(%arg20 : memref<!tpu.dma_semaphore, #tpu.memory_space<semaphore_mem>>) src(%arg8 : memref<8x2048xf32, #tpu.memory_space<vmem>>) dst(%dma_wait3A_288 : memref<8x2048xf32, #tpu.memory_space<hbm>>)
    %dma_start3A_289 = arith.constant 112 : i32
    %dma_start3A_290 = tpu.memref_slice %arg5[%dma_start3A_289] : memref<256xi32, #tpu.memory_space<vmem>> -> memref<8xi32, #tpu.memory_space<vmem>>
    %dma_start3A_291 = arith.constant 0 : i32
    %dma_start3A_292 = arith.constant 0 : i32
    %dma_start3A_293 = tpu.memref_slice %arg3[%dma_start3A_291, %dma_start3A_292] : memref<100000x2048xf32, #tpu.memory_space<hbm>> -> memref<100000x2048xf32, #tpu.memory_space<hbm>>
    tpu.enqueue_indirect_dma source(%dma_start3A_293 : memref<100000x2048xf32, #tpu.memory_space<hbm>>) target(%arg8 : memref<8x2048xf32, #tpu.memory_space<vmem>>) offsets(%dma_start3A_290 : memref<8xi32, #tpu.memory_space<vmem>>) semaphore(%arg14 : memref<!tpu.dma_semaphore, #tpu.memory_space<semaphore_mem>>)
    %dma_wait3A_294 = arith.constant 80 : i32
    %dma_wait3A_295 = tpu.memref_slice %arg5[%dma_wait3A_294] : memref<256xi32, #tpu.memory_space<vmem>> -> memref<8xi32, #tpu.memory_space<vmem>>
    %dma_wait3A_296 = arith.constant 0 : i32
    %dma_wait3A_297 = arith.constant 0 : i32
    %dma_wait3A_298 = tpu.memref_slice %arg3[%dma_wait3A_296, %dma_wait3A_297] : memref<100000x2048xf32, #tpu.memory_space<hbm>> -> memref<100000x2048xf32, #tpu.memory_space<hbm>>
    tpu.wait_indirect_dma semaphore(%arg16 : memref<!tpu.dma_semaphore, #tpu.memory_space<semaphore_mem>>) src(%dma_wait3A_298 : memref<100000x2048xf32, #tpu.memory_space<hbm>>) dst(%arg10 : memref<8x2048xf32, #tpu.memory_space<vmem>>)
    %add3A_299 = arith.constant 80 : i32
    %add3A_300 = arith.addi %mul3A_32, %add3A_299 : i32
    %dma_start3A_301 = arith.constant 0 : i32
    %dma_start3A_302 = tpu.memref_slice %arg4[%select_n3A, %add3A_300, %dma_start3A_301] : memref<2x4096x2048xf32, #tpu.memory_space<hbm>> -> memref<1x8x2048xf32, #tpu.memory_space<hbm>>
    %dma_start3A_303 = tpu.memref_squeeze %dma_start3A_302 : memref<1x8x2048xf32, #tpu.memory_space<hbm>> -> memref<8x2048xf32, #tpu.memory_space<hbm>>
    %dma_start3A_304 = arith.constant 0 : i32
    %dma_start3A_305 = tpu.memref_slice %arg4[%select_n3A, %add3A_300, %dma_start3A_304] : memref<2x4096x2048xf32, #tpu.memory_space<hbm>> -> memref<1x8x2048xf32, #tpu.memory_space<hbm>>
    %dma_start3A_306 = tpu.memref_squeeze %dma_start3A_305 : memref<1x8x2048xf32, #tpu.memory_space<hbm>> -> memref<8x2048xf32, #tpu.memory_space<hbm>>
    tpu.enqueue_dma source(%arg10 : memref<8x2048xf32, #tpu.memory_space<vmem>>) target(%dma_start3A_306 : memref<8x2048xf32, #tpu.memory_space<hbm>>) target_semaphore(%arg22 : memref<!tpu.dma_semaphore, #tpu.memory_space<semaphore_mem>>)
    %dma_wait3A_307 = arith.constant 0 : i32
    %dma_wait3A_308 = tpu.memref_slice %arg4[%select_n3A, %add3A_276, %dma_wait3A_307] : memref<2x4096x2048xf32, #tpu.memory_space<hbm>> -> memref<1x8x2048xf32, #tpu.memory_space<hbm>>
    %dma_wait3A_309 = tpu.memref_squeeze %dma_wait3A_308 : memref<1x8x2048xf32, #tpu.memory_space<hbm>> -> memref<8x2048xf32, #tpu.memory_space<hbm>>
    %dma_wait3A_310 = arith.constant 0 : i32
    %dma_wait3A_311 = tpu.memref_slice %arg4[%select_n3A, %add3A_276, %dma_wait3A_310] : memref<2x4096x2048xf32, #tpu.memory_space<hbm>> -> memref<1x8x2048xf32, #tpu.memory_space<hbm>>
    %dma_wait3A_312 = tpu.memref_squeeze %dma_wait3A_311 : memref<1x8x2048xf32, #tpu.memory_space<hbm>> -> memref<8x2048xf32, #tpu.memory_space<hbm>>
    tpu.wait_dma2 semaphore(%arg21 : memref<!tpu.dma_semaphore, #tpu.memory_space<semaphore_mem>>) src(%arg9 : memref<8x2048xf32, #tpu.memory_space<vmem>>) dst(%dma_wait3A_312 : memref<8x2048xf32, #tpu.memory_space<hbm>>)
    %dma_start3A_313 = arith.constant 120 : i32
    %dma_start3A_314 = tpu.memref_slice %arg5[%dma_start3A_313] : memref<256xi32, #tpu.memory_space<vmem>> -> memref<8xi32, #tpu.memory_space<vmem>>
    %dma_start3A_315 = arith.constant 0 : i32
    %dma_start3A_316 = arith.constant 0 : i32
    %dma_start3A_317 = tpu.memref_slice %arg3[%dma_start3A_315, %dma_start3A_316] : memref<100000x2048xf32, #tpu.memory_space<hbm>> -> memref<100000x2048xf32, #tpu.memory_space<hbm>>
    tpu.enqueue_indirect_dma source(%dma_start3A_317 : memref<100000x2048xf32, #tpu.memory_space<hbm>>) target(%arg9 : memref<8x2048xf32, #tpu.memory_space<vmem>>) offsets(%dma_start3A_314 : memref<8xi32, #tpu.memory_space<vmem>>) semaphore(%arg15 : memref<!tpu.dma_semaphore, #tpu.memory_space<semaphore_mem>>)
    %dma_wait3A_318 = arith.constant 88 : i32
    %dma_wait3A_319 = tpu.memref_slice %arg5[%dma_wait3A_318] : memref<256xi32, #tpu.memory_space<vmem>> -> memref<8xi32, #tpu.memory_space<vmem>>
    %dma_wait3A_320 = arith.constant 0 : i32
    %dma_wait3A_321 = arith.constant 0 : i32
    %dma_wait3A_322 = tpu.memref_slice %arg3[%dma_wait3A_320, %dma_wait3A_321] : memref<100000x2048xf32, #tpu.memory_space<hbm>> -> memref<100000x2048xf32, #tpu.memory_space<hbm>>
    tpu.wait_indirect_dma semaphore(%arg17 : memref<!tpu.dma_semaphore, #tpu.memory_space<semaphore_mem>>) src(%dma_wait3A_322 : memref<100000x2048xf32, #tpu.memory_space<hbm>>) dst(%arg11 : memref<8x2048xf32, #tpu.memory_space<vmem>>)
    %add3A_323 = arith.constant 88 : i32
    %add3A_324 = arith.addi %mul3A_32, %add3A_323 : i32
    %dma_start3A_325 = arith.constant 0 : i32
    %dma_start3A_326 = tpu.memref_slice %arg4[%select_n3A, %add3A_324, %dma_start3A_325] : memref<2x4096x2048xf32, #tpu.memory_space<hbm>> -> memref<1x8x2048xf32, #tpu.memory_space<hbm>>
    %dma_start3A_327 = tpu.memref_squeeze %dma_start3A_326 : memref<1x8x2048xf32, #tpu.memory_space<hbm>> -> memref<8x2048xf32, #tpu.memory_space<hbm>>
    %dma_start3A_328 = arith.constant 0 : i32
    %dma_start3A_329 = tpu.memref_slice %arg4[%select_n3A, %add3A_324, %dma_start3A_328] : memref<2x4096x2048xf32, #tpu.memory_space<hbm>> -> memref<1x8x2048xf32, #tpu.memory_space<hbm>>
    %dma_start3A_330 = tpu.memref_squeeze %dma_start3A_329 : memref<1x8x2048xf32, #tpu.memory_space<hbm>> -> memref<8x2048xf32, #tpu.memory_space<hbm>>
    tpu.enqueue_dma source(%arg11 : memref<8x2048xf32, #tpu.memory_space<vmem>>) target(%dma_start3A_330 : memref<8x2048xf32, #tpu.memory_space<hbm>>) target_semaphore(%arg23 : memref<!tpu.dma_semaphore, #tpu.memory_space<semaphore_mem>>)
    %dma_wait3A_331 = arith.constant 0 : i32
    %dma_wait3A_332 = tpu.memref_slice %arg4[%select_n3A, %add3A_300, %dma_wait3A_331] : memref<2x4096x2048xf32, #tpu.memory_space<hbm>> -> memref<1x8x2048xf32, #tpu.memory_space<hbm>>
    %dma_wait3A_333 = tpu.memref_squeeze %dma_wait3A_332 : memref<1x8x2048xf32, #tpu.memory_space<hbm>> -> memref<8x2048xf32, #tpu.memory_space<hbm>>
    %dma_wait3A_334 = arith.constant 0 : i32
    %dma_wait3A_335 = tpu.memref_slice %arg4[%select_n3A, %add3A_300, %dma_wait3A_334] : memref<2x4096x2048xf32, #tpu.memory_space<hbm>> -> memref<1x8x2048xf32, #tpu.memory_space<hbm>>
    %dma_wait3A_336 = tpu.memref_squeeze %dma_wait3A_335 : memref<1x8x2048xf32, #tpu.memory_space<hbm>> -> memref<8x2048xf32, #tpu.memory_space<hbm>>
    tpu.wait_dma2 semaphore(%arg22 : memref<!tpu.dma_semaphore, #tpu.memory_space<semaphore_mem>>) src(%arg10 : memref<8x2048xf32, #tpu.memory_space<vmem>>) dst(%dma_wait3A_336 : memref<8x2048xf32, #tpu.memory_space<hbm>>)
    %dma_start3A_337 = arith.constant 128 : i32
    %dma_start3A_338 = tpu.memref_slice %arg5[%dma_start3A_337] : memref<256xi32, #tpu.memory_space<vmem>> -> memref<8xi32, #tpu.memory_space<vmem>>
    %dma_start3A_339 = arith.constant 0 : i32
    %dma_start3A_340 = arith.constant 0 : i32
    %dma_start3A_341 = tpu.memref_slice %arg3[%dma_start3A_339, %dma_start3A_340] : memref<100000x2048xf32, #tpu.memory_space<hbm>> -> memref<100000x2048xf32, #tpu.memory_space<hbm>>
    tpu.enqueue_indirect_dma source(%dma_start3A_341 : memref<100000x2048xf32, #tpu.memory_space<hbm>>) target(%arg10 : memref<8x2048xf32, #tpu.memory_space<vmem>>) offsets(%dma_start3A_338 : memref<8xi32, #tpu.memory_space<vmem>>) semaphore(%arg16 : memref<!tpu.dma_semaphore, #tpu.memory_space<semaphore_mem>>)
    %dma_wait3A_342 = arith.constant 96 : i32
    %dma_wait3A_343 = tpu.memref_slice %arg5[%dma_wait3A_342] : memref<256xi32, #tpu.memory_space<vmem>> -> memref<8xi32, #tpu.memory_space<vmem>>
    %dma_wait3A_344 = arith.constant 0 : i32
    %dma_wait3A_345 = arith.constant 0 : i32
    %dma_wait3A_346 = tpu.memref_slice %arg3[%dma_wait3A_344, %dma_wait3A_345] : memref<100000x2048xf32, #tpu.memory_space<hbm>> -> memref<100000x2048xf32, #tpu.memory_space<hbm>>
    tpu.wait_indirect_dma semaphore(%arg12 : memref<!tpu.dma_semaphore, #tpu.memory_space<semaphore_mem>>) src(%dma_wait3A_346 : memref<100000x2048xf32, #tpu.memory_space<hbm>>) dst(%arg6 : memref<8x2048xf32, #tpu.memory_space<vmem>>)
    %add3A_347 = arith.constant 96 : i32
    %add3A_348 = arith.addi %mul3A_32, %add3A_347 : i32
    %dma_start3A_349 = arith.constant 0 : i32
    %dma_start3A_350 = tpu.memref_slice %arg4[%select_n3A, %add3A_348, %dma_start3A_349] : memref<2x4096x2048xf32, #tpu.memory_space<hbm>> -> memref<1x8x2048xf32, #tpu.memory_space<hbm>>
    %dma_start3A_351 = tpu.memref_squeeze %dma_start3A_350 : memref<1x8x2048xf32, #tpu.memory_space<hbm>> -> memref<8x2048xf32, #tpu.memory_space<hbm>>
    %dma_start3A_352 = arith.constant 0 : i32
    %dma_start3A_353 = tpu.memref_slice %arg4[%select_n3A, %add3A_348, %dma_start3A_352] : memref<2x4096x2048xf32, #tpu.memory_space<hbm>> -> memref<1x8x2048xf32, #tpu.memory_space<hbm>>
    %dma_start3A_354 = tpu.memref_squeeze %dma_start3A_353 : memref<1x8x2048xf32, #tpu.memory_space<hbm>> -> memref<8x2048xf32, #tpu.memory_space<hbm>>
    tpu.enqueue_dma source(%arg6 : memref<8x2048xf32, #tpu.memory_space<vmem>>) target(%dma_start3A_354 : memref<8x2048xf32, #tpu.memory_space<hbm>>) target_semaphore(%arg18 : memref<!tpu.dma_semaphore, #tpu.memory_space<semaphore_mem>>)
    %dma_wait3A_355 = arith.constant 0 : i32
    %dma_wait3A_356 = tpu.memref_slice %arg4[%select_n3A, %add3A_324, %dma_wait3A_355] : memref<2x4096x2048xf32, #tpu.memory_space<hbm>> -> memref<1x8x2048xf32, #tpu.memory_space<hbm>>
    %dma_wait3A_357 = tpu.memref_squeeze %dma_wait3A_356 : memref<1x8x2048xf32, #tpu.memory_space<hbm>> -> memref<8x2048xf32, #tpu.memory_space<hbm>>
    %dma_wait3A_358 = arith.constant 0 : i32
    %dma_wait3A_359 = tpu.memref_slice %arg4[%select_n3A, %add3A_324, %dma_wait3A_358] : memref<2x4096x2048xf32, #tpu.memory_space<hbm>> -> memref<1x8x2048xf32, #tpu.memory_space<hbm>>
    %dma_wait3A_360 = tpu.memref_squeeze %dma_wait3A_359 : memref<1x8x2048xf32, #tpu.memory_space<hbm>> -> memref<8x2048xf32, #tpu.memory_space<hbm>>
    tpu.wait_dma2 semaphore(%arg23 : memref<!tpu.dma_semaphore, #tpu.memory_space<semaphore_mem>>) src(%arg11 : memref<8x2048xf32, #tpu.memory_space<vmem>>) dst(%dma_wait3A_360 : memref<8x2048xf32, #tpu.memory_space<hbm>>)
    %dma_start3A_361 = arith.constant 136 : i32
    %dma_start3A_362 = tpu.memref_slice %arg5[%dma_start3A_361] : memref<256xi32, #tpu.memory_space<vmem>> -> memref<8xi32, #tpu.memory_space<vmem>>
    %dma_start3A_363 = arith.constant 0 : i32
    %dma_start3A_364 = arith.constant 0 : i32
    %dma_start3A_365 = tpu.memref_slice %arg3[%dma_start3A_363, %dma_start3A_364] : memref<100000x2048xf32, #tpu.memory_space<hbm>> -> memref<100000x2048xf32, #tpu.memory_space<hbm>>
    tpu.enqueue_indirect_dma source(%dma_start3A_365 : memref<100000x2048xf32, #tpu.memory_space<hbm>>) target(%arg11 : memref<8x2048xf32, #tpu.memory_space<vmem>>) offsets(%dma_start3A_362 : memref<8xi32, #tpu.memory_space<vmem>>) semaphore(%arg17 : memref<!tpu.dma_semaphore, #tpu.memory_space<semaphore_mem>>)
    %dma_wait3A_366 = arith.constant 104 : i32
    %dma_wait3A_367 = tpu.memref_slice %arg5[%dma_wait3A_366] : memref<256xi32, #tpu.memory_space<vmem>> -> memref<8xi32, #tpu.memory_space<vmem>>
    %dma_wait3A_368 = arith.constant 0 : i32
    %dma_wait3A_369 = arith.constant 0 : i32
    %dma_wait3A_370 = tpu.memref_slice %arg3[%dma_wait3A_368, %dma_wait3A_369] : memref<100000x2048xf32, #tpu.memory_space<hbm>> -> memref<100000x2048xf32, #tpu.memory_space<hbm>>
    tpu.wait_indirect_dma semaphore(%arg13 : memref<!tpu.dma_semaphore, #tpu.memory_space<semaphore_mem>>) src(%dma_wait3A_370 : memref<100000x2048xf32, #tpu.memory_space<hbm>>) dst(%arg7 : memref<8x2048xf32, #tpu.memory_space<vmem>>)
    %add3A_371 = arith.constant 104 : i32
    %add3A_372 = arith.addi %mul3A_32, %add3A_371 : i32
    %dma_start3A_373 = arith.constant 0 : i32
    %dma_start3A_374 = tpu.memref_slice %arg4[%select_n3A, %add3A_372, %dma_start3A_373] : memref<2x4096x2048xf32, #tpu.memory_space<hbm>> -> memref<1x8x2048xf32, #tpu.memory_space<hbm>>
    %dma_start3A_375 = tpu.memref_squeeze %dma_start3A_374 : memref<1x8x2048xf32, #tpu.memory_space<hbm>> -> memref<8x2048xf32, #tpu.memory_space<hbm>>
    %dma_start3A_376 = arith.constant 0 : i32
    %dma_start3A_377 = tpu.memref_slice %arg4[%select_n3A, %add3A_372, %dma_start3A_376] : memref<2x4096x2048xf32, #tpu.memory_space<hbm>> -> memref<1x8x2048xf32, #tpu.memory_space<hbm>>
    %dma_start3A_378 = tpu.memref_squeeze %dma_start3A_377 : memref<1x8x2048xf32, #tpu.memory_space<hbm>> -> memref<8x2048xf32, #tpu.memory_space<hbm>>
    tpu.enqueue_dma source(%arg7 : memref<8x2048xf32, #tpu.memory_space<vmem>>) target(%dma_start3A_378 : memref<8x2048xf32, #tpu.memory_space<hbm>>) target_semaphore(%arg19 : memref<!tpu.dma_semaphore, #tpu.memory_space<semaphore_mem>>)
    %dma_wait3A_379 = arith.constant 0 : i32
    %dma_wait3A_380 = tpu.memref_slice %arg4[%select_n3A, %add3A_348, %dma_wait3A_379] : memref<2x4096x2048xf32, #tpu.memory_space<hbm>> -> memref<1x8x2048xf32, #tpu.memory_space<hbm>>
    %dma_wait3A_381 = tpu.memref_squeeze %dma_wait3A_380 : memref<1x8x2048xf32, #tpu.memory_space<hbm>> -> memref<8x2048xf32, #tpu.memory_space<hbm>>
    %dma_wait3A_382 = arith.constant 0 : i32
    %dma_wait3A_383 = tpu.memref_slice %arg4[%select_n3A, %add3A_348, %dma_wait3A_382] : memref<2x4096x2048xf32, #tpu.memory_space<hbm>> -> memref<1x8x2048xf32, #tpu.memory_space<hbm>>
    %dma_wait3A_384 = tpu.memref_squeeze %dma_wait3A_383 : memref<1x8x2048xf32, #tpu.memory_space<hbm>> -> memref<8x2048xf32, #tpu.memory_space<hbm>>
    tpu.wait_dma2 semaphore(%arg18 : memref<!tpu.dma_semaphore, #tpu.memory_space<semaphore_mem>>) src(%arg6 : memref<8x2048xf32, #tpu.memory_space<vmem>>) dst(%dma_wait3A_384 : memref<8x2048xf32, #tpu.memory_space<hbm>>)
    %dma_start3A_385 = arith.constant 144 : i32
    %dma_start3A_386 = tpu.memref_slice %arg5[%dma_start3A_385] : memref<256xi32, #tpu.memory_space<vmem>> -> memref<8xi32, #tpu.memory_space<vmem>>
    %dma_start3A_387 = arith.constant 0 : i32
    %dma_start3A_388 = arith.constant 0 : i32
    %dma_start3A_389 = tpu.memref_slice %arg3[%dma_start3A_387, %dma_start3A_388] : memref<100000x2048xf32, #tpu.memory_space<hbm>> -> memref<100000x2048xf32, #tpu.memory_space<hbm>>
    tpu.enqueue_indirect_dma source(%dma_start3A_389 : memref<100000x2048xf32, #tpu.memory_space<hbm>>) target(%arg6 : memref<8x2048xf32, #tpu.memory_space<vmem>>) offsets(%dma_start3A_386 : memref<8xi32, #tpu.memory_space<vmem>>) semaphore(%arg12 : memref<!tpu.dma_semaphore, #tpu.memory_space<semaphore_mem>>)
    %dma_wait3A_390 = arith.constant 112 : i32
    %dma_wait3A_391 = tpu.memref_slice %arg5[%dma_wait3A_390] : memref<256xi32, #tpu.memory_space<vmem>> -> memref<8xi32, #tpu.memory_space<vmem>>
    %dma_wait3A_392 = arith.constant 0 : i32
    %dma_wait3A_393 = arith.constant 0 : i32
    %dma_wait3A_394 = tpu.memref_slice %arg3[%dma_wait3A_392, %dma_wait3A_393] : memref<100000x2048xf32, #tpu.memory_space<hbm>> -> memref<100000x2048xf32, #tpu.memory_space<hbm>>
    tpu.wait_indirect_dma semaphore(%arg14 : memref<!tpu.dma_semaphore, #tpu.memory_space<semaphore_mem>>) src(%dma_wait3A_394 : memref<100000x2048xf32, #tpu.memory_space<hbm>>) dst(%arg8 : memref<8x2048xf32, #tpu.memory_space<vmem>>)
    %add3A_395 = arith.constant 112 : i32
    %add3A_396 = arith.addi %mul3A_32, %add3A_395 : i32
    %dma_start3A_397 = arith.constant 0 : i32
    %dma_start3A_398 = tpu.memref_slice %arg4[%select_n3A, %add3A_396, %dma_start3A_397] : memref<2x4096x2048xf32, #tpu.memory_space<hbm>> -> memref<1x8x2048xf32, #tpu.memory_space<hbm>>
    %dma_start3A_399 = tpu.memref_squeeze %dma_start3A_398 : memref<1x8x2048xf32, #tpu.memory_space<hbm>> -> memref<8x2048xf32, #tpu.memory_space<hbm>>
    %dma_start3A_400 = arith.constant 0 : i32
    %dma_start3A_401 = tpu.memref_slice %arg4[%select_n3A, %add3A_396, %dma_start3A_400] : memref<2x4096x2048xf32, #tpu.memory_space<hbm>> -> memref<1x8x2048xf32, #tpu.memory_space<hbm>>
    %dma_start3A_402 = tpu.memref_squeeze %dma_start3A_401 : memref<1x8x2048xf32, #tpu.memory_space<hbm>> -> memref<8x2048xf32, #tpu.memory_space<hbm>>
    tpu.enqueue_dma source(%arg8 : memref<8x2048xf32, #tpu.memory_space<vmem>>) target(%dma_start3A_402 : memref<8x2048xf32, #tpu.memory_space<hbm>>) target_semaphore(%arg20 : memref<!tpu.dma_semaphore, #tpu.memory_space<semaphore_mem>>)
    %dma_wait3A_403 = arith.constant 0 : i32
    %dma_wait3A_404 = tpu.memref_slice %arg4[%select_n3A, %add3A_372, %dma_wait3A_403] : memref<2x4096x2048xf32, #tpu.memory_space<hbm>> -> memref<1x8x2048xf32, #tpu.memory_space<hbm>>
    %dma_wait3A_405 = tpu.memref_squeeze %dma_wait3A_404 : memref<1x8x2048xf32, #tpu.memory_space<hbm>> -> memref<8x2048xf32, #tpu.memory_space<hbm>>
    %dma_wait3A_406 = arith.constant 0 : i32
    %dma_wait3A_407 = tpu.memref_slice %arg4[%select_n3A, %add3A_372, %dma_wait3A_406] : memref<2x4096x2048xf32, #tpu.memory_space<hbm>> -> memref<1x8x2048xf32, #tpu.memory_space<hbm>>
    %dma_wait3A_408 = tpu.memref_squeeze %dma_wait3A_407 : memref<1x8x2048xf32, #tpu.memory_space<hbm>> -> memref<8x2048xf32, #tpu.memory_space<hbm>>
    tpu.wait_dma2 semaphore(%arg19 : memref<!tpu.dma_semaphore, #tpu.memory_space<semaphore_mem>>) src(%arg7 : memref<8x2048xf32, #tpu.memory_space<vmem>>) dst(%dma_wait3A_408 : memref<8x2048xf32, #tpu.memory_space<hbm>>)
    %dma_start3A_409 = arith.constant 152 : i32
    %dma_start3A_410 = tpu.memref_slice %arg5[%dma_start3A_409] : memref<256xi32, #tpu.memory_space<vmem>> -> memref<8xi32, #tpu.memory_space<vmem>>
    %dma_start3A_411 = arith.constant 0 : i32
    %dma_start3A_412 = arith.constant 0 : i32
    %dma_start3A_413 = tpu.memref_slice %arg3[%dma_start3A_411, %dma_start3A_412] : memref<100000x2048xf32, #tpu.memory_space<hbm>> -> memref<100000x2048xf32, #tpu.memory_space<hbm>>
    tpu.enqueue_indirect_dma source(%dma_start3A_413 : memref<100000x2048xf32, #tpu.memory_space<hbm>>) target(%arg7 : memref<8x2048xf32, #tpu.memory_space<vmem>>) offsets(%dma_start3A_410 : memref<8xi32, #tpu.memory_space<vmem>>) semaphore(%arg13 : memref<!tpu.dma_semaphore, #tpu.memory_space<semaphore_mem>>)
    %dma_wait3A_414 = arith.constant 120 : i32
    %dma_wait3A_415 = tpu.memref_slice %arg5[%dma_wait3A_414] : memref<256xi32, #tpu.memory_space<vmem>> -> memref<8xi32, #tpu.memory_space<vmem>>
    %dma_wait3A_416 = arith.constant 0 : i32
    %dma_wait3A_417 = arith.constant 0 : i32
    %dma_wait3A_418 = tpu.memref_slice %arg3[%dma_wait3A_416, %dma_wait3A_417] : memref<100000x2048xf32, #tpu.memory_space<hbm>> -> memref<100000x2048xf32, #tpu.memory_space<hbm>>
    tpu.wait_indirect_dma semaphore(%arg15 : memref<!tpu.dma_semaphore, #tpu.memory_space<semaphore_mem>>) src(%dma_wait3A_418 : memref<100000x2048xf32, #tpu.memory_space<hbm>>) dst(%arg9 : memref<8x2048xf32, #tpu.memory_space<vmem>>)
    %add3A_419 = arith.constant 120 : i32
    %add3A_420 = arith.addi %mul3A_32, %add3A_419 : i32
    %dma_start3A_421 = arith.constant 0 : i32
    %dma_start3A_422 = tpu.memref_slice %arg4[%select_n3A, %add3A_420, %dma_start3A_421] : memref<2x4096x2048xf32, #tpu.memory_space<hbm>> -> memref<1x8x2048xf32, #tpu.memory_space<hbm>>
    %dma_start3A_423 = tpu.memref_squeeze %dma_start3A_422 : memref<1x8x2048xf32, #tpu.memory_space<hbm>> -> memref<8x2048xf32, #tpu.memory_space<hbm>>
    %dma_start3A_424 = arith.constant 0 : i32
    %dma_start3A_425 = tpu.memref_slice %arg4[%select_n3A, %add3A_420, %dma_start3A_424] : memref<2x4096x2048xf32, #tpu.memory_space<hbm>> -> memref<1x8x2048xf32, #tpu.memory_space<hbm>>
    %dma_start3A_426 = tpu.memref_squeeze %dma_start3A_425 : memref<1x8x2048xf32, #tpu.memory_space<hbm>> -> memref<8x2048xf32, #tpu.memory_space<hbm>>
    tpu.enqueue_dma source(%arg9 : memref<8x2048xf32, #tpu.memory_space<vmem>>) target(%dma_start3A_426 : memref<8x2048xf32, #tpu.memory_space<hbm>>) target_semaphore(%arg21 : memref<!tpu.dma_semaphore, #tpu.memory_space<semaphore_mem>>)
    %dma_wait3A_427 = arith.constant 0 : i32
    %dma_wait3A_428 = tpu.memref_slice %arg4[%select_n3A, %add3A_396, %dma_wait3A_427] : memref<2x4096x2048xf32, #tpu.memory_space<hbm>> -> memref<1x8x2048xf32, #tpu.memory_space<hbm>>
    %dma_wait3A_429 = tpu.memref_squeeze %dma_wait3A_428 : memref<1x8x2048xf32, #tpu.memory_space<hbm>> -> memref<8x2048xf32, #tpu.memory_space<hbm>>
    %dma_wait3A_430 = arith.constant 0 : i32
    %dma_wait3A_431 = tpu.memref_slice %arg4[%select_n3A, %add3A_396, %dma_wait3A_430] : memref<2x4096x2048xf32, #tpu.memory_space<hbm>> -> memref<1x8x2048xf32, #tpu.memory_space<hbm>>
    %dma_wait3A_432 = tpu.memref_squeeze %dma_wait3A_431 : memref<1x8x2048xf32, #tpu.memory_space<hbm>> -> memref<8x2048xf32, #tpu.memory_space<hbm>>
    tpu.wait_dma2 semaphore(%arg20 : memref<!tpu.dma_semaphore, #tpu.memory_space<semaphore_mem>>) src(%arg8 : memref<8x2048xf32, #tpu.memory_space<vmem>>) dst(%dma_wait3A_432 : memref<8x2048xf32, #tpu.memory_space<hbm>>)
    %dma_start3A_433 = arith.constant 160 : i32
    %dma_start3A_434 = tpu.memref_slice %arg5[%dma_start3A_433] : memref<256xi32, #tpu.memory_space<vmem>> -> memref<8xi32, #tpu.memory_space<vmem>>
    %dma_start3A_435 = arith.constant 0 : i32
    %dma_start3A_436 = arith.constant 0 : i32
    %dma_start3A_437 = tpu.memref_slice %arg3[%dma_start3A_435, %dma_start3A_436] : memref<100000x2048xf32, #tpu.memory_space<hbm>> -> memref<100000x2048xf32, #tpu.memory_space<hbm>>
    tpu.enqueue_indirect_dma source(%dma_start3A_437 : memref<100000x2048xf32, #tpu.memory_space<hbm>>) target(%arg8 : memref<8x2048xf32, #tpu.memory_space<vmem>>) offsets(%dma_start3A_434 : memref<8xi32, #tpu.memory_space<vmem>>) semaphore(%arg14 : memref<!tpu.dma_semaphore, #tpu.memory_space<semaphore_mem>>)
    %dma_wait3A_438 = arith.constant 128 : i32
    %dma_wait3A_439 = tpu.memref_slice %arg5[%dma_wait3A_438] : memref<256xi32, #tpu.memory_space<vmem>> -> memref<8xi32, #tpu.memory_space<vmem>>
    %dma_wait3A_440 = arith.constant 0 : i32
    %dma_wait3A_441 = arith.constant 0 : i32
    %dma_wait3A_442 = tpu.memref_slice %arg3[%dma_wait3A_440, %dma_wait3A_441] : memref<100000x2048xf32, #tpu.memory_space<hbm>> -> memref<100000x2048xf32, #tpu.memory_space<hbm>>
    tpu.wait_indirect_dma semaphore(%arg16 : memref<!tpu.dma_semaphore, #tpu.memory_space<semaphore_mem>>) src(%dma_wait3A_442 : memref<100000x2048xf32, #tpu.memory_space<hbm>>) dst(%arg10 : memref<8x2048xf32, #tpu.memory_space<vmem>>)
    %add3A_443 = arith.constant 128 : i32
    %add3A_444 = arith.addi %mul3A_32, %add3A_443 : i32
    %dma_start3A_445 = arith.constant 0 : i32
    %dma_start3A_446 = tpu.memref_slice %arg4[%select_n3A, %add3A_444, %dma_start3A_445] : memref<2x4096x2048xf32, #tpu.memory_space<hbm>> -> memref<1x8x2048xf32, #tpu.memory_space<hbm>>
    %dma_start3A_447 = tpu.memref_squeeze %dma_start3A_446 : memref<1x8x2048xf32, #tpu.memory_space<hbm>> -> memref<8x2048xf32, #tpu.memory_space<hbm>>
    %dma_start3A_448 = arith.constant 0 : i32
    %dma_start3A_449 = tpu.memref_slice %arg4[%select_n3A, %add3A_444, %dma_start3A_448] : memref<2x4096x2048xf32, #tpu.memory_space<hbm>> -> memref<1x8x2048xf32, #tpu.memory_space<hbm>>
    %dma_start3A_450 = tpu.memref_squeeze %dma_start3A_449 : memref<1x8x2048xf32, #tpu.memory_space<hbm>> -> memref<8x2048xf32, #tpu.memory_space<hbm>>
    tpu.enqueue_dma source(%arg10 : memref<8x2048xf32, #tpu.memory_space<vmem>>) target(%dma_start3A_450 : memref<8x2048xf32, #tpu.memory_space<hbm>>) target_semaphore(%arg22 : memref<!tpu.dma_semaphore, #tpu.memory_space<semaphore_mem>>)
    %dma_wait3A_451 = arith.constant 0 : i32
    %dma_wait3A_452 = tpu.memref_slice %arg4[%select_n3A, %add3A_420, %dma_wait3A_451] : memref<2x4096x2048xf32, #tpu.memory_space<hbm>> -> memref<1x8x2048xf32, #tpu.memory_space<hbm>>
    %dma_wait3A_453 = tpu.memref_squeeze %dma_wait3A_452 : memref<1x8x2048xf32, #tpu.memory_space<hbm>> -> memref<8x2048xf32, #tpu.memory_space<hbm>>
    %dma_wait3A_454 = arith.constant 0 : i32
    %dma_wait3A_455 = tpu.memref_slice %arg4[%select_n3A, %add3A_420, %dma_wait3A_454] : memref<2x4096x2048xf32, #tpu.memory_space<hbm>> -> memref<1x8x2048xf32, #tpu.memory_space<hbm>>
    %dma_wait3A_456 = tpu.memref_squeeze %dma_wait3A_455 : memref<1x8x2048xf32, #tpu.memory_space<hbm>> -> memref<8x2048xf32, #tpu.memory_space<hbm>>
    tpu.wait_dma2 semaphore(%arg21 : memref<!tpu.dma_semaphore, #tpu.memory_space<semaphore_mem>>) src(%arg9 : memref<8x2048xf32, #tpu.memory_space<vmem>>) dst(%dma_wait3A_456 : memref<8x2048xf32, #tpu.memory_space<hbm>>)
    %dma_start3A_457 = arith.constant 168 : i32
    %dma_start3A_458 = tpu.memref_slice %arg5[%dma_start3A_457] : memref<256xi32, #tpu.memory_space<vmem>> -> memref<8xi32, #tpu.memory_space<vmem>>
    %dma_start3A_459 = arith.constant 0 : i32
    %dma_start3A_460 = arith.constant 0 : i32
    %dma_start3A_461 = tpu.memref_slice %arg3[%dma_start3A_459, %dma_start3A_460] : memref<100000x2048xf32, #tpu.memory_space<hbm>> -> memref<100000x2048xf32, #tpu.memory_space<hbm>>
    tpu.enqueue_indirect_dma source(%dma_start3A_461 : memref<100000x2048xf32, #tpu.memory_space<hbm>>) target(%arg9 : memref<8x2048xf32, #tpu.memory_space<vmem>>) offsets(%dma_start3A_458 : memref<8xi32, #tpu.memory_space<vmem>>) semaphore(%arg15 : memref<!tpu.dma_semaphore, #tpu.memory_space<semaphore_mem>>)
    %dma_wait3A_462 = arith.constant 136 : i32
    %dma_wait3A_463 = tpu.memref_slice %arg5[%dma_wait3A_462] : memref<256xi32, #tpu.memory_space<vmem>> -> memref<8xi32, #tpu.memory_space<vmem>>
    %dma_wait3A_464 = arith.constant 0 : i32
    %dma_wait3A_465 = arith.constant 0 : i32
    %dma_wait3A_466 = tpu.memref_slice %arg3[%dma_wait3A_464, %dma_wait3A_465] : memref<100000x2048xf32, #tpu.memory_space<hbm>> -> memref<100000x2048xf32, #tpu.memory_space<hbm>>
    tpu.wait_indirect_dma semaphore(%arg17 : memref<!tpu.dma_semaphore, #tpu.memory_space<semaphore_mem>>) src(%dma_wait3A_466 : memref<100000x2048xf32, #tpu.memory_space<hbm>>) dst(%arg11 : memref<8x2048xf32, #tpu.memory_space<vmem>>)
    %add3A_467 = arith.constant 136 : i32
    %add3A_468 = arith.addi %mul3A_32, %add3A_467 : i32
    %dma_start3A_469 = arith.constant 0 : i32
    %dma_start3A_470 = tpu.memref_slice %arg4[%select_n3A, %add3A_468, %dma_start3A_469] : memref<2x4096x2048xf32, #tpu.memory_space<hbm>> -> memref<1x8x2048xf32, #tpu.memory_space<hbm>>
    %dma_start3A_471 = tpu.memref_squeeze %dma_start3A_470 : memref<1x8x2048xf32, #tpu.memory_space<hbm>> -> memref<8x2048xf32, #tpu.memory_space<hbm>>
    %dma_start3A_472 = arith.constant 0 : i32
    %dma_start3A_473 = tpu.memref_slice %arg4[%select_n3A, %add3A_468, %dma_start3A_472] : memref<2x4096x2048xf32, #tpu.memory_space<hbm>> -> memref<1x8x2048xf32, #tpu.memory_space<hbm>>
    %dma_start3A_474 = tpu.memref_squeeze %dma_start3A_473 : memref<1x8x2048xf32, #tpu.memory_space<hbm>> -> memref<8x2048xf32, #tpu.memory_space<hbm>>
    tpu.enqueue_dma source(%arg11 : memref<8x2048xf32, #tpu.memory_space<vmem>>) target(%dma_start3A_474 : memref<8x2048xf32, #tpu.memory_space<hbm>>) target_semaphore(%arg23 : memref<!tpu.dma_semaphore, #tpu.memory_space<semaphore_mem>>)
    %dma_wait3A_475 = arith.constant 0 : i32
    %dma_wait3A_476 = tpu.memref_slice %arg4[%select_n3A, %add3A_444, %dma_wait3A_475] : memref<2x4096x2048xf32, #tpu.memory_space<hbm>> -> memref<1x8x2048xf32, #tpu.memory_space<hbm>>
    %dma_wait3A_477 = tpu.memref_squeeze %dma_wait3A_476 : memref<1x8x2048xf32, #tpu.memory_space<hbm>> -> memref<8x2048xf32, #tpu.memory_space<hbm>>
    %dma_wait3A_478 = arith.constant 0 : i32
    %dma_wait3A_479 = tpu.memref_slice %arg4[%select_n3A, %add3A_444, %dma_wait3A_478] : memref<2x4096x2048xf32, #tpu.memory_space<hbm>> -> memref<1x8x2048xf32, #tpu.memory_space<hbm>>
    %dma_wait3A_480 = tpu.memref_squeeze %dma_wait3A_479 : memref<1x8x2048xf32, #tpu.memory_space<hbm>> -> memref<8x2048xf32, #tpu.memory_space<hbm>>
    tpu.wait_dma2 semaphore(%arg22 : memref<!tpu.dma_semaphore, #tpu.memory_space<semaphore_mem>>) src(%arg10 : memref<8x2048xf32, #tpu.memory_space<vmem>>) dst(%dma_wait3A_480 : memref<8x2048xf32, #tpu.memory_space<hbm>>)
    %dma_start3A_481 = arith.constant 176 : i32
    %dma_start3A_482 = tpu.memref_slice %arg5[%dma_start3A_481] : memref<256xi32, #tpu.memory_space<vmem>> -> memref<8xi32, #tpu.memory_space<vmem>>
    %dma_start3A_483 = arith.constant 0 : i32
    %dma_start3A_484 = arith.constant 0 : i32
    %dma_start3A_485 = tpu.memref_slice %arg3[%dma_start3A_483, %dma_start3A_484] : memref<100000x2048xf32, #tpu.memory_space<hbm>> -> memref<100000x2048xf32, #tpu.memory_space<hbm>>
    tpu.enqueue_indirect_dma source(%dma_start3A_485 : memref<100000x2048xf32, #tpu.memory_space<hbm>>) target(%arg10 : memref<8x2048xf32, #tpu.memory_space<vmem>>) offsets(%dma_start3A_482 : memref<8xi32, #tpu.memory_space<vmem>>) semaphore(%arg16 : memref<!tpu.dma_semaphore, #tpu.memory_space<semaphore_mem>>)
    %dma_wait3A_486 = arith.constant 144 : i32
    %dma_wait3A_487 = tpu.memref_slice %arg5[%dma_wait3A_486] : memref<256xi32, #tpu.memory_space<vmem>> -> memref<8xi32, #tpu.memory_space<vmem>>
    %dma_wait3A_488 = arith.constant 0 : i32
    %dma_wait3A_489 = arith.constant 0 : i32
    %dma_wait3A_490 = tpu.memref_slice %arg3[%dma_wait3A_488, %dma_wait3A_489] : memref<100000x2048xf32, #tpu.memory_space<hbm>> -> memref<100000x2048xf32, #tpu.memory_space<hbm>>
    tpu.wait_indirect_dma semaphore(%arg12 : memref<!tpu.dma_semaphore, #tpu.memory_space<semaphore_mem>>) src(%dma_wait3A_490 : memref<100000x2048xf32, #tpu.memory_space<hbm>>) dst(%arg6 : memref<8x2048xf32, #tpu.memory_space<vmem>>)
    %add3A_491 = arith.constant 144 : i32
    %add3A_492 = arith.addi %mul3A_32, %add3A_491 : i32
    %dma_start3A_493 = arith.constant 0 : i32
    %dma_start3A_494 = tpu.memref_slice %arg4[%select_n3A, %add3A_492, %dma_start3A_493] : memref<2x4096x2048xf32, #tpu.memory_space<hbm>> -> memref<1x8x2048xf32, #tpu.memory_space<hbm>>
    %dma_start3A_495 = tpu.memref_squeeze %dma_start3A_494 : memref<1x8x2048xf32, #tpu.memory_space<hbm>> -> memref<8x2048xf32, #tpu.memory_space<hbm>>
    %dma_start3A_496 = arith.constant 0 : i32
    %dma_start3A_497 = tpu.memref_slice %arg4[%select_n3A, %add3A_492, %dma_start3A_496] : memref<2x4096x2048xf32, #tpu.memory_space<hbm>> -> memref<1x8x2048xf32, #tpu.memory_space<hbm>>
    %dma_start3A_498 = tpu.memref_squeeze %dma_start3A_497 : memref<1x8x2048xf32, #tpu.memory_space<hbm>> -> memref<8x2048xf32, #tpu.memory_space<hbm>>
    tpu.enqueue_dma source(%arg6 : memref<8x2048xf32, #tpu.memory_space<vmem>>) target(%dma_start3A_498 : memref<8x2048xf32, #tpu.memory_space<hbm>>) target_semaphore(%arg18 : memref<!tpu.dma_semaphore, #tpu.memory_space<semaphore_mem>>)
    %dma_wait3A_499 = arith.constant 0 : i32
    %dma_wait3A_500 = tpu.memref_slice %arg4[%select_n3A, %add3A_468, %dma_wait3A_499] : memref<2x4096x2048xf32, #tpu.memory_space<hbm>> -> memref<1x8x2048xf32, #tpu.memory_space<hbm>>
    %dma_wait3A_501 = tpu.memref_squeeze %dma_wait3A_500 : memref<1x8x2048xf32, #tpu.memory_space<hbm>> -> memref<8x2048xf32, #tpu.memory_space<hbm>>
    %dma_wait3A_502 = arith.constant 0 : i32
    %dma_wait3A_503 = tpu.memref_slice %arg4[%select_n3A, %add3A_468, %dma_wait3A_502] : memref<2x4096x2048xf32, #tpu.memory_space<hbm>> -> memref<1x8x2048xf32, #tpu.memory_space<hbm>>
    %dma_wait3A_504 = tpu.memref_squeeze %dma_wait3A_503 : memref<1x8x2048xf32, #tpu.memory_space<hbm>> -> memref<8x2048xf32, #tpu.memory_space<hbm>>
    tpu.wait_dma2 semaphore(%arg23 : memref<!tpu.dma_semaphore, #tpu.memory_space<semaphore_mem>>) src(%arg11 : memref<8x2048xf32, #tpu.memory_space<vmem>>) dst(%dma_wait3A_504 : memref<8x2048xf32, #tpu.memory_space<hbm>>)
    %dma_start3A_505 = arith.constant 184 : i32
    %dma_start3A_506 = tpu.memref_slice %arg5[%dma_start3A_505] : memref<256xi32, #tpu.memory_space<vmem>> -> memref<8xi32, #tpu.memory_space<vmem>>
    %dma_start3A_507 = arith.constant 0 : i32
    %dma_start3A_508 = arith.constant 0 : i32
    %dma_start3A_509 = tpu.memref_slice %arg3[%dma_start3A_507, %dma_start3A_508] : memref<100000x2048xf32, #tpu.memory_space<hbm>> -> memref<100000x2048xf32, #tpu.memory_space<hbm>>
    tpu.enqueue_indirect_dma source(%dma_start3A_509 : memref<100000x2048xf32, #tpu.memory_space<hbm>>) target(%arg11 : memref<8x2048xf32, #tpu.memory_space<vmem>>) offsets(%dma_start3A_506 : memref<8xi32, #tpu.memory_space<vmem>>) semaphore(%arg17 : memref<!tpu.dma_semaphore, #tpu.memory_space<semaphore_mem>>)
    %dma_wait3A_510 = arith.constant 152 : i32
    %dma_wait3A_511 = tpu.memref_slice %arg5[%dma_wait3A_510] : memref<256xi32, #tpu.memory_space<vmem>> -> memref<8xi32, #tpu.memory_space<vmem>>
    %dma_wait3A_512 = arith.constant 0 : i32
    %dma_wait3A_513 = arith.constant 0 : i32
    %dma_wait3A_514 = tpu.memref_slice %arg3[%dma_wait3A_512, %dma_wait3A_513] : memref<100000x2048xf32, #tpu.memory_space<hbm>> -> memref<100000x2048xf32, #tpu.memory_space<hbm>>
    tpu.wait_indirect_dma semaphore(%arg13 : memref<!tpu.dma_semaphore, #tpu.memory_space<semaphore_mem>>) src(%dma_wait3A_514 : memref<100000x2048xf32, #tpu.memory_space<hbm>>) dst(%arg7 : memref<8x2048xf32, #tpu.memory_space<vmem>>)
    %add3A_515 = arith.constant 152 : i32
    %add3A_516 = arith.addi %mul3A_32, %add3A_515 : i32
    %dma_start3A_517 = arith.constant 0 : i32
    %dma_start3A_518 = tpu.memref_slice %arg4[%select_n3A, %add3A_516, %dma_start3A_517] : memref<2x4096x2048xf32, #tpu.memory_space<hbm>> -> memref<1x8x2048xf32, #tpu.memory_space<hbm>>
    %dma_start3A_519 = tpu.memref_squeeze %dma_start3A_518 : memref<1x8x2048xf32, #tpu.memory_space<hbm>> -> memref<8x2048xf32, #tpu.memory_space<hbm>>
    %dma_start3A_520 = arith.constant 0 : i32
    %dma_start3A_521 = tpu.memref_slice %arg4[%select_n3A, %add3A_516, %dma_start3A_520] : memref<2x4096x2048xf32, #tpu.memory_space<hbm>> -> memref<1x8x2048xf32, #tpu.memory_space<hbm>>
    %dma_start3A_522 = tpu.memref_squeeze %dma_start3A_521 : memref<1x8x2048xf32, #tpu.memory_space<hbm>> -> memref<8x2048xf32, #tpu.memory_space<hbm>>
    tpu.enqueue_dma source(%arg7 : memref<8x2048xf32, #tpu.memory_space<vmem>>) target(%dma_start3A_522 : memref<8x2048xf32, #tpu.memory_space<hbm>>) target_semaphore(%arg19 : memref<!tpu.dma_semaphore, #tpu.memory_space<semaphore_mem>>)
    %dma_wait3A_523 = arith.constant 0 : i32
    %dma_wait3A_524 = tpu.memref_slice %arg4[%select_n3A, %add3A_492, %dma_wait3A_523] : memref<2x4096x2048xf32, #tpu.memory_space<hbm>> -> memref<1x8x2048xf32, #tpu.memory_space<hbm>>
    %dma_wait3A_525 = tpu.memref_squeeze %dma_wait3A_524 : memref<1x8x2048xf32, #tpu.memory_space<hbm>> -> memref<8x2048xf32, #tpu.memory_space<hbm>>
    %dma_wait3A_526 = arith.constant 0 : i32
    %dma_wait3A_527 = tpu.memref_slice %arg4[%select_n3A, %add3A_492, %dma_wait3A_526] : memref<2x4096x2048xf32, #tpu.memory_space<hbm>> -> memref<1x8x2048xf32, #tpu.memory_space<hbm>>
    %dma_wait3A_528 = tpu.memref_squeeze %dma_wait3A_527 : memref<1x8x2048xf32, #tpu.memory_space<hbm>> -> memref<8x2048xf32, #tpu.memory_space<hbm>>
    tpu.wait_dma2 semaphore(%arg18 : memref<!tpu.dma_semaphore, #tpu.memory_space<semaphore_mem>>) src(%arg6 : memref<8x2048xf32, #tpu.memory_space<vmem>>) dst(%dma_wait3A_528 : memref<8x2048xf32, #tpu.memory_space<hbm>>)
    %dma_start3A_529 = arith.constant 192 : i32
    %dma_start3A_530 = tpu.memref_slice %arg5[%dma_start3A_529] : memref<256xi32, #tpu.memory_space<vmem>> -> memref<8xi32, #tpu.memory_space<vmem>>
    %dma_start3A_531 = arith.constant 0 : i32
    %dma_start3A_532 = arith.constant 0 : i32
    %dma_start3A_533 = tpu.memref_slice %arg3[%dma_start3A_531, %dma_start3A_532] : memref<100000x2048xf32, #tpu.memory_space<hbm>> -> memref<100000x2048xf32, #tpu.memory_space<hbm>>
    tpu.enqueue_indirect_dma source(%dma_start3A_533 : memref<100000x2048xf32, #tpu.memory_space<hbm>>) target(%arg6 : memref<8x2048xf32, #tpu.memory_space<vmem>>) offsets(%dma_start3A_530 : memref<8xi32, #tpu.memory_space<vmem>>) semaphore(%arg12 : memref<!tpu.dma_semaphore, #tpu.memory_space<semaphore_mem>>)
    %dma_wait3A_534 = arith.constant 160 : i32
    %dma_wait3A_535 = tpu.memref_slice %arg5[%dma_wait3A_534] : memref<256xi32, #tpu.memory_space<vmem>> -> memref<8xi32, #tpu.memory_space<vmem>>
    %dma_wait3A_536 = arith.constant 0 : i32
    %dma_wait3A_537 = arith.constant 0 : i32
    %dma_wait3A_538 = tpu.memref_slice %arg3[%dma_wait3A_536, %dma_wait3A_537] : memref<100000x2048xf32, #tpu.memory_space<hbm>> -> memref<100000x2048xf32, #tpu.memory_space<hbm>>
    tpu.wait_indirect_dma semaphore(%arg14 : memref<!tpu.dma_semaphore, #tpu.memory_space<semaphore_mem>>) src(%dma_wait3A_538 : memref<100000x2048xf32, #tpu.memory_space<hbm>>) dst(%arg8 : memref<8x2048xf32, #tpu.memory_space<vmem>>)
    %add3A_539 = arith.constant 160 : i32
    %add3A_540 = arith.addi %mul3A_32, %add3A_539 : i32
    %dma_start3A_541 = arith.constant 0 : i32
    %dma_start3A_542 = tpu.memref_slice %arg4[%select_n3A, %add3A_540, %dma_start3A_541] : memref<2x4096x2048xf32, #tpu.memory_space<hbm>> -> memref<1x8x2048xf32, #tpu.memory_space<hbm>>
    %dma_start3A_543 = tpu.memref_squeeze %dma_start3A_542 : memref<1x8x2048xf32, #tpu.memory_space<hbm>> -> memref<8x2048xf32, #tpu.memory_space<hbm>>
    %dma_start3A_544 = arith.constant 0 : i32
    %dma_start3A_545 = tpu.memref_slice %arg4[%select_n3A, %add3A_540, %dma_start3A_544] : memref<2x4096x2048xf32, #tpu.memory_space<hbm>> -> memref<1x8x2048xf32, #tpu.memory_space<hbm>>
    %dma_start3A_546 = tpu.memref_squeeze %dma_start3A_545 : memref<1x8x2048xf32, #tpu.memory_space<hbm>> -> memref<8x2048xf32, #tpu.memory_space<hbm>>
    tpu.enqueue_dma source(%arg8 : memref<8x2048xf32, #tpu.memory_space<vmem>>) target(%dma_start3A_546 : memref<8x2048xf32, #tpu.memory_space<hbm>>) target_semaphore(%arg20 : memref<!tpu.dma_semaphore, #tpu.memory_space<semaphore_mem>>)
    %dma_wait3A_547 = arith.constant 0 : i32
    %dma_wait3A_548 = tpu.memref_slice %arg4[%select_n3A, %add3A_516, %dma_wait3A_547] : memref<2x4096x2048xf32, #tpu.memory_space<hbm>> -> memref<1x8x2048xf32, #tpu.memory_space<hbm>>
    %dma_wait3A_549 = tpu.memref_squeeze %dma_wait3A_548 : memref<1x8x2048xf32, #tpu.memory_space<hbm>> -> memref<8x2048xf32, #tpu.memory_space<hbm>>
    %dma_wait3A_550 = arith.constant 0 : i32
    %dma_wait3A_551 = tpu.memref_slice %arg4[%select_n3A, %add3A_516, %dma_wait3A_550] : memref<2x4096x2048xf32, #tpu.memory_space<hbm>> -> memref<1x8x2048xf32, #tpu.memory_space<hbm>>
    %dma_wait3A_552 = tpu.memref_squeeze %dma_wait3A_551 : memref<1x8x2048xf32, #tpu.memory_space<hbm>> -> memref<8x2048xf32, #tpu.memory_space<hbm>>
    tpu.wait_dma2 semaphore(%arg19 : memref<!tpu.dma_semaphore, #tpu.memory_space<semaphore_mem>>) src(%arg7 : memref<8x2048xf32, #tpu.memory_space<vmem>>) dst(%dma_wait3A_552 : memref<8x2048xf32, #tpu.memory_space<hbm>>)
    %dma_start3A_553 = arith.constant 200 : i32
    %dma_start3A_554 = tpu.memref_slice %arg5[%dma_start3A_553] : memref<256xi32, #tpu.memory_space<vmem>> -> memref<8xi32, #tpu.memory_space<vmem>>
    %dma_start3A_555 = arith.constant 0 : i32
    %dma_start3A_556 = arith.constant 0 : i32
    %dma_start3A_557 = tpu.memref_slice %arg3[%dma_start3A_555, %dma_start3A_556] : memref<100000x2048xf32, #tpu.memory_space<hbm>> -> memref<100000x2048xf32, #tpu.memory_space<hbm>>
    tpu.enqueue_indirect_dma source(%dma_start3A_557 : memref<100000x2048xf32, #tpu.memory_space<hbm>>) target(%arg7 : memref<8x2048xf32, #tpu.memory_space<vmem>>) offsets(%dma_start3A_554 : memref<8xi32, #tpu.memory_space<vmem>>) semaphore(%arg13 : memref<!tpu.dma_semaphore, #tpu.memory_space<semaphore_mem>>)
    %dma_wait3A_558 = arith.constant 168 : i32
    %dma_wait3A_559 = tpu.memref_slice %arg5[%dma_wait3A_558] : memref<256xi32, #tpu.memory_space<vmem>> -> memref<8xi32, #tpu.memory_space<vmem>>
    %dma_wait3A_560 = arith.constant 0 : i32
    %dma_wait3A_561 = arith.constant 0 : i32
    %dma_wait3A_562 = tpu.memref_slice %arg3[%dma_wait3A_560, %dma_wait3A_561] : memref<100000x2048xf32, #tpu.memory_space<hbm>> -> memref<100000x2048xf32, #tpu.memory_space<hbm>>
    tpu.wait_indirect_dma semaphore(%arg15 : memref<!tpu.dma_semaphore, #tpu.memory_space<semaphore_mem>>) src(%dma_wait3A_562 : memref<100000x2048xf32, #tpu.memory_space<hbm>>) dst(%arg9 : memref<8x2048xf32, #tpu.memory_space<vmem>>)
    %add3A_563 = arith.constant 168 : i32
    %add3A_564 = arith.addi %mul3A_32, %add3A_563 : i32
    %dma_start3A_565 = arith.constant 0 : i32
    %dma_start3A_566 = tpu.memref_slice %arg4[%select_n3A, %add3A_564, %dma_start3A_565] : memref<2x4096x2048xf32, #tpu.memory_space<hbm>> -> memref<1x8x2048xf32, #tpu.memory_space<hbm>>
    %dma_start3A_567 = tpu.memref_squeeze %dma_start3A_566 : memref<1x8x2048xf32, #tpu.memory_space<hbm>> -> memref<8x2048xf32, #tpu.memory_space<hbm>>
    %dma_start3A_568 = arith.constant 0 : i32
    %dma_start3A_569 = tpu.memref_slice %arg4[%select_n3A, %add3A_564, %dma_start3A_568] : memref<2x4096x2048xf32, #tpu.memory_space<hbm>> -> memref<1x8x2048xf32, #tpu.memory_space<hbm>>
    %dma_start3A_570 = tpu.memref_squeeze %dma_start3A_569 : memref<1x8x2048xf32, #tpu.memory_space<hbm>> -> memref<8x2048xf32, #tpu.memory_space<hbm>>
    tpu.enqueue_dma source(%arg9 : memref<8x2048xf32, #tpu.memory_space<vmem>>) target(%dma_start3A_570 : memref<8x2048xf32, #tpu.memory_space<hbm>>) target_semaphore(%arg21 : memref<!tpu.dma_semaphore, #tpu.memory_space<semaphore_mem>>)
    %dma_wait3A_571 = arith.constant 0 : i32
    %dma_wait3A_572 = tpu.memref_slice %arg4[%select_n3A, %add3A_540, %dma_wait3A_571] : memref<2x4096x2048xf32, #tpu.memory_space<hbm>> -> memref<1x8x2048xf32, #tpu.memory_space<hbm>>
    %dma_wait3A_573 = tpu.memref_squeeze %dma_wait3A_572 : memref<1x8x2048xf32, #tpu.memory_space<hbm>> -> memref<8x2048xf32, #tpu.memory_space<hbm>>
    %dma_wait3A_574 = arith.constant 0 : i32
    %dma_wait3A_575 = tpu.memref_slice %arg4[%select_n3A, %add3A_540, %dma_wait3A_574] : memref<2x4096x2048xf32, #tpu.memory_space<hbm>> -> memref<1x8x2048xf32, #tpu.memory_space<hbm>>
    %dma_wait3A_576 = tpu.memref_squeeze %dma_wait3A_575 : memref<1x8x2048xf32, #tpu.memory_space<hbm>> -> memref<8x2048xf32, #tpu.memory_space<hbm>>
    tpu.wait_dma2 semaphore(%arg20 : memref<!tpu.dma_semaphore, #tpu.memory_space<semaphore_mem>>) src(%arg8 : memref<8x2048xf32, #tpu.memory_space<vmem>>) dst(%dma_wait3A_576 : memref<8x2048xf32, #tpu.memory_space<hbm>>)
    %dma_start3A_577 = arith.constant 208 : i32
    %dma_start3A_578 = tpu.memref_slice %arg5[%dma_start3A_577] : memref<256xi32, #tpu.memory_space<vmem>> -> memref<8xi32, #tpu.memory_space<vmem>>
    %dma_start3A_579 = arith.constant 0 : i32
    %dma_start3A_580 = arith.constant 0 : i32
    %dma_start3A_581 = tpu.memref_slice %arg3[%dma_start3A_579, %dma_start3A_580] : memref<100000x2048xf32, #tpu.memory_space<hbm>> -> memref<100000x2048xf32, #tpu.memory_space<hbm>>
    tpu.enqueue_indirect_dma source(%dma_start3A_581 : memref<100000x2048xf32, #tpu.memory_space<hbm>>) target(%arg8 : memref<8x2048xf32, #tpu.memory_space<vmem>>) offsets(%dma_start3A_578 : memref<8xi32, #tpu.memory_space<vmem>>) semaphore(%arg14 : memref<!tpu.dma_semaphore, #tpu.memory_space<semaphore_mem>>)
    %dma_wait3A_582 = arith.constant 176 : i32
    %dma_wait3A_583 = tpu.memref_slice %arg5[%dma_wait3A_582] : memref<256xi32, #tpu.memory_space<vmem>> -> memref<8xi32, #tpu.memory_space<vmem>>
    %dma_wait3A_584 = arith.constant 0 : i32
    %dma_wait3A_585 = arith.constant 0 : i32
    %dma_wait3A_586 = tpu.memref_slice %arg3[%dma_wait3A_584, %dma_wait3A_585] : memref<100000x2048xf32, #tpu.memory_space<hbm>> -> memref<100000x2048xf32, #tpu.memory_space<hbm>>
    tpu.wait_indirect_dma semaphore(%arg16 : memref<!tpu.dma_semaphore, #tpu.memory_space<semaphore_mem>>) src(%dma_wait3A_586 : memref<100000x2048xf32, #tpu.memory_space<hbm>>) dst(%arg10 : memref<8x2048xf32, #tpu.memory_space<vmem>>)
    %add3A_587 = arith.constant 176 : i32
    %add3A_588 = arith.addi %mul3A_32, %add3A_587 : i32
    %dma_start3A_589 = arith.constant 0 : i32
    %dma_start3A_590 = tpu.memref_slice %arg4[%select_n3A, %add3A_588, %dma_start3A_589] : memref<2x4096x2048xf32, #tpu.memory_space<hbm>> -> memref<1x8x2048xf32, #tpu.memory_space<hbm>>
    %dma_start3A_591 = tpu.memref_squeeze %dma_start3A_590 : memref<1x8x2048xf32, #tpu.memory_space<hbm>> -> memref<8x2048xf32, #tpu.memory_space<hbm>>
    %dma_start3A_592 = arith.constant 0 : i32
    %dma_start3A_593 = tpu.memref_slice %arg4[%select_n3A, %add3A_588, %dma_start3A_592] : memref<2x4096x2048xf32, #tpu.memory_space<hbm>> -> memref<1x8x2048xf32, #tpu.memory_space<hbm>>
    %dma_start3A_594 = tpu.memref_squeeze %dma_start3A_593 : memref<1x8x2048xf32, #tpu.memory_space<hbm>> -> memref<8x2048xf32, #tpu.memory_space<hbm>>
    tpu.enqueue_dma source(%arg10 : memref<8x2048xf32, #tpu.memory_space<vmem>>) target(%dma_start3A_594 : memref<8x2048xf32, #tpu.memory_space<hbm>>) target_semaphore(%arg22 : memref<!tpu.dma_semaphore, #tpu.memory_space<semaphore_mem>>)
    %dma_wait3A_595 = arith.constant 0 : i32
    %dma_wait3A_596 = tpu.memref_slice %arg4[%select_n3A, %add3A_564, %dma_wait3A_595] : memref<2x4096x2048xf32, #tpu.memory_space<hbm>> -> memref<1x8x2048xf32, #tpu.memory_space<hbm>>
    %dma_wait3A_597 = tpu.memref_squeeze %dma_wait3A_596 : memref<1x8x2048xf32, #tpu.memory_space<hbm>> -> memref<8x2048xf32, #tpu.memory_space<hbm>>
    %dma_wait3A_598 = arith.constant 0 : i32
    %dma_wait3A_599 = tpu.memref_slice %arg4[%select_n3A, %add3A_564, %dma_wait3A_598] : memref<2x4096x2048xf32, #tpu.memory_space<hbm>> -> memref<1x8x2048xf32, #tpu.memory_space<hbm>>
    %dma_wait3A_600 = tpu.memref_squeeze %dma_wait3A_599 : memref<1x8x2048xf32, #tpu.memory_space<hbm>> -> memref<8x2048xf32, #tpu.memory_space<hbm>>
    tpu.wait_dma2 semaphore(%arg21 : memref<!tpu.dma_semaphore, #tpu.memory_space<semaphore_mem>>) src(%arg9 : memref<8x2048xf32, #tpu.memory_space<vmem>>) dst(%dma_wait3A_600 : memref<8x2048xf32, #tpu.memory_space<hbm>>)
    %dma_start3A_601 = arith.constant 216 : i32
    %dma_start3A_602 = tpu.memref_slice %arg5[%dma_start3A_601] : memref<256xi32, #tpu.memory_space<vmem>> -> memref<8xi32, #tpu.memory_space<vmem>>
    %dma_start3A_603 = arith.constant 0 : i32
    %dma_start3A_604 = arith.constant 0 : i32
    %dma_start3A_605 = tpu.memref_slice %arg3[%dma_start3A_603, %dma_start3A_604] : memref<100000x2048xf32, #tpu.memory_space<hbm>> -> memref<100000x2048xf32, #tpu.memory_space<hbm>>
    tpu.enqueue_indirect_dma source(%dma_start3A_605 : memref<100000x2048xf32, #tpu.memory_space<hbm>>) target(%arg9 : memref<8x2048xf32, #tpu.memory_space<vmem>>) offsets(%dma_start3A_602 : memref<8xi32, #tpu.memory_space<vmem>>) semaphore(%arg15 : memref<!tpu.dma_semaphore, #tpu.memory_space<semaphore_mem>>)
    %dma_wait3A_606 = arith.constant 184 : i32
    %dma_wait3A_607 = tpu.memref_slice %arg5[%dma_wait3A_606] : memref<256xi32, #tpu.memory_space<vmem>> -> memref<8xi32, #tpu.memory_space<vmem>>
    %dma_wait3A_608 = arith.constant 0 : i32
    %dma_wait3A_609 = arith.constant 0 : i32
    %dma_wait3A_610 = tpu.memref_slice %arg3[%dma_wait3A_608, %dma_wait3A_609] : memref<100000x2048xf32, #tpu.memory_space<hbm>> -> memref<100000x2048xf32, #tpu.memory_space<hbm>>
    tpu.wait_indirect_dma semaphore(%arg17 : memref<!tpu.dma_semaphore, #tpu.memory_space<semaphore_mem>>) src(%dma_wait3A_610 : memref<100000x2048xf32, #tpu.memory_space<hbm>>) dst(%arg11 : memref<8x2048xf32, #tpu.memory_space<vmem>>)
    %add3A_611 = arith.constant 184 : i32
    %add3A_612 = arith.addi %mul3A_32, %add3A_611 : i32
    %dma_start3A_613 = arith.constant 0 : i32
    %dma_start3A_614 = tpu.memref_slice %arg4[%select_n3A, %add3A_612, %dma_start3A_613] : memref<2x4096x2048xf32, #tpu.memory_space<hbm>> -> memref<1x8x2048xf32, #tpu.memory_space<hbm>>
    %dma_start3A_615 = tpu.memref_squeeze %dma_start3A_614 : memref<1x8x2048xf32, #tpu.memory_space<hbm>> -> memref<8x2048xf32, #tpu.memory_space<hbm>>
    %dma_start3A_616 = arith.constant 0 : i32
    %dma_start3A_617 = tpu.memref_slice %arg4[%select_n3A, %add3A_612, %dma_start3A_616] : memref<2x4096x2048xf32, #tpu.memory_space<hbm>> -> memref<1x8x2048xf32, #tpu.memory_space<hbm>>
    %dma_start3A_618 = tpu.memref_squeeze %dma_start3A_617 : memref<1x8x2048xf32, #tpu.memory_space<hbm>> -> memref<8x2048xf32, #tpu.memory_space<hbm>>
    tpu.enqueue_dma source(%arg11 : memref<8x2048xf32, #tpu.memory_space<vmem>>) target(%dma_start3A_618 : memref<8x2048xf32, #tpu.memory_space<hbm>>) target_semaphore(%arg23 : memref<!tpu.dma_semaphore, #tpu.memory_space<semaphore_mem>>)
    %dma_wait3A_619 = arith.constant 0 : i32
    %dma_wait3A_620 = tpu.memref_slice %arg4[%select_n3A, %add3A_588, %dma_wait3A_619] : memref<2x4096x2048xf32, #tpu.memory_space<hbm>> -> memref<1x8x2048xf32, #tpu.memory_space<hbm>>
    %dma_wait3A_621 = tpu.memref_squeeze %dma_wait3A_620 : memref<1x8x2048xf32, #tpu.memory_space<hbm>> -> memref<8x2048xf32, #tpu.memory_space<hbm>>
    %dma_wait3A_622 = arith.constant 0 : i32
    %dma_wait3A_623 = tpu.memref_slice %arg4[%select_n3A, %add3A_588, %dma_wait3A_622] : memref<2x4096x2048xf32, #tpu.memory_space<hbm>> -> memref<1x8x2048xf32, #tpu.memory_space<hbm>>
    %dma_wait3A_624 = tpu.memref_squeeze %dma_wait3A_623 : memref<1x8x2048xf32, #tpu.memory_space<hbm>> -> memref<8x2048xf32, #tpu.memory_space<hbm>>
    tpu.wait_dma2 semaphore(%arg22 : memref<!tpu.dma_semaphore, #tpu.memory_space<semaphore_mem>>) src(%arg10 : memref<8x2048xf32, #tpu.memory_space<vmem>>) dst(%dma_wait3A_624 : memref<8x2048xf32, #tpu.memory_space<hbm>>)
    %dma_start3A_625 = arith.constant 224 : i32
    %dma_start3A_626 = tpu.memref_slice %arg5[%dma_start3A_625] : memref<256xi32, #tpu.memory_space<vmem>> -> memref<8xi32, #tpu.memory_space<vmem>>
    %dma_start3A_627 = arith.constant 0 : i32
    %dma_start3A_628 = arith.constant 0 : i32
    %dma_start3A_629 = tpu.memref_slice %arg3[%dma_start3A_627, %dma_start3A_628] : memref<100000x2048xf32, #tpu.memory_space<hbm>> -> memref<100000x2048xf32, #tpu.memory_space<hbm>>
    tpu.enqueue_indirect_dma source(%dma_start3A_629 : memref<100000x2048xf32, #tpu.memory_space<hbm>>) target(%arg10 : memref<8x2048xf32, #tpu.memory_space<vmem>>) offsets(%dma_start3A_626 : memref<8xi32, #tpu.memory_space<vmem>>) semaphore(%arg16 : memref<!tpu.dma_semaphore, #tpu.memory_space<semaphore_mem>>)
    %dma_wait3A_630 = arith.constant 192 : i32
    %dma_wait3A_631 = tpu.memref_slice %arg5[%dma_wait3A_630] : memref<256xi32, #tpu.memory_space<vmem>> -> memref<8xi32, #tpu.memory_space<vmem>>
    %dma_wait3A_632 = arith.constant 0 : i32
    %dma_wait3A_633 = arith.constant 0 : i32
    %dma_wait3A_634 = tpu.memref_slice %arg3[%dma_wait3A_632, %dma_wait3A_633] : memref<100000x2048xf32, #tpu.memory_space<hbm>> -> memref<100000x2048xf32, #tpu.memory_space<hbm>>
    tpu.wait_indirect_dma semaphore(%arg12 : memref<!tpu.dma_semaphore, #tpu.memory_space<semaphore_mem>>) src(%dma_wait3A_634 : memref<100000x2048xf32, #tpu.memory_space<hbm>>) dst(%arg6 : memref<8x2048xf32, #tpu.memory_space<vmem>>)
    %add3A_635 = arith.constant 192 : i32
    %add3A_636 = arith.addi %mul3A_32, %add3A_635 : i32
    %dma_start3A_637 = arith.constant 0 : i32
    %dma_start3A_638 = tpu.memref_slice %arg4[%select_n3A, %add3A_636, %dma_start3A_637] : memref<2x4096x2048xf32, #tpu.memory_space<hbm>> -> memref<1x8x2048xf32, #tpu.memory_space<hbm>>
    %dma_start3A_639 = tpu.memref_squeeze %dma_start3A_638 : memref<1x8x2048xf32, #tpu.memory_space<hbm>> -> memref<8x2048xf32, #tpu.memory_space<hbm>>
    %dma_start3A_640 = arith.constant 0 : i32
    %dma_start3A_641 = tpu.memref_slice %arg4[%select_n3A, %add3A_636, %dma_start3A_640] : memref<2x4096x2048xf32, #tpu.memory_space<hbm>> -> memref<1x8x2048xf32, #tpu.memory_space<hbm>>
    %dma_start3A_642 = tpu.memref_squeeze %dma_start3A_641 : memref<1x8x2048xf32, #tpu.memory_space<hbm>> -> memref<8x2048xf32, #tpu.memory_space<hbm>>
    tpu.enqueue_dma source(%arg6 : memref<8x2048xf32, #tpu.memory_space<vmem>>) target(%dma_start3A_642 : memref<8x2048xf32, #tpu.memory_space<hbm>>) target_semaphore(%arg18 : memref<!tpu.dma_semaphore, #tpu.memory_space<semaphore_mem>>)
    %dma_wait3A_643 = arith.constant 0 : i32
    %dma_wait3A_644 = tpu.memref_slice %arg4[%select_n3A, %add3A_612, %dma_wait3A_643] : memref<2x4096x2048xf32, #tpu.memory_space<hbm>> -> memref<1x8x2048xf32, #tpu.memory_space<hbm>>
    %dma_wait3A_645 = tpu.memref_squeeze %dma_wait3A_644 : memref<1x8x2048xf32, #tpu.memory_space<hbm>> -> memref<8x2048xf32, #tpu.memory_space<hbm>>
    %dma_wait3A_646 = arith.constant 0 : i32
    %dma_wait3A_647 = tpu.memref_slice %arg4[%select_n3A, %add3A_612, %dma_wait3A_646] : memref<2x4096x2048xf32, #tpu.memory_space<hbm>> -> memref<1x8x2048xf32, #tpu.memory_space<hbm>>
    %dma_wait3A_648 = tpu.memref_squeeze %dma_wait3A_647 : memref<1x8x2048xf32, #tpu.memory_space<hbm>> -> memref<8x2048xf32, #tpu.memory_space<hbm>>
    tpu.wait_dma2 semaphore(%arg23 : memref<!tpu.dma_semaphore, #tpu.memory_space<semaphore_mem>>) src(%arg11 : memref<8x2048xf32, #tpu.memory_space<vmem>>) dst(%dma_wait3A_648 : memref<8x2048xf32, #tpu.memory_space<hbm>>)
    %dma_start3A_649 = arith.constant 232 : i32
    %dma_start3A_650 = tpu.memref_slice %arg5[%dma_start3A_649] : memref<256xi32, #tpu.memory_space<vmem>> -> memref<8xi32, #tpu.memory_space<vmem>>
    %dma_start3A_651 = arith.constant 0 : i32
    %dma_start3A_652 = arith.constant 0 : i32
    %dma_start3A_653 = tpu.memref_slice %arg3[%dma_start3A_651, %dma_start3A_652] : memref<100000x2048xf32, #tpu.memory_space<hbm>> -> memref<100000x2048xf32, #tpu.memory_space<hbm>>
    tpu.enqueue_indirect_dma source(%dma_start3A_653 : memref<100000x2048xf32, #tpu.memory_space<hbm>>) target(%arg11 : memref<8x2048xf32, #tpu.memory_space<vmem>>) offsets(%dma_start3A_650 : memref<8xi32, #tpu.memory_space<vmem>>) semaphore(%arg17 : memref<!tpu.dma_semaphore, #tpu.memory_space<semaphore_mem>>)
    %dma_wait3A_654 = arith.constant 200 : i32
    %dma_wait3A_655 = tpu.memref_slice %arg5[%dma_wait3A_654] : memref<256xi32, #tpu.memory_space<vmem>> -> memref<8xi32, #tpu.memory_space<vmem>>
    %dma_wait3A_656 = arith.constant 0 : i32
    %dma_wait3A_657 = arith.constant 0 : i32
    %dma_wait3A_658 = tpu.memref_slice %arg3[%dma_wait3A_656, %dma_wait3A_657] : memref<100000x2048xf32, #tpu.memory_space<hbm>> -> memref<100000x2048xf32, #tpu.memory_space<hbm>>
    tpu.wait_indirect_dma semaphore(%arg13 : memref<!tpu.dma_semaphore, #tpu.memory_space<semaphore_mem>>) src(%dma_wait3A_658 : memref<100000x2048xf32, #tpu.memory_space<hbm>>) dst(%arg7 : memref<8x2048xf32, #tpu.memory_space<vmem>>)
    %add3A_659 = arith.constant 200 : i32
    %add3A_660 = arith.addi %mul3A_32, %add3A_659 : i32
    %dma_start3A_661 = arith.constant 0 : i32
    %dma_start3A_662 = tpu.memref_slice %arg4[%select_n3A, %add3A_660, %dma_start3A_661] : memref<2x4096x2048xf32, #tpu.memory_space<hbm>> -> memref<1x8x2048xf32, #tpu.memory_space<hbm>>
    %dma_start3A_663 = tpu.memref_squeeze %dma_start3A_662 : memref<1x8x2048xf32, #tpu.memory_space<hbm>> -> memref<8x2048xf32, #tpu.memory_space<hbm>>
    %dma_start3A_664 = arith.constant 0 : i32
    %dma_start3A_665 = tpu.memref_slice %arg4[%select_n3A, %add3A_660, %dma_start3A_664] : memref<2x4096x2048xf32, #tpu.memory_space<hbm>> -> memref<1x8x2048xf32, #tpu.memory_space<hbm>>
    %dma_start3A_666 = tpu.memref_squeeze %dma_start3A_665 : memref<1x8x2048xf32, #tpu.memory_space<hbm>> -> memref<8x2048xf32, #tpu.memory_space<hbm>>
    tpu.enqueue_dma source(%arg7 : memref<8x2048xf32, #tpu.memory_space<vmem>>) target(%dma_start3A_666 : memref<8x2048xf32, #tpu.memory_space<hbm>>) target_semaphore(%arg19 : memref<!tpu.dma_semaphore, #tpu.memory_space<semaphore_mem>>)
    %dma_wait3A_667 = arith.constant 0 : i32
    %dma_wait3A_668 = tpu.memref_slice %arg4[%select_n3A, %add3A_636, %dma_wait3A_667] : memref<2x4096x2048xf32, #tpu.memory_space<hbm>> -> memref<1x8x2048xf32, #tpu.memory_space<hbm>>
    %dma_wait3A_669 = tpu.memref_squeeze %dma_wait3A_668 : memref<1x8x2048xf32, #tpu.memory_space<hbm>> -> memref<8x2048xf32, #tpu.memory_space<hbm>>
    %dma_wait3A_670 = arith.constant 0 : i32
    %dma_wait3A_671 = tpu.memref_slice %arg4[%select_n3A, %add3A_636, %dma_wait3A_670] : memref<2x4096x2048xf32, #tpu.memory_space<hbm>> -> memref<1x8x2048xf32, #tpu.memory_space<hbm>>
    %dma_wait3A_672 = tpu.memref_squeeze %dma_wait3A_671 : memref<1x8x2048xf32, #tpu.memory_space<hbm>> -> memref<8x2048xf32, #tpu.memory_space<hbm>>
    tpu.wait_dma2 semaphore(%arg18 : memref<!tpu.dma_semaphore, #tpu.memory_space<semaphore_mem>>) src(%arg6 : memref<8x2048xf32, #tpu.memory_space<vmem>>) dst(%dma_wait3A_672 : memref<8x2048xf32, #tpu.memory_space<hbm>>)
    %dma_start3A_673 = arith.constant 240 : i32
    %dma_start3A_674 = tpu.memref_slice %arg5[%dma_start3A_673] : memref<256xi32, #tpu.memory_space<vmem>> -> memref<8xi32, #tpu.memory_space<vmem>>
    %dma_start3A_675 = arith.constant 0 : i32
    %dma_start3A_676 = arith.constant 0 : i32
    %dma_start3A_677 = tpu.memref_slice %arg3[%dma_start3A_675, %dma_start3A_676] : memref<100000x2048xf32, #tpu.memory_space<hbm>> -> memref<100000x2048xf32, #tpu.memory_space<hbm>>
    tpu.enqueue_indirect_dma source(%dma_start3A_677 : memref<100000x2048xf32, #tpu.memory_space<hbm>>) target(%arg6 : memref<8x2048xf32, #tpu.memory_space<vmem>>) offsets(%dma_start3A_674 : memref<8xi32, #tpu.memory_space<vmem>>) semaphore(%arg12 : memref<!tpu.dma_semaphore, #tpu.memory_space<semaphore_mem>>)
    %dma_wait3A_678 = arith.constant 208 : i32
    %dma_wait3A_679 = tpu.memref_slice %arg5[%dma_wait3A_678] : memref<256xi32, #tpu.memory_space<vmem>> -> memref<8xi32, #tpu.memory_space<vmem>>
    %dma_wait3A_680 = arith.constant 0 : i32
    %dma_wait3A_681 = arith.constant 0 : i32
    %dma_wait3A_682 = tpu.memref_slice %arg3[%dma_wait3A_680, %dma_wait3A_681] : memref<100000x2048xf32, #tpu.memory_space<hbm>> -> memref<100000x2048xf32, #tpu.memory_space<hbm>>
    tpu.wait_indirect_dma semaphore(%arg14 : memref<!tpu.dma_semaphore, #tpu.memory_space<semaphore_mem>>) src(%dma_wait3A_682 : memref<100000x2048xf32, #tpu.memory_space<hbm>>) dst(%arg8 : memref<8x2048xf32, #tpu.memory_space<vmem>>)
    %add3A_683 = arith.constant 208 : i32
    %add3A_684 = arith.addi %mul3A_32, %add3A_683 : i32
    %dma_start3A_685 = arith.constant 0 : i32
    %dma_start3A_686 = tpu.memref_slice %arg4[%select_n3A, %add3A_684, %dma_start3A_685] : memref<2x4096x2048xf32, #tpu.memory_space<hbm>> -> memref<1x8x2048xf32, #tpu.memory_space<hbm>>
    %dma_start3A_687 = tpu.memref_squeeze %dma_start3A_686 : memref<1x8x2048xf32, #tpu.memory_space<hbm>> -> memref<8x2048xf32, #tpu.memory_space<hbm>>
    %dma_start3A_688 = arith.constant 0 : i32
    %dma_start3A_689 = tpu.memref_slice %arg4[%select_n3A, %add3A_684, %dma_start3A_688] : memref<2x4096x2048xf32, #tpu.memory_space<hbm>> -> memref<1x8x2048xf32, #tpu.memory_space<hbm>>
    %dma_start3A_690 = tpu.memref_squeeze %dma_start3A_689 : memref<1x8x2048xf32, #tpu.memory_space<hbm>> -> memref<8x2048xf32, #tpu.memory_space<hbm>>
    tpu.enqueue_dma source(%arg8 : memref<8x2048xf32, #tpu.memory_space<vmem>>) target(%dma_start3A_690 : memref<8x2048xf32, #tpu.memory_space<hbm>>) target_semaphore(%arg20 : memref<!tpu.dma_semaphore, #tpu.memory_space<semaphore_mem>>)
    %dma_wait3A_691 = arith.constant 0 : i32
    %dma_wait3A_692 = tpu.memref_slice %arg4[%select_n3A, %add3A_660, %dma_wait3A_691] : memref<2x4096x2048xf32, #tpu.memory_space<hbm>> -> memref<1x8x2048xf32, #tpu.memory_space<hbm>>
    %dma_wait3A_693 = tpu.memref_squeeze %dma_wait3A_692 : memref<1x8x2048xf32, #tpu.memory_space<hbm>> -> memref<8x2048xf32, #tpu.memory_space<hbm>>
    %dma_wait3A_694 = arith.constant 0 : i32
    %dma_wait3A_695 = tpu.memref_slice %arg4[%select_n3A, %add3A_660, %dma_wait3A_694] : memref<2x4096x2048xf32, #tpu.memory_space<hbm>> -> memref<1x8x2048xf32, #tpu.memory_space<hbm>>
    %dma_wait3A_696 = tpu.memref_squeeze %dma_wait3A_695 : memref<1x8x2048xf32, #tpu.memory_space<hbm>> -> memref<8x2048xf32, #tpu.memory_space<hbm>>
    tpu.wait_dma2 semaphore(%arg19 : memref<!tpu.dma_semaphore, #tpu.memory_space<semaphore_mem>>) src(%arg7 : memref<8x2048xf32, #tpu.memory_space<vmem>>) dst(%dma_wait3A_696 : memref<8x2048xf32, #tpu.memory_space<hbm>>)
    %dma_start3A_697 = arith.constant 248 : i32
    %dma_start3A_698 = tpu.memref_slice %arg5[%dma_start3A_697] : memref<256xi32, #tpu.memory_space<vmem>> -> memref<8xi32, #tpu.memory_space<vmem>>
    %dma_start3A_699 = arith.constant 0 : i32
    %dma_start3A_700 = arith.constant 0 : i32
    %dma_start3A_701 = tpu.memref_slice %arg3[%dma_start3A_699, %dma_start3A_700] : memref<100000x2048xf32, #tpu.memory_space<hbm>> -> memref<100000x2048xf32, #tpu.memory_space<hbm>>
    tpu.enqueue_indirect_dma source(%dma_start3A_701 : memref<100000x2048xf32, #tpu.memory_space<hbm>>) target(%arg7 : memref<8x2048xf32, #tpu.memory_space<vmem>>) offsets(%dma_start3A_698 : memref<8xi32, #tpu.memory_space<vmem>>) semaphore(%arg13 : memref<!tpu.dma_semaphore, #tpu.memory_space<semaphore_mem>>)
    %dma_wait3A_702 = arith.constant 216 : i32
    %dma_wait3A_703 = tpu.memref_slice %arg5[%dma_wait3A_702] : memref<256xi32, #tpu.memory_space<vmem>> -> memref<8xi32, #tpu.memory_space<vmem>>
    %dma_wait3A_704 = arith.constant 0 : i32
    %dma_wait3A_705 = arith.constant 0 : i32
    %dma_wait3A_706 = tpu.memref_slice %arg3[%dma_wait3A_704, %dma_wait3A_705] : memref<100000x2048xf32, #tpu.memory_space<hbm>> -> memref<100000x2048xf32, #tpu.memory_space<hbm>>
    tpu.wait_indirect_dma semaphore(%arg15 : memref<!tpu.dma_semaphore, #tpu.memory_space<semaphore_mem>>) src(%dma_wait3A_706 : memref<100000x2048xf32, #tpu.memory_space<hbm>>) dst(%arg9 : memref<8x2048xf32, #tpu.memory_space<vmem>>)
    %add3A_707 = arith.constant 216 : i32
    %add3A_708 = arith.addi %mul3A_32, %add3A_707 : i32
    %dma_start3A_709 = arith.constant 0 : i32
    %dma_start3A_710 = tpu.memref_slice %arg4[%select_n3A, %add3A_708, %dma_start3A_709] : memref<2x4096x2048xf32, #tpu.memory_space<hbm>> -> memref<1x8x2048xf32, #tpu.memory_space<hbm>>
    %dma_start3A_711 = tpu.memref_squeeze %dma_start3A_710 : memref<1x8x2048xf32, #tpu.memory_space<hbm>> -> memref<8x2048xf32, #tpu.memory_space<hbm>>
    %dma_start3A_712 = arith.constant 0 : i32
    %dma_start3A_713 = tpu.memref_slice %arg4[%select_n3A, %add3A_708, %dma_start3A_712] : memref<2x4096x2048xf32, #tpu.memory_space<hbm>> -> memref<1x8x2048xf32, #tpu.memory_space<hbm>>
    %dma_start3A_714 = tpu.memref_squeeze %dma_start3A_713 : memref<1x8x2048xf32, #tpu.memory_space<hbm>> -> memref<8x2048xf32, #tpu.memory_space<hbm>>
    tpu.enqueue_dma source(%arg9 : memref<8x2048xf32, #tpu.memory_space<vmem>>) target(%dma_start3A_714 : memref<8x2048xf32, #tpu.memory_space<hbm>>) target_semaphore(%arg21 : memref<!tpu.dma_semaphore, #tpu.memory_space<semaphore_mem>>)
    %dma_wait3A_715 = arith.constant 224 : i32
    %dma_wait3A_716 = tpu.memref_slice %arg5[%dma_wait3A_715] : memref<256xi32, #tpu.memory_space<vmem>> -> memref<8xi32, #tpu.memory_space<vmem>>
    %dma_wait3A_717 = arith.constant 0 : i32
    %dma_wait3A_718 = arith.constant 0 : i32
    %dma_wait3A_719 = tpu.memref_slice %arg3[%dma_wait3A_717, %dma_wait3A_718] : memref<100000x2048xf32, #tpu.memory_space<hbm>> -> memref<100000x2048xf32, #tpu.memory_space<hbm>>
    tpu.wait_indirect_dma semaphore(%arg16 : memref<!tpu.dma_semaphore, #tpu.memory_space<semaphore_mem>>) src(%dma_wait3A_719 : memref<100000x2048xf32, #tpu.memory_space<hbm>>) dst(%arg10 : memref<8x2048xf32, #tpu.memory_space<vmem>>)
    %add3A_720 = arith.constant 224 : i32
    %add3A_721 = arith.addi %mul3A_32, %add3A_720 : i32
    %dma_start3A_722 = arith.constant 0 : i32
    %dma_start3A_723 = tpu.memref_slice %arg4[%select_n3A, %add3A_721, %dma_start3A_722] : memref<2x4096x2048xf32, #tpu.memory_space<hbm>> -> memref<1x8x2048xf32, #tpu.memory_space<hbm>>
    %dma_start3A_724 = tpu.memref_squeeze %dma_start3A_723 : memref<1x8x2048xf32, #tpu.memory_space<hbm>> -> memref<8x2048xf32, #tpu.memory_space<hbm>>
    %dma_start3A_725 = arith.constant 0 : i32
    %dma_start3A_726 = tpu.memref_slice %arg4[%select_n3A, %add3A_721, %dma_start3A_725] : memref<2x4096x2048xf32, #tpu.memory_space<hbm>> -> memref<1x8x2048xf32, #tpu.memory_space<hbm>>
    %dma_start3A_727 = tpu.memref_squeeze %dma_start3A_726 : memref<1x8x2048xf32, #tpu.memory_space<hbm>> -> memref<8x2048xf32, #tpu.memory_space<hbm>>
    tpu.enqueue_dma source(%arg10 : memref<8x2048xf32, #tpu.memory_space<vmem>>) target(%dma_start3A_727 : memref<8x2048xf32, #tpu.memory_space<hbm>>) target_semaphore(%arg22 : memref<!tpu.dma_semaphore, #tpu.memory_space<semaphore_mem>>)
    %dma_wait3A_728 = arith.constant 232 : i32
    %dma_wait3A_729 = tpu.memref_slice %arg5[%dma_wait3A_728] : memref<256xi32, #tpu.memory_space<vmem>> -> memref<8xi32, #tpu.memory_space<vmem>>
    %dma_wait3A_730 = arith.constant 0 : i32
    %dma_wait3A_731 = arith.constant 0 : i32
    %dma_wait3A_732 = tpu.memref_slice %arg3[%dma_wait3A_730, %dma_wait3A_731] : memref<100000x2048xf32, #tpu.memory_space<hbm>> -> memref<100000x2048xf32, #tpu.memory_space<hbm>>
    tpu.wait_indirect_dma semaphore(%arg17 : memref<!tpu.dma_semaphore, #tpu.memory_space<semaphore_mem>>) src(%dma_wait3A_732 : memref<100000x2048xf32, #tpu.memory_space<hbm>>) dst(%arg11 : memref<8x2048xf32, #tpu.memory_space<vmem>>)
    %add3A_733 = arith.constant 232 : i32
    %add3A_734 = arith.addi %mul3A_32, %add3A_733 : i32
    %dma_start3A_735 = arith.constant 0 : i32
    %dma_start3A_736 = tpu.memref_slice %arg4[%select_n3A, %add3A_734, %dma_start3A_735] : memref<2x4096x2048xf32, #tpu.memory_space<hbm>> -> memref<1x8x2048xf32, #tpu.memory_space<hbm>>
    %dma_start3A_737 = tpu.memref_squeeze %dma_start3A_736 : memref<1x8x2048xf32, #tpu.memory_space<hbm>> -> memref<8x2048xf32, #tpu.memory_space<hbm>>
    %dma_start3A_738 = arith.constant 0 : i32
    %dma_start3A_739 = tpu.memref_slice %arg4[%select_n3A, %add3A_734, %dma_start3A_738] : memref<2x4096x2048xf32, #tpu.memory_space<hbm>> -> memref<1x8x2048xf32, #tpu.memory_space<hbm>>
    %dma_start3A_740 = tpu.memref_squeeze %dma_start3A_739 : memref<1x8x2048xf32, #tpu.memory_space<hbm>> -> memref<8x2048xf32, #tpu.memory_space<hbm>>
    tpu.enqueue_dma source(%arg11 : memref<8x2048xf32, #tpu.memory_space<vmem>>) target(%dma_start3A_740 : memref<8x2048xf32, #tpu.memory_space<hbm>>) target_semaphore(%arg23 : memref<!tpu.dma_semaphore, #tpu.memory_space<semaphore_mem>>)
    %dma_wait3A_741 = arith.constant 240 : i32
    %dma_wait3A_742 = tpu.memref_slice %arg5[%dma_wait3A_741] : memref<256xi32, #tpu.memory_space<vmem>> -> memref<8xi32, #tpu.memory_space<vmem>>
    %dma_wait3A_743 = arith.constant 0 : i32
    %dma_wait3A_744 = arith.constant 0 : i32
    %dma_wait3A_745 = tpu.memref_slice %arg3[%dma_wait3A_743, %dma_wait3A_744] : memref<100000x2048xf32, #tpu.memory_space<hbm>> -> memref<100000x2048xf32, #tpu.memory_space<hbm>>
    tpu.wait_indirect_dma semaphore(%arg12 : memref<!tpu.dma_semaphore, #tpu.memory_space<semaphore_mem>>) src(%dma_wait3A_745 : memref<100000x2048xf32, #tpu.memory_space<hbm>>) dst(%arg6 : memref<8x2048xf32, #tpu.memory_space<vmem>>)
    %add3A_746 = arith.constant 240 : i32
    %add3A_747 = arith.addi %mul3A_32, %add3A_746 : i32
    %dma_start3A_748 = arith.constant 0 : i32
    %dma_start3A_749 = tpu.memref_slice %arg4[%select_n3A, %add3A_747, %dma_start3A_748] : memref<2x4096x2048xf32, #tpu.memory_space<hbm>> -> memref<1x8x2048xf32, #tpu.memory_space<hbm>>
    %dma_start3A_750 = tpu.memref_squeeze %dma_start3A_749 : memref<1x8x2048xf32, #tpu.memory_space<hbm>> -> memref<8x2048xf32, #tpu.memory_space<hbm>>
    %dma_start3A_751 = arith.constant 0 : i32
    %dma_start3A_752 = tpu.memref_slice %arg4[%select_n3A, %add3A_747, %dma_start3A_751] : memref<2x4096x2048xf32, #tpu.memory_space<hbm>> -> memref<1x8x2048xf32, #tpu.memory_space<hbm>>
    %dma_start3A_753 = tpu.memref_squeeze %dma_start3A_752 : memref<1x8x2048xf32, #tpu.memory_space<hbm>> -> memref<8x2048xf32, #tpu.memory_space<hbm>>
    tpu.enqueue_dma source(%arg6 : memref<8x2048xf32, #tpu.memory_space<vmem>>) target(%dma_start3A_753 : memref<8x2048xf32, #tpu.memory_space<hbm>>) target_semaphore(%arg18 : memref<!tpu.dma_semaphore, #tpu.memory_space<semaphore_mem>>)
    %dma_wait3A_754 = arith.constant 248 : i32
    %dma_wait3A_755 = tpu.memref_slice %arg5[%dma_wait3A_754] : memref<256xi32, #tpu.memory_space<vmem>> -> memref<8xi32, #tpu.memory_space<vmem>>
    %dma_wait3A_756 = arith.constant 0 : i32
    %dma_wait3A_757 = arith.constant 0 : i32
    %dma_wait3A_758 = tpu.memref_slice %arg3[%dma_wait3A_756, %dma_wait3A_757] : memref<100000x2048xf32, #tpu.memory_space<hbm>> -> memref<100000x2048xf32, #tpu.memory_space<hbm>>
    tpu.wait_indirect_dma semaphore(%arg13 : memref<!tpu.dma_semaphore, #tpu.memory_space<semaphore_mem>>) src(%dma_wait3A_758 : memref<100000x2048xf32, #tpu.memory_space<hbm>>) dst(%arg7 : memref<8x2048xf32, #tpu.memory_space<vmem>>)
    %add3A_759 = arith.constant 248 : i32
    %add3A_760 = arith.addi %mul3A_32, %add3A_759 : i32
    %dma_start3A_761 = arith.constant 0 : i32
    %dma_start3A_762 = tpu.memref_slice %arg4[%select_n3A, %add3A_760, %dma_start3A_761] : memref<2x4096x2048xf32, #tpu.memory_space<hbm>> -> memref<1x8x2048xf32, #tpu.memory_space<hbm>>
    %dma_start3A_763 = tpu.memref_squeeze %dma_start3A_762 : memref<1x8x2048xf32, #tpu.memory_space<hbm>> -> memref<8x2048xf32, #tpu.memory_space<hbm>>
    %dma_start3A_764 = arith.constant 0 : i32
    %dma_start3A_765 = tpu.memref_slice %arg4[%select_n3A, %add3A_760, %dma_start3A_764] : memref<2x4096x2048xf32, #tpu.memory_space<hbm>> -> memref<1x8x2048xf32, #tpu.memory_space<hbm>>
    %dma_start3A_766 = tpu.memref_squeeze %dma_start3A_765 : memref<1x8x2048xf32, #tpu.memory_space<hbm>> -> memref<8x2048xf32, #tpu.memory_space<hbm>>
    tpu.enqueue_dma source(%arg7 : memref<8x2048xf32, #tpu.memory_space<vmem>>) target(%dma_start3A_766 : memref<8x2048xf32, #tpu.memory_space<hbm>>) target_semaphore(%arg19 : memref<!tpu.dma_semaphore, #tpu.memory_space<semaphore_mem>>)
    %dma_wait3A_767 = arith.constant 0 : i32
    %dma_wait3A_768 = tpu.memref_slice %arg4[%select_n3A, %add3A_684, %dma_wait3A_767] : memref<2x4096x2048xf32, #tpu.memory_space<hbm>> -> memref<1x8x2048xf32, #tpu.memory_space<hbm>>
    %dma_wait3A_769 = tpu.memref_squeeze %dma_wait3A_768 : memref<1x8x2048xf32, #tpu.memory_space<hbm>> -> memref<8x2048xf32, #tpu.memory_space<hbm>>
    %dma_wait3A_770 = arith.constant 0 : i32
    %dma_wait3A_771 = tpu.memref_slice %arg4[%select_n3A, %add3A_684, %dma_wait3A_770] : memref<2x4096x2048xf32, #tpu.memory_space<hbm>> -> memref<1x8x2048xf32, #tpu.memory_space<hbm>>
    %dma_wait3A_772 = tpu.memref_squeeze %dma_wait3A_771 : memref<1x8x2048xf32, #tpu.memory_space<hbm>> -> memref<8x2048xf32, #tpu.memory_space<hbm>>
    tpu.wait_dma2 semaphore(%arg20 : memref<!tpu.dma_semaphore, #tpu.memory_space<semaphore_mem>>) src(%arg8 : memref<8x2048xf32, #tpu.memory_space<vmem>>) dst(%dma_wait3A_772 : memref<8x2048xf32, #tpu.memory_space<hbm>>)
    %dma_wait3A_773 = arith.constant 0 : i32
    %dma_wait3A_774 = tpu.memref_slice %arg4[%select_n3A, %add3A_708, %dma_wait3A_773] : memref<2x4096x2048xf32, #tpu.memory_space<hbm>> -> memref<1x8x2048xf32, #tpu.memory_space<hbm>>
    %dma_wait3A_775 = tpu.memref_squeeze %dma_wait3A_774 : memref<1x8x2048xf32, #tpu.memory_space<hbm>> -> memref<8x2048xf32, #tpu.memory_space<hbm>>
    %dma_wait3A_776 = arith.constant 0 : i32
    %dma_wait3A_777 = tpu.memref_slice %arg4[%select_n3A, %add3A_708, %dma_wait3A_776] : memref<2x4096x2048xf32, #tpu.memory_space<hbm>> -> memref<1x8x2048xf32, #tpu.memory_space<hbm>>
    %dma_wait3A_778 = tpu.memref_squeeze %dma_wait3A_777 : memref<1x8x2048xf32, #tpu.memory_space<hbm>> -> memref<8x2048xf32, #tpu.memory_space<hbm>>
    tpu.wait_dma2 semaphore(%arg21 : memref<!tpu.dma_semaphore, #tpu.memory_space<semaphore_mem>>) src(%arg9 : memref<8x2048xf32, #tpu.memory_space<vmem>>) dst(%dma_wait3A_778 : memref<8x2048xf32, #tpu.memory_space<hbm>>)
    %dma_wait3A_779 = arith.constant 0 : i32
    %dma_wait3A_780 = tpu.memref_slice %arg4[%select_n3A, %add3A_721, %dma_wait3A_779] : memref<2x4096x2048xf32, #tpu.memory_space<hbm>> -> memref<1x8x2048xf32, #tpu.memory_space<hbm>>
    %dma_wait3A_781 = tpu.memref_squeeze %dma_wait3A_780 : memref<1x8x2048xf32, #tpu.memory_space<hbm>> -> memref<8x2048xf32, #tpu.memory_space<hbm>>
    %dma_wait3A_782 = arith.constant 0 : i32
    %dma_wait3A_783 = tpu.memref_slice %arg4[%select_n3A, %add3A_721, %dma_wait3A_782] : memref<2x4096x2048xf32, #tpu.memory_space<hbm>> -> memref<1x8x2048xf32, #tpu.memory_space<hbm>>
    %dma_wait3A_784 = tpu.memref_squeeze %dma_wait3A_783 : memref<1x8x2048xf32, #tpu.memory_space<hbm>> -> memref<8x2048xf32, #tpu.memory_space<hbm>>
    tpu.wait_dma2 semaphore(%arg22 : memref<!tpu.dma_semaphore, #tpu.memory_space<semaphore_mem>>) src(%arg10 : memref<8x2048xf32, #tpu.memory_space<vmem>>) dst(%dma_wait3A_784 : memref<8x2048xf32, #tpu.memory_space<hbm>>)
    %dma_wait3A_785 = arith.constant 0 : i32
    %dma_wait3A_786 = tpu.memref_slice %arg4[%select_n3A, %add3A_734, %dma_wait3A_785] : memref<2x4096x2048xf32, #tpu.memory_space<hbm>> -> memref<1x8x2048xf32, #tpu.memory_space<hbm>>
    %dma_wait3A_787 = tpu.memref_squeeze %dma_wait3A_786 : memref<1x8x2048xf32, #tpu.memory_space<hbm>> -> memref<8x2048xf32, #tpu.memory_space<hbm>>
    %dma_wait3A_788 = arith.constant 0 : i32
    %dma_wait3A_789 = tpu.memref_slice %arg4[%select_n3A, %add3A_734, %dma_wait3A_788] : memref<2x4096x2048xf32, #tpu.memory_space<hbm>> -> memref<1x8x2048xf32, #tpu.memory_space<hbm>>
    %dma_wait3A_790 = tpu.memref_squeeze %dma_wait3A_789 : memref<1x8x2048xf32, #tpu.memory_space<hbm>> -> memref<8x2048xf32, #tpu.memory_space<hbm>>
    tpu.wait_dma2 semaphore(%arg23 : memref<!tpu.dma_semaphore, #tpu.memory_space<semaphore_mem>>) src(%arg11 : memref<8x2048xf32, #tpu.memory_space<vmem>>) dst(%dma_wait3A_790 : memref<8x2048xf32, #tpu.memory_space<hbm>>)
    %dma_wait3A_791 = arith.constant 0 : i32
    %dma_wait3A_792 = tpu.memref_slice %arg4[%select_n3A, %add3A_747, %dma_wait3A_791] : memref<2x4096x2048xf32, #tpu.memory_space<hbm>> -> memref<1x8x2048xf32, #tpu.memory_space<hbm>>
    %dma_wait3A_793 = tpu.memref_squeeze %dma_wait3A_792 : memref<1x8x2048xf32, #tpu.memory_space<hbm>> -> memref<8x2048xf32, #tpu.memory_space<hbm>>
    %dma_wait3A_794 = arith.constant 0 : i32
    %dma_wait3A_795 = tpu.memref_slice %arg4[%select_n3A, %add3A_747, %dma_wait3A_794] : memref<2x4096x2048xf32, #tpu.memory_space<hbm>> -> memref<1x8x2048xf32, #tpu.memory_space<hbm>>
    %dma_wait3A_796 = tpu.memref_squeeze %dma_wait3A_795 : memref<1x8x2048xf32, #tpu.memory_space<hbm>> -> memref<8x2048xf32, #tpu.memory_space<hbm>>
    tpu.wait_dma2 semaphore(%arg18 : memref<!tpu.dma_semaphore, #tpu.memory_space<semaphore_mem>>) src(%arg6 : memref<8x2048xf32, #tpu.memory_space<vmem>>) dst(%dma_wait3A_796 : memref<8x2048xf32, #tpu.memory_space<hbm>>)
    %dma_wait3A_797 = arith.constant 0 : i32
    %dma_wait3A_798 = tpu.memref_slice %arg4[%select_n3A, %add3A_760, %dma_wait3A_797] : memref<2x4096x2048xf32, #tpu.memory_space<hbm>> -> memref<1x8x2048xf32, #tpu.memory_space<hbm>>
    %dma_wait3A_799 = tpu.memref_squeeze %dma_wait3A_798 : memref<1x8x2048xf32, #tpu.memory_space<hbm>> -> memref<8x2048xf32, #tpu.memory_space<hbm>>
    %dma_wait3A_800 = arith.constant 0 : i32
    %dma_wait3A_801 = tpu.memref_slice %arg4[%select_n3A, %add3A_760, %dma_wait3A_800] : memref<2x4096x2048xf32, #tpu.memory_space<hbm>> -> memref<1x8x2048xf32, #tpu.memory_space<hbm>>
    %dma_wait3A_802 = tpu.memref_squeeze %dma_wait3A_801 : memref<1x8x2048xf32, #tpu.memory_space<hbm>> -> memref<8x2048xf32, #tpu.memory_space<hbm>>
    tpu.wait_dma2 semaphore(%arg19 : memref<!tpu.dma_semaphore, #tpu.memory_space<semaphore_mem>>) src(%arg7 : memref<8x2048xf32, #tpu.memory_space<vmem>>) dst(%dma_wait3A_802 : memref<8x2048xf32, #tpu.memory_space<hbm>>)
    return
  }
}

</mosaic_0001>

<sc_bundles>
// kernel: _gather_rows.3.cloned.1.call-start
scs
__scs_entry_jumppad:
0x0: {  	(pc) =	sbr.rel $0x88, $3  }
0x1: {  	(tag) =	ssettag $0x0;
	lr =	simm.s32 $0x1  }
0x2: {  	[smem:$0x3F9F] =	sst lr;
	_ =	strace $0xD0000000  }
0x3: {  	_ = 	snop  }
0x4: {  	_ = 	snop  }
0x5: {  	_ = 	snop  }
0x6: {  	_ = 	snop  }
0x7: {  	_ = 	snop  }
__scs_overlays_trampoline_lowered:
0x8: {  	[smem:$0x3FAE] =	sst s0  }
0x9: {  	[smem:$0x3FAF] =	sst s1  }
0xa: {  	[smem:$0x3FB0] =	sst s2  }
0xb: {  	[smem:$0x3FB1] =	sst s3  }
0xc: {  	[smem:$0x3FB2] =	sst s4  }
0xd: {  	[smem:$0x3FB3] =	sst s5  }
0xe: {  	[smem:$0x3FB4] =	sst s6  }
0xf: {  	[smem:$0x3FB5] =	sst s7  }
0x10: {  	[smem:$0x3FB6] =	sst s8  }
0x11: {  	[smem:$0x3FB7] =	sst s9;
	s0 =	simm.s32 @!p0 $0x0  }
0x12: {  	s1 =	sld [smem:$0x3F9D];
	s0 =	simm.s32 @p0 $0x1  }
0x13: {  	[smem:$0x3FB8] =	sst s0;
	s0 =	simm.s32 @!p1 $0x0  }
0x14: {  	s2 =	sld [smem:$0x3F9C];
	s0 =	simm.s32 @p1 $0x1  }
0x15: {  	[smem:$0x3FB9] =	sst s0;
	s0 =	simm.s32 @!p2 $0x0  }
0x16: {  	s3 =	sld [smem:$0x3FDB];
	s0 =	simm.s32 @p2 $0x1  }
0x17: {  	s4 =	simm.s32 $0x1BF5;
	[smem:$0x3FBB] =	sst s0  }
0x18: {  	s0 =	sld [smem:$0x3F9E];
	_ =	swait.ge [sflag:s4], $0x0  }
0x19: {  	s7 =	sld [smem:$0x3F9F]  }
0x1a: {  	s8 =	sadd.s32 $0xFFFFE003, lr  }
0x1b: {  	s9 =	sadd.s32 $0xFFFFFEF7, lr;
	s5 =	simm.s32 $0xFFFFFFFF;
	p2 =	slt.u32 s8, $0xFFFFF086  }
0x1c: {  	p1 =	slt.u32 s9, $0xF7A;
	s5 =	simm.s32 @!p2 $0x0  }
0x1d: {  	s5 =	simm.s32 @p1 $0x1;
	p0 =	seq.s32 s7, s2  }
0x1e: {  	s7 =	smul.u32 @!p0 $0xF7A, s2;
	p2 =	seq.s32 @!p0 s5, $0x0  }
0x1f: {  	s9 =	smul.u32 $0xF7A, s1;
	s8 =	simm.s32 @!p0 $0x1BF5;
	p2 =	por !p2, p0  }
0x20: {  	[sflag:s8] =	ssyncset.s32 @!p0 $0xFFFFF086;
	s6 =	sadd.s32 @!p0 s3, s7;
	s7 =	simm.s32 @!p0 $0x108  }
0x21: {  	s3 =	sadd.s32 s3, s9;
	s6 =	sadd.s32 @!p0 $0x88, s6;
	s7 =	simm.s32 @p2 $0x1082  }
0x22: {  	[simem:s7], [sflag:s8] =	dma.local @!p0 [hbm:s6], $0xF7A  }
0x23: {  	s9 =	sor.u32 $0xD0000000, s2;
	s6 =	simm.s32 $0x108;
	_ =	swait.ge @!p0 [sflag:s8], $0x0  }
0x24: {  	s3 =	sadd.s32 $0x88, s3;
	s6 =	simm.s32 @!p1 $0x1082;
	[sflag:s4] =	ssyncset.s32 $0xFFFFF086  }
0x25: {  	[simem:s6], [sflag:s4] =	dma.local [hbm:s3], $0xF7A  }
0x26: {  	[smem:$0x3F9F] =	sst s1;
	(tag) =	ssettag s2;
	_ =	strace s9  }
0x27: {  	s1 =	sld [smem:$0x3FAF]  }
0x28: {  	s2 =	sld [smem:$0x3FB0]  }
0x29: {  	s4 =	sld [smem:$0x3FB2]  }
0x2a: {  	p0 =	seq.s32 s5, $0x0;
	s5 =	sld [smem:$0x3FB3]  }
0x2b: {  	s6 =	sld [smem:$0x3FB4]  }
0x2c: {  	s7 =	sld [smem:$0x3FB5]  }
0x2d: {  	s3 =	simm.s32 $0x108;
	s8 =	sld [smem:$0x3FB6]  }
0x2e: {  	s3 =	simm.s32 @!p0 $0x1082;
	s9 =	sld [smem:$0x3FB7]  }
0x2f: {  	lr =	sadd.s32 s0, s3;
	s0 =	sld [smem:$0x3FAE]  }
0x30: {  	s3 =	sld [smem:$0x3FB1]  }
0x31: {  	[smem:$0x3FBA] =	sst s10  }
0x32: {  	s10 =	sld [smem:$0x3FB8];
	_ =	sdelay $0x3  }
0x33: {  	p0 =	seq.s32 s10, $0x1;
	s10 =	sld [smem:$0x3FBA];
	_ =	sdelay $0x3  }
0x34: {  	[smem:$0x3FBA] =	sst s10  }
0x35: {  	s10 =	sld [smem:$0x3FB9];
	_ =	sdelay $0x3  }
0x36: {  	p1 =	seq.s32 s10, $0x1;
	s10 =	sld [smem:$0x3FBA];
	_ =	sdelay $0x3  }
0x37: {  	[smem:$0x3FBA] =	sst s10  }
0x38: {  	s10 =	sld [smem:$0x3FBB]  }
0x39: {  	_ = 	snop;
	(pc) =	sbr.ind lr, $3  }
0x3a: {  	_ = 	snop  }
0x3b: {  	_ = 	snop  }
0x3c: {  	p2 =	seq.s32 s10, $0x1;
	s10 =	sld [smem:$0x3FBA]  }
0x3d: {  	_ =	shalt  }
0x3e: {  	_ =	shalt  }
0x3f: {  	_ =	shalt  }
0x40: {  	_ =	shalt  }
0x41: {  	_ =	shalt  }
0x42: {  	_ =	shalt  }
0x43: {  	_ =	shalt  }
0x44: {  	_ =	shalt  }
0x45: {  	_ =	shalt  }
0x46: {  	_ =	shalt  }
0x47: {  	_ =	shalt  }
0x48: {  	_ =	shalt  }
0x49: {  	_ =	shalt  }
0x4a: {  	_ =	shalt  }
0x4b: {  	_ =	shalt  }
0x4c: {  	_ =	shalt  }
0x4d: {  	_ =	shalt  }
0x4e: {  	_ =	shalt  }
0x4f: {  	_ =	shalt  }
0x50: {  	_ =	shalt  }
0x51: {  	_ =	shalt  }
0x52: {  	_ =	shalt  }
0x53: {  	_ =	shalt  }
0x54: {  	_ =	shalt  }
0x55: {  	_ =	shalt  }
0x56: {  	_ =	shalt  }
0x57: {  	_ =	shalt  }
0x58: {  	_ =	shalt  }
0x59: {  	_ =	shalt  }
0x5a: {  	_ =	shalt  }
0x5b: {  	_ =	shalt  }
0x5c: {  	_ =	shalt  }
0x5d: {  	_ =	shalt  }
0x5e: {  	_ =	shalt  }
0x5f: {  	_ =	shalt  }
0x60: {  	_ =	shalt  }
0x61: {  	_ =	shalt  }
0x62: {  	_ =	shalt  }
0x63: {  	_ =	shalt  }
0x64: {  	_ =	shalt  }
0x65: {  	_ =	shalt  }
0x66: {  	_ =	shalt  }
0x67: {  	_ =	shalt  }
0x68: {  	_ =	shalt  }
0x69: {  	_ =	shalt  }
0x6a: {  	_ =	shalt  }
0x6b: {  	_ =	shalt  }
0x6c: {  	_ =	shalt  }
0x6d: {  	_ =	shalt  }
0x6e: {  	_ =	shalt  }
0x6f: {  	_ =	shalt  }
0x70: {  	_ =	shalt  }
0x71: {  	_ =	shalt  }
0x72: {  	_ =	shalt  }
0x73: {  	_ =	shalt  }
0x74: {  	_ =	shalt  }
0x75: {  	_ =	shalt  }
0x76: {  	_ =	shalt  }
0x77: {  	_ =	shalt  }
0x78: {  	_ =	shalt  }
0x79: {  	_ =	shalt  }
0x7a: {  	_ =	shalt  }
0x7b: {  	_ =	shalt  }
0x7c: {  	_ =	shalt  }
0x7d: {  	_ =	shalt  }
0x7e: {  	_ =	shalt  }
0x7f: {  	_ =	shalt  }
0x80: {  	_ =	shalt  }
0x81: {  	_ =	shalt  }
0x82: {  	_ =	shalt  }
0x83: {  	_ =	shalt  }
0x84: {  	_ =	shalt  }
0x85: {  	_ =	shalt  }
0x86: {  	_ =	shalt  }
0x87: {  	_ =	shalt  }
.Lfunc_end0:
.L_simem_size_0:
called_computation_lowered:
.L_overlay_start_0:
0x88: {  	s2 =	sld [smem:$0x3FD9]  }
0x89: {  	s3 =	sld [smem:$0x3FFE];
	_ =	sdelay $0x1  }
0x8a: {  	s1 =	srdreg.scid  }
0x8b: {  	s0 =	sand.u32 $0x1, s1  }
0x8c: {  	s17 =	sshll.u32 s0, $0xA;
	s2 =	sadd.s32 s3, s2  }
0x8d: {  	s2 =	sadd.s32 s2, s17  }
0x8e: {  	[smem:$0x3FC6] =	sst s2  }
0x8f: {  	_ = 	snop  }
0x90: {  	s2 =	sld [smem:$0x3FC8]  }
0x91: {  	s18 =	sld [smem:$0x3FD0];
	(tm) =	ssettm $0x1  }
0x92: {  	s4 =	sld [smem:$0x3FFB];
	_ =	sdelay $0x3  }
0x93: {  	_ =	strace s4  }
0x94: {  	s4 =	sld [smem:$0x3FFC];
	_ =	sdelay $0x3  }
0x95: {  	_ =	strace s4  }
0x96: {  	s4 =	sld [smem:$0x3FFD];
	_ =	sdelay $0x3  }
0x97: {  	_ =	strace s4  }
0x98: {  	_ =	strace $0x8FFFFFFF  }
0x99: {  	s19 =	sld [smem:$0x3FDB];
	_ =	sdelay $0x1  }
0x9a: {  	s5 =	simm.s32 $_scs_section_size  }
0x9b: {  	s6 =	simm.s32 $_size__tile_overlayer_lowered;
	s7 =	simm.s32 $_tile_overlayer_lowered  }
0x9c: {  	s22 =	simm.s32 $0x1BFF;
	s21 =	sshll.u32 s7, $0x1;
	s4 =	sadd.s32 s5, s19  }
0x9d: {  	s8 =	simm.s32 $0x0;
	s20 =	sshll.u32 s6, $0x1;
	s6 =	sadd.s32 s21, s4  }
0x9e: {  	[timem:s8], [sflag:s22] =	dma.local [hbm:s6], s20  }
0x9f: {  	_ =	swait.ge [sflag:s22], s20  }
0xa0: {  	s5 =	ssub.s32 $0x0, s20;
	[sflag:s22] =	ssyncset.done $0x0  }
0xa1: {  	[sflag:s22] =	ssyncadd.s32 s5;
	_ =	sdelay $0x1  }
0xa2: {  	s23 =	simm.s32 $0x1B8B  }
0xa3: {  	_ =	swait.ge [sflag:s23], $0x1  }
0xa4: {  	[sflag:s23] =	ssyncset.done $0x0  }
0xa5: {  	s25 =	simm.s32 $0x1B8E;
	s24 =	sld [smem:$0x3FFE];
	[sflag:s23] =	ssyncadd.s32 $0xFFFFFFFF  }
0xa6: {  	s26 =	simm.s32 $execute0_lowered;
	[smem:$0x3FD2] =	sst s25  }
0xa7: {  	s6 =	sshll.u32 s26, $0x1;
	_ =	strace $0x80000046;
	[dreg:$0x1] =	wrdreg $0xFFFFFFFF  }
0xa8: {  	s28 =	simm.s32 $_size_execute0_lowered;
	s4 =	sadd.s32 s4, s6;
	[dreg:$0x0] =	wrdreg $0x0  }
0xa9: {  	s6 =	sshll.u32 s28, $0x1;
	[dreg:$0x2] =	wrdreg s4  }
0xaa: {  	[dreg:$0x3] =	wrdreg s6  }
0xab: {  	[dreg:$0x4] =	wrdreg $0xC0  }
0xac: {  	_ =	task [dreg:s8], $0x5FFFF  }
0xad: {  	[dreg:$0x1] =	wrdreg $0xFFFFFFFF  }
0xae: {  	[dreg:$0x0] =	wrdreg $0x60  }
0xaf: {  	[dreg:$0x2] =	wrdreg s24  }
0xb0: {  	[dreg:$0x3] =	wrdreg s2  }
0xb1: {  	[dreg:$0x4] =	wrdreg s18  }
0xb2: {  	[dreg:$0x5] =	wrdreg $0x9  }
0xb3: {  	_ =	task.clear_ibuf [dreg:s8], $0x6FFFF;
	_ =	strace $0x90000046  }
0xb4: {  	s29 =	simm.s32 $0x9;
	_ =	strace $0x80000048  }
0xb5: {  	_ =	swait.ge [sflag:s29], $0x1  }
0xb6: {  	[sflag:s29] =	ssyncadd.s32 $0xFFFFFFFF  }
0xb7: {  	_ =	strace $0x90000048  }
0xb8: {  	_ =	sfence  }
0xb9: {  	s30 =	sld [smem:$0x0];
	_ =	sdelay $0x2  }
0xba: {  	s31 =	sshll.u32 s1, $0xD;
	s1 =	sshrl.u32 s1, $0x2  }
0xbb: {  	s3 =	sand.u32 $0x4000, s31;
	s1 =	sadd.s32 s1, s30  }
0xbc: {  	s0 =	sor.u32 s3, s0;
	s1 =	sshll.u32 s1, $0x11  }
0xbd: {  	s0 =	sor.u32 s1, s0  }
0xbe: {  	s0 =	sadd.s32 $0x8F2B, s0  }
0xbf: {  	[sflag:s0] =	ssyncadd.remote.s32 $0x1  }
0xc0: {  	_ =	sfence.sel $0xFFFF  }
0xc1: {  	[dreg:$0x0] =	wrdreg $0xFFFFFFFF;
	(pc) =	sbr.abs _section_cstart, $3  }
0xc2: {  	[dreg:$0x1] =	wrdreg $0xFFFFFFFF  }
0xc3: {  	_ =	task.clear_ibuf [dreg:s8], $0x2FFFF;
	_ =	strace $0x9FFFFFFF  }
0xc4: {  	(tm) =	ssettm $0x7FFFFFFF  }
0xc5: {  	_ =	shalt  }
tec
execute0_lowered:
.L_overlay_start_1:
0x0: {  	(tag) =	ssettag $0x1  }
0x1: {  	s0 =	rddreg [dreg:$0x0]  }
0x2: {  	s4 =	srdreg.scid;
	s7 =	stileid.u32  }
0x3: {  	s2 =	rddreg [dreg:$0x1];
	s4 =	sand.u32 $0x1, s4;
	s5 =	sshll.u32 s7, $0x1  }
0x4: {  	s1 =	rddreg [dreg:$0x2];
	s3 =	simm.s32 $0x0;
	s5 =	sor.u32 s4, s5  }
0x5: {  	[smem:$0x7FF] =	sst s3;
	s7 =	sshll.u32 s7, $0x11;
	s6 =	sshll.u32 s5, $0x5  }
0x6: {  	s22 =	sand.u32 $0x100000, s7;
	s5 =	sshll.u32 s5, $0x10;
	s0 =	sadd.s32 s6, s0  }
0x7: {  	_ =	strace $0x80000047;
	s5 =	sand.u32 $0xF0000, s5;
	s23 =	sadd.s32 $0x400, s0  }
0x8: {  	s5 =	sor.u32 s22, s5;
	s0 =	sadd.s32 $0x405, s0;
	[dreg:$0x4] =	wrdreg s23  }
0x9: {  	s11 =	sadd.s32 s1, s5;
	[dreg:$0x5] =	wrdreg s0  }
0xa: {  	s24 =	sadd.s32 $0x800, s11;
	[smem:$0x7FB] =	sst s11  }
0xb: {  	s25 =	sadd.s32 $0x1000, s11;
	[dreg:$0x6] =	wrdreg s24  }
0xc: {  	s26 =	sadd.s32 $0x1800, s11;
	[dreg:$0x7] =	wrdreg s25  }
0xd: {  	s28 =	sadd.s32 $0x2000, s11;
	[dreg:$0x8] =	wrdreg s26  }
0xe: {  	s29 =	sadd.s32 $0x2800, s11;
	[dreg:$0x9] =	wrdreg s28  }
0xf: {  	s30 =	sadd.s32 $0x3000, s11;
	[dreg:$0xa] =	wrdreg s29  }
0x10: {  	s31 =	sadd.s32 $0x3800, s11;
	[dreg:$0xb] =	wrdreg s30  }
0x11: {  	s1 =	sadd.s32 $0x4000, s11;
	[dreg:$0xc] =	wrdreg s31  }
0x12: {  	s5 =	sadd.s32 $0x4800, s11;
	[dreg:$0xd] =	wrdreg s1  }
0x13: {  	s6 =	sadd.s32 $0x5000, s11;
	[dreg:$0xe] =	wrdreg s5  }
0x14: {  	s7 =	sadd.s32 $0x5800, s11;
	[dreg:$0xf] =	wrdreg s6  }
0x15: {  	s8 =	sadd.s32 $0x6000, s11;
	[dreg:$0x10] =	wrdreg s7  }
0x16: {  	s9 =	sadd.s32 $0x6800, s11;
	[dreg:$0x11] =	wrdreg s8  }
0x17: {  	s10 =	sadd.s32 $0x7000, s11;
	[dreg:$0x12] =	wrdreg s9  }
0x18: {  	s12 =	sadd.s32 $0x7800, s11;
	[dreg:$0x13] =	wrdreg s10  }
0x19: {  	s13 =	sadd.s32 $0x8000, s11;
	[dreg:$0x14] =	wrdreg s12  }
0x1a: {  	s14 =	sadd.s32 $0x8800, s11;
	[dreg:$0x15] =	wrdreg s13  }
0x1b: {  	s15 =	sadd.s32 $0x9000, s11;
	[dreg:$0x16] =	wrdreg s14  }
0x1c: {  	s16 =	sadd.s32 $0x9800, s11;
	[dreg:$0x17] =	wrdreg s15  }
0x1d: {  	s17 =	sadd.s32 $0xA000, s11;
	[dreg:$0x18] =	wrdreg s16  }
0x1e: {  	s18 =	sadd.s32 $0xA800, s11;
	[dreg:$0x19] =	wrdreg s17  }
0x1f: {  	s19 =	sadd.s32 $0xB000, s11;
	[dreg:$0x1a] =	wrdreg s18  }
0x20: {  	s21 =	sadd.s32 $0xB800, s11;
	[dreg:$0x1b] =	wrdreg s19  }
0x21: {  	s20 =	ssub.s32 $0x2, s4;
	s22 =	sadd.s32 $0xC000, s11;
	[dreg:$0x1c] =	wrdreg s21  }
0x22: {  	s4 =	sshrl.u32 s20, $0x1;
	s23 =	sadd.s32 $0xC800, s11;
	[dreg:$0x1d] =	wrdreg s22  }
0x23: {  	s1 =	ssub.s32 s20, s4;
	s5 =	sadd.s32 $0x100, s2;
	[dreg:$0x1e] =	wrdreg s23  }
0x24: {  	s24 =	sadd.s32 $0xD000, s11;
	s6 =	sadd.s32 $0x200, s2;
	s25 =	sadd.s32 $0xD800, s11  }
0x25: {  	s7 =	sadd.s32 $0x300, s2;
	s26 =	sadd.s32 $0xE000, s11;
	s8 =	sadd.s32 $0x400, s2  }
0x26: {  	s28 =	sadd.s32 $0xE800, s11;
	s9 =	sadd.s32 $0x500, s2;
	s29 =	sadd.s32 $0xF000, s11  }
0x27: {  	s10 =	sadd.s32 $0x600, s2;
	s30 =	sadd.s32 $0xF800, s11;
	[dreg:$0x1f] =	wrdreg s24  }
0x28: {  	s11 =	sadd.s32 $0x700, s2;
	s31 =	simm.s32 $0x28;
	[smem:$0x7F7] =	sst s25  }
0x29: {  	s4 =	simm.s32 $0x1;
	s15 =	simm.s32 $0x2;
	[smem:$0x7F8] =	sst s26  }
0x2a: {  	s16 =	simm.s32 $0x7;
	s13 =	simm.s32 $0x3;
	[smem:$0x7F9] =	sst s28  }
0x2b: {  	s18 =	simm.s32 $0x8;
	s19 =	simm.s32 $0x4;
	[smem:$0x7FA] =	sst s29  }
0x2c: {  	v0 =	vlaneseq.u32;
	s20 =	simm.s32 $0x9;
	s21 =	simm.s32 $0x5;
	[smem:$0x7FC] =	sst s30  }
0x2d: {  	v1 =	vshrl.u32 v0, $0x3;
	s23 =	simm.s32 $0xA;
	s1 =	smax.u32 s1, $0x1;
	[smem:$0x7FD] =	sst s31  }
0x2e: {  	vm0 =	vmmov $0xffff;
	v0 =	vand.u32 $0x7, v0;
	v1 =	vmul.u32 $0x8, v1;
	s24 =	simm.s32 $0x6;
	s25 =	simm.s32 $0xB;
	s26 =	simm.s32 $0xC  }
.LBB2_1:
0x2f: {  	[smem:$0x7F6] =	sst s1  }
0x30: {  	s28 =	rddreg [dreg:$0x4];
	s30 =	simm.s32 $0xD  }
0x31: {  	[tilespmem:s3], [sflag:$0xD] =	stream.linear.gather [hbm4b:s28+s3], $0x28, $0x38;
	[tilespmem:$0x18100] =	vst v63  }
0x32: {  	_ =	swait.ge [sflag:s30], $0x28  }
0x33: {  	[sflag:s30] =	ssyncset.done $0x0  }
0x34: {  	[sflag:s30] =	ssyncadd.s32 $0xFFFFFFD8  }
0x35: {  	v2 =	vld.msk [tilespmem:$0x0], $0xff;
	_ =	sdelay $0x4  }
0x36: {  	v3 =	vshll.u32 v2, $0x4  }
0x37: {  	v2 =	vand.u32 $0x7, v2;
	v3 =	vand.u32 $0xFFFFFF80, v3  }
0x38: {  	v2 =	vor.u32 v2, v3  }
0x39: {  	v2 =	vperm.xlane v2, v0;
	_ =	sdelay $0x1  }
0x3a: {  	v2 =	vadd.s32 v1, v2;
	_ =	sdelay $0x3  }
0x3b: {  	s0 =	simm.s32 $0x100  }
0x3c: {  	[tilespmem:s0], [sflag:$0x1] =	stream.indirect_vreg.gather [hbm4b:s2+s3], $0x80, v2, vm0, $0xb8;
	[tilespmem:$0x18100] =	vst v63  }
0x3d: {  	s17 =	simm.s32 $0x900  }
0x3e: {  	[tilespmem:s17], [sflag:$0x1] =	stream.indirect_vreg.gather [hbm4b:s5+s3], $0x80, v2, vm0, $0xb8;
	[tilespmem:$0x18100] =	vst v63  }
0x3f: {  	s22 =	simm.s32 $0x1100  }
0x40: {  	[tilespmem:s22], [sflag:$0x1] =	stream.indirect_vreg.gather [hbm4b:s6+s3], $0x80, v2, vm0, $0xb8;
	[tilespmem:$0x18100] =	vst v63  }
0x41: {  	s28 =	simm.s32 $0x1900  }
0x42: {  	[tilespmem:s28], [sflag:$0x1] =	stream.indirect_vreg.gather [hbm4b:s7+s3], $0x80, v2, vm0, $0xb8;
	[tilespmem:$0x18100] =	vst v63  }
0x43: {  	s29 =	simm.s32 $0x2100  }
0x44: {  	[tilespmem:s29], [sflag:$0x1] =	stream.indirect_vreg.gather [hbm4b:s8+s3], $0x80, v2, vm0, $0xb8;
	[tilespmem:$0x18100] =	vst v63  }
0x45: {  	s31 =	simm.s32 $0x2900  }
0x46: {  	[tilespmem:s31], [sflag:$0x1] =	stream.indirect_vreg.gather [hbm4b:s9+s3], $0x80, v2, vm0, $0xb8;
	[tilespmem:$0x18100] =	vst v63  }
0x47: {  	s1 =	simm.s32 $0x3100  }
0x48: {  	[tilespmem:s1], [sflag:$0x1] =	stream.indirect_vreg.gather [hbm4b:s10+s3], $0x80, v2, vm0, $0xb8;
	[tilespmem:$0x18100] =	vst v63  }
0x49: {  	s28 =	simm.s32 $0x3900  }
0x4a: {  	[tilespmem:s28], [sflag:$0x1] =	stream.indirect_vreg.gather [hbm4b:s11+s3], $0x80, v2, vm0, $0xb8;
	[tilespmem:$0x18100] =	vst v63  }
0x4b: {  	v2 =	vld.msk [tilespmem:$0x8], $0xff;
	_ =	sdelay $0x4  }
0x4c: {  	v3 =	vshll.u32 v2, $0x4  }
0x4d: {  	v2 =	vand.u32 $0x7, v2;
	v3 =	vand.u32 $0xFFFFFF80, v3  }
0x4e: {  	v2 =	vor.u32 v2, v3  }
0x4f: {  	v2 =	vperm.xlane v2, v0;
	_ =	sdelay $0x1  }
0x50: {  	v2 =	vadd.s32 v1, v2;
	_ =	sdelay $0x3  }
0x51: {  	s29 =	simm.s32 $0x4100  }
0x52: {  	[tilespmem:s29], [sflag:$0x2] =	stream.indirect_vreg.gather [hbm4b:s2+s3], $0x80, v2, vm0, $0xb8;
	[tilespmem:$0x18100] =	vst v63  }
0x53: {  	s1 =	simm.s32 $0x4900  }
0x54: {  	[tilespmem:s1], [sflag:$0x2] =	stream.indirect_vreg.gather [hbm4b:s5+s3], $0x80, v2, vm0, $0xb8;
	[tilespmem:$0x18100] =	vst v63  }
0x55: {  	s29 =	simm.s32 $0x5100  }
0x56: {  	[tilespmem:s29], [sflag:$0x2] =	stream.indirect_vreg.gather [hbm4b:s6+s3], $0x80, v2, vm0, $0xb8;
	[tilespmem:$0x18100] =	vst v63  }
0x57: {  	s0 =	simm.s32 $0x5900  }
0x58: {  	[tilespmem:s0], [sflag:$0x2] =	stream.indirect_vreg.gather [hbm4b:s7+s3], $0x80, v2, vm0, $0xb8;
	[tilespmem:$0x18100] =	vst v63  }
0x59: {  	s1 =	simm.s32 $0x6100  }
0x5a: {  	[tilespmem:s1], [sflag:$0x2] =	stream.indirect_vreg.gather [hbm4b:s8+s3], $0x80, v2, vm0, $0xb8;
	[tilespmem:$0x18100] =	vst v63  }
0x5b: {  	s29 =	simm.s32 $0x6900  }
0x5c: {  	[tilespmem:s29], [sflag:$0x2] =	stream.indirect_vreg.gather [hbm4b:s9+s3], $0x80, v2, vm0, $0xb8;
	[tilespmem:$0x18100] =	vst v63  }
0x5d: {  	s0 =	simm.s32 $0x7100  }
0x5e: {  	[tilespmem:s0], [sflag:$0x2] =	stream.indirect_vreg.gather [hbm4b:s10+s3], $0x80, v2, vm0, $0xb8;
	[tilespmem:$0x18100] =	vst v63  }
0x5f: {  	s1 =	simm.s32 $0x7900  }
0x60: {  	[tilespmem:s1], [sflag:$0x2] =	stream.indirect_vreg.gather [hbm4b:s11+s3], $0x80, v2, vm0, $0xb8;
	[tilespmem:$0x18100] =	vst v63  }
0x61: {  	v2 =	vld.msk [tilespmem:$0x10], $0xff;
	_ =	sdelay $0x4  }
0x62: {  	v3 =	vshll.u32 v2, $0x4  }
0x63: {  	v2 =	vand.u32 $0x7, v2;
	v3 =	vand.u32 $0xFFFFFF80, v3  }
0x64: {  	v2 =	vor.u32 v2, v3  }
0x65: {  	v2 =	vperm.xlane v2, v0;
	_ =	sdelay $0x1  }
0x66: {  	v2 =	vadd.s32 v1, v2;
	_ =	sdelay $0x3  }
0x67: {  	s28 =	simm.s32 $0x8100  }
0x68: {  	[tilespmem:s28], [sflag:$0x3] =	stream.indirect_vreg.gather [hbm4b:s2+s3], $0x80, v2, vm0, $0xb8;
	[tilespmem:$0x18100] =	vst v63  }
0x69: {  	s29 =	simm.s32 $0x8900  }
0x6a: {  	[tilespmem:s29], [sflag:$0x3] =	stream.indirect_vreg.gather [hbm4b:s5+s3], $0x80, v2, vm0, $0xb8;
	[tilespmem:$0x18100] =	vst v63  }
0x6b: {  	s1 =	simm.s32 $0x9100  }
0x6c: {  	[tilespmem:s1], [sflag:$0x3] =	stream.indirect_vreg.gather [hbm4b:s6+s3], $0x80, v2, vm0, $0xb8;
	[tilespmem:$0x18100] =	vst v63  }
0x6d: {  	s28 =	simm.s32 $0x9900  }
0x6e: {  	[tilespmem:s28], [sflag:$0x3] =	stream.indirect_vreg.gather [hbm4b:s7+s3], $0x80, v2, vm0, $0xb8;
	[tilespmem:$0x18100] =	vst v63  }
0x6f: {  	s29 =	simm.s32 $0xA100  }
0x70: {  	[tilespmem:s29], [sflag:$0x3] =	stream.indirect_vreg.gather [hbm4b:s8+s3], $0x80, v2, vm0, $0xb8;
	[tilespmem:$0x18100] =	vst v63  }
0x71: {  	s1 =	simm.s32 $0xA900  }
0x72: {  	[tilespmem:s1], [sflag:$0x3] =	stream.indirect_vreg.gather [hbm4b:s9+s3], $0x80, v2, vm0, $0xb8;
	[tilespmem:$0x18100] =	vst v63  }
0x73: {  	s28 =	simm.s32 $0xB100  }
0x74: {  	[tilespmem:s28], [sflag:$0x3] =	stream.indirect_vreg.gather [hbm4b:s10+s3], $0x80, v2, vm0, $0xb8;
	[tilespmem:$0x18100] =	vst v63  }
0x75: {  	s29 =	simm.s32 $0xB900  }
0x76: {  	[tilespmem:s29], [sflag:$0x3] =	stream.indirect_vreg.gather [hbm4b:s11+s3], $0x80, v2, vm0, $0xb8;
	[tilespmem:$0x18100] =	vst v63  }
0x77: {  	v2 =	vld.msk [tilespmem:$0x18], $0xff;
	_ =	sdelay $0x4  }
0x78: {  	v3 =	vshll.u32 v2, $0x4  }
0x79: {  	v2 =	vand.u32 $0x7, v2;
	v3 =	vand.u32 $0xFFFFFF80, v3  }
0x7a: {  	v2 =	vor.u32 v2, v3  }
0x7b: {  	v2 =	vperm.xlane v2, v0;
	_ =	sdelay $0x1  }
0x7c: {  	v2 =	vadd.s32 v1, v2;
	_ =	sdelay $0x3  }
0x7d: {  	s1 =	simm.s32 $0xC100  }
0x7e: {  	[tilespmem:s1], [sflag:$0x4] =	stream.indirect_vreg.gather [hbm4b:s2+s3], $0x80, v2, vm0, $0xb8;
	[tilespmem:$0x18100] =	vst v63  }
0x7f: {  	s28 =	simm.s32 $0xC900  }
0x80: {  	[tilespmem:s28], [sflag:$0x4] =	stream.indirect_vreg.gather [hbm4b:s5+s3], $0x80, v2, vm0, $0xb8;
	[tilespmem:$0x18100] =	vst v63  }
0x81: {  	s29 =	simm.s32 $0xD100  }
0x82: {  	[tilespmem:s29], [sflag:$0x4] =	stream.indirect_vreg.gather [hbm4b:s6+s3], $0x80, v2, vm0, $0xb8;
	[tilespmem:$0x18100] =	vst v63  }
0x83: {  	s1 =	simm.s32 $0xD900  }
0x84: {  	[tilespmem:s1], [sflag:$0x4] =	stream.indirect_vreg.gather [hbm4b:s7+s3], $0x80, v2, vm0, $0xb8;
	[tilespmem:$0x18100] =	vst v63  }
0x85: {  	s28 =	simm.s32 $0xE100  }
0x86: {  	[tilespmem:s28], [sflag:$0x4] =	stream.indirect_vreg.gather [hbm4b:s8+s3], $0x80, v2, vm0, $0xb8;
	[tilespmem:$0x18100] =	vst v63  }
0x87: {  	s29 =	simm.s32 $0xE900  }
0x88: {  	[tilespmem:s29], [sflag:$0x4] =	stream.indirect_vreg.gather [hbm4b:s9+s3], $0x80, v2, vm0, $0xb8;
	[tilespmem:$0x18100] =	vst v63  }
0x89: {  	s1 =	simm.s32 $0xF100  }
0x8a: {  	[tilespmem:s1], [sflag:$0x4] =	stream.indirect_vreg.gather [hbm4b:s10+s3], $0x80, v2, vm0, $0xb8;
	[tilespmem:$0x18100] =	vst v63  }
0x8b: {  	s28 =	simm.s32 $0xF900  }
0x8c: {  	[tilespmem:s28], [sflag:$0x4] =	stream.indirect_vreg.gather [hbm4b:s11+s3], $0x80, v2, vm0, $0xb8;
	[tilespmem:$0x18100] =	vst v63  }
0x8d: {  	v2 =	vld.msk [tilespmem:$0x20], $0xff;
	_ =	sdelay $0x4  }
0x8e: {  	v3 =	vshll.u32 v2, $0x4  }
0x8f: {  	v2 =	vand.u32 $0x7, v2;
	v3 =	vand.u32 $0xFFFFFF80, v3  }
0x90: {  	v2 =	vor.u32 v2, v3  }
0x91: {  	v2 =	vperm.xlane v2, v0;
	_ =	sdelay $0x1  }
0x92: {  	v2 =	vadd.s32 v1, v2;
	_ =	sdelay $0x3  }
0x93: {  	s29 =	simm.s32 $0x10100  }
0x94: {  	[tilespmem:s29], [sflag:$0x5] =	stream.indirect_vreg.gather [hbm4b:s2+s3], $0x80, v2, vm0, $0xb8;
	[tilespmem:$0x18100] =	vst v63  }
0x95: {  	s1 =	simm.s32 $0x10900  }
0x96: {  	[tilespmem:s1], [sflag:$0x5] =	stream.indirect_vreg.gather [hbm4b:s5+s3], $0x80, v2, vm0, $0xb8;
	[tilespmem:$0x18100] =	vst v63  }
0x97: {  	s28 =	simm.s32 $0x11100  }
0x98: {  	[tilespmem:s28], [sflag:$0x5] =	stream.indirect_vreg.gather [hbm4b:s6+s3], $0x80, v2, vm0, $0xb8;
	[tilespmem:$0x18100] =	vst v63  }
0x99: {  	s29 =	simm.s32 $0x11900  }
0x9a: {  	[tilespmem:s29], [sflag:$0x5] =	stream.indirect_vreg.gather [hbm4b:s7+s3], $0x80, v2, vm0, $0xb8;
	[tilespmem:$0x18100] =	vst v63  }
0x9b: {  	s1 =	simm.s32 $0x12100  }
0x9c: {  	[tilespmem:s1], [sflag:$0x5] =	stream.indirect_vreg.gather [hbm4b:s8+s3], $0x80, v2, vm0, $0xb8;
	[tilespmem:$0x18100] =	vst v63  }
0x9d: {  	s28 =	simm.s32 $0x12900  }
0x9e: {  	[tilespmem:s28], [sflag:$0x5] =	stream.indirect_vreg.gather [hbm4b:s9+s3], $0x80, v2, vm0, $0xb8;
	[tilespmem:$0x18100] =	vst v63  }
0x9f: {  	s29 =	simm.s32 $0x13100  }
0xa0: {  	[tilespmem:s29], [sflag:$0x5] =	stream.indirect_vreg.gather [hbm4b:s10+s3], $0x80, v2, vm0, $0xb8;
	[tilespmem:$0x18100] =	vst v63  }
0xa1: {  	s1 =	simm.s32 $0x13900;
	s29 =	sld [smem:$0x7FD]  }
0xa2: {  	[tilespmem:s1], [sflag:$0x5] =	stream.indirect_vreg.gather [hbm4b:s11+s3], $0x80, v2, vm0, $0xb8;
	[tilespmem:$0x18100] =	vst v63  }
0xa3: {  	s28 =	rddreg [dreg:$0x5]  }
0xa4: {  	[tilespmem:s29], [sflag:$0xD] =	stream.linear.gather [hbm4b:s28+s3], $0xD8, $0x38;
	[tilespmem:$0x18100] =	vst v63  }
0xa5: {  	_ =	swait.ge [sflag:s30], $0xD8  }
0xa6: {  	[sflag:s30] =	ssyncset.done $0x0  }
0xa7: {  	[sflag:s30] =	ssyncadd.s32 $0xFFFFFF28  }
0xa8: {  	_ =	swait.ge [sflag:s4], $0x4000  }
0xa9: {  	s29 =	sld [smem:$0x7FB]  }
0xaa: {  	[sflag:s4] =	ssyncset.done $0x0  }
0xab: {  	s0 =	simm.s32 $0x100;
	[sflag:s4] =	ssyncadd.s32 $0xFFFFC000  }
0xac: {  	[hbm4b:s29+s3] =	stream.linear.scatter [tilespmem:s0], [sflag:$0x7], $0x4000, $0x38;
	[tilespmem:$0x18100] =	vst v63  }
0xad: {  	v2 =	vld.msk [tilespmem:$0x28], $0xff;
	_ =	sdelay $0x4  }
0xae: {  	v3 =	vshll.u32 v2, $0x4  }
0xaf: {  	v2 =	vand.u32 $0x7, v2;
	v3 =	vand.u32 $0xFFFFFF80, v3  }
0xb0: {  	v2 =	vor.u32 v2, v3  }
0xb1: {  	v2 =	vperm.xlane v2, v0;
	_ =	sdelay $0x1  }
0xb2: {  	v2 =	vadd.s32 v1, v2;
	_ =	sdelay $0x3  }
0xb3: {  	s30 =	simm.s32 $0x14100  }
0xb4: {  	[tilespmem:s30], [sflag:$0x6] =	stream.indirect_vreg.gather [hbm4b:s2+s3], $0x80, v2, vm0, $0xb8;
	[tilespmem:$0x18100] =	vst v63  }
0xb5: {  	s28 =	simm.s32 $0x14900  }
0xb6: {  	[tilespmem:s28], [sflag:$0x6] =	stream.indirect_vreg.gather [hbm4b:s5+s3], $0x80, v2, vm0, $0xb8;
	[tilespmem:$0x18100] =	vst v63  }
0xb7: {  	s29 =	simm.s32 $0x15100  }
0xb8: {  	[tilespmem:s29], [sflag:$0x6] =	stream.indirect_vreg.gather [hbm4b:s6+s3], $0x80, v2, vm0, $0xb8;
	[tilespmem:$0x18100] =	vst v63  }
0xb9: {  	s30 =	simm.s32 $0x15900  }
0xba: {  	[tilespmem:s30], [sflag:$0x6] =	stream.indirect_vreg.gather [hbm4b:s7+s3], $0x80, v2, vm0, $0xb8;
	[tilespmem:$0x18100] =	vst v63  }
0xbb: {  	s28 =	simm.s32 $0x16100  }
0xbc: {  	[tilespmem:s28], [sflag:$0x6] =	stream.indirect_vreg.gather [hbm4b:s8+s3], $0x80, v2, vm0, $0xb8;
	[tilespmem:$0x18100] =	vst v63  }
0xbd: {  	s29 =	simm.s32 $0x16900  }
0xbe: {  	[tilespmem:s29], [sflag:$0x6] =	stream.indirect_vreg.gather [hbm4b:s9+s3], $0x80, v2, vm0, $0xb8;
	[tilespmem:$0x18100] =	vst v63  }
0xbf: {  	s30 =	simm.s32 $0x17100  }
0xc0: {  	[tilespmem:s30], [sflag:$0x6] =	stream.indirect_vreg.gather [hbm4b:s10+s3], $0x80, v2, vm0, $0xb8;
	[tilespmem:$0x18100] =	vst v63  }
0xc1: {  	s28 =	simm.s32 $0x17900  }
0xc2: {  	[tilespmem:s28], [sflag:$0x6] =	stream.indirect_vreg.gather [hbm4b:s11+s3], $0x80, v2, vm0, $0xb8;
	[tilespmem:$0x18100] =	vst v63  }
0xc3: {  	_ =	swait.ge [sflag:s15], $0x4000  }
0xc4: {  	[sflag:s15] =	ssyncset.done $0x0  }
0xc5: {  	s30 =	simm.s32 $0x4100;
	s29 =	rddreg [dreg:$0x6];
	[sflag:s15] =	ssyncadd.s32 $0xFFFFC000  }
0xc6: {  	[hbm4b:s29+s3] =	stream.linear.scatter [tilespmem:s30], [sflag:$0x8], $0x4000, $0x38;
	[tilespmem:$0x18100] =	vst v63  }
0xc7: {  	_ =	swait.ge [sflag:s16], $0x4000  }
0xc8: {  	[sflag:s16] =	ssyncset.done $0x0  }
0xc9: {  	[sflag:s16] =	ssyncadd.s32 $0xFFFFC000  }
0xca: {  	v2 =	vld.msk [tilespmem:$0x30], $0xff;
	_ =	sdelay $0x4  }
0xcb: {  	v3 =	vshll.u32 v2, $0x4  }
0xcc: {  	v2 =	vand.u32 $0x7, v2;
	v3 =	vand.u32 $0xFFFFFF80, v3  }
0xcd: {  	v2 =	vor.u32 v2, v3  }
0xce: {  	v2 =	vperm.xlane v2, v0;
	_ =	sdelay $0x1  }
0xcf: {  	v2 =	vadd.s32 v1, v2;
	_ =	sdelay $0x4  }
0xd0: {  	[tilespmem:s0], [sflag:$0x1] =	stream.indirect_vreg.gather [hbm4b:s2+s3], $0x80, v2, vm0, $0xb8;
	[tilespmem:$0x18100] =	vst v63  }
0xd1: {  	s12 =	simm.s32 $0x900  }
0xd2: {  	[tilespmem:s12], [sflag:$0x1] =	stream.indirect_vreg.gather [hbm4b:s5+s3], $0x80, v2, vm0, $0xb8;
	[tilespmem:$0x18100] =	vst v63  }
0xd3: {  	s17 =	simm.s32 $0x1100  }
0xd4: {  	[tilespmem:s17], [sflag:$0x1] =	stream.indirect_vreg.gather [hbm4b:s6+s3], $0x80, v2, vm0, $0xb8;
	[tilespmem:$0x18100] =	vst v63  }
0xd5: {  	s14 =	simm.s32 $0x1900  }
0xd6: {  	[tilespmem:s14], [sflag:$0x1] =	stream.indirect_vreg.gather [hbm4b:s7+s3], $0x80, v2, vm0, $0xb8;
	[tilespmem:$0x18100] =	vst v63  }
0xd7: {  	s22 =	simm.s32 $0x2100  }
0xd8: {  	[tilespmem:s22], [sflag:$0x1] =	stream.indirect_vreg.gather [hbm4b:s8+s3], $0x80, v2, vm0, $0xb8;
	[tilespmem:$0x18100] =	vst v63  }
0xd9: {  	s31 =	simm.s32 $0x2900  }
0xda: {  	[tilespmem:s31], [sflag:$0x1] =	stream.indirect_vreg.gather [hbm4b:s9+s3], $0x80, v2, vm0, $0xb8;
	[tilespmem:$0x18100] =	vst v63  }
0xdb: {  	s12 =	simm.s32 $0x3100  }
0xdc: {  	[tilespmem:s12], [sflag:$0x1] =	stream.indirect_vreg.gather [hbm4b:s10+s3], $0x80, v2, vm0, $0xb8;
	[tilespmem:$0x18100] =	vst v63  }
0xdd: {  	s31 =	simm.s32 $0x3900  }
0xde: {  	[tilespmem:s31], [sflag:$0x1] =	stream.indirect_vreg.gather [hbm4b:s11+s3], $0x80, v2, vm0, $0xb8;
	[tilespmem:$0x18100] =	vst v63  }
0xdf: {  	_ =	swait.ge [sflag:s13], $0x4000  }
0xe0: {  	[sflag:s13] =	ssyncset.done $0x0  }
0xe1: {  	s17 =	simm.s32 $0x8100;
	s0 =	rddreg [dreg:$0x7];
	[sflag:s13] =	ssyncadd.s32 $0xFFFFC000  }
0xe2: {  	[hbm4b:s0+s3] =	stream.linear.scatter [tilespmem:s17], [sflag:$0x9], $0x4000, $0x38;
	[tilespmem:$0x18100] =	vst v63  }
0xe3: {  	_ =	swait.ge [sflag:s18], $0x4000  }
0xe4: {  	[sflag:s18] =	ssyncset.done $0x0  }
0xe5: {  	[sflag:s18] =	ssyncadd.s32 $0xFFFFC000  }
0xe6: {  	v2 =	vld.msk [tilespmem:$0x38], $0xff;
	_ =	sdelay $0x4  }
0xe7: {  	v3 =	vshll.u32 v2, $0x4  }
0xe8: {  	v2 =	vand.u32 $0x7, v2;
	v3 =	vand.u32 $0xFFFFFF80, v3  }
0xe9: {  	v2 =	vor.u32 v2, v3  }
0xea: {  	v2 =	vperm.xlane v2, v0;
	_ =	sdelay $0x1  }
0xeb: {  	v2 =	vadd.s32 v1, v2;
	_ =	sdelay $0x4  }
0xec: {  	[tilespmem:s30], [sflag:$0x2] =	stream.indirect_vreg.gather [hbm4b:s2+s3], $0x80, v2, vm0, $0xb8;
	[tilespmem:$0x18100] =	vst v63  }
0xed: {  	s31 =	simm.s32 $0x4900  }
0xee: {  	[tilespmem:s31], [sflag:$0x2] =	stream.indirect_vreg.gather [hbm4b:s5+s3], $0x80, v2, vm0, $0xb8;
	[tilespmem:$0x18100] =	vst v63  }
0xef: {  	s14 =	simm.s32 $0x5100  }
0xf0: {  	[tilespmem:s14], [sflag:$0x2] =	stream.indirect_vreg.gather [hbm4b:s6+s3], $0x80, v2, vm0, $0xb8;
	[tilespmem:$0x18100] =	vst v63  }
0xf1: {  	s22 =	simm.s32 $0x5900  }
0xf2: {  	[tilespmem:s22], [sflag:$0x2] =	stream.indirect_vreg.gather [hbm4b:s7+s3], $0x80, v2, vm0, $0xb8;
	[tilespmem:$0x18100] =	vst v63  }
0xf3: {  	s28 =	simm.s32 $0x6100  }
0xf4: {  	[tilespmem:s28], [sflag:$0x2] =	stream.indirect_vreg.gather [hbm4b:s8+s3], $0x80, v2, vm0, $0xb8;
	[tilespmem:$0x18100] =	vst v63  }
0xf5: {  	s29 =	simm.s32 $0x6900  }
0xf6: {  	[tilespmem:s29], [sflag:$0x2] =	stream.indirect_vreg.gather [hbm4b:s9+s3], $0x80, v2, vm0, $0xb8;
	[tilespmem:$0x18100] =	vst v63  }
0xf7: {  	s30 =	simm.s32 $0x7100  }
0xf8: {  	[tilespmem:s30], [sflag:$0x2] =	stream.indirect_vreg.gather [hbm4b:s10+s3], $0x80, v2, vm0, $0xb8;
	[tilespmem:$0x18100] =	vst v63  }
0xf9: {  	s1 =	simm.s32 $0x7900  }
0xfa: {  	[tilespmem:s1], [sflag:$0x2] =	stream.indirect_vreg.gather [hbm4b:s11+s3], $0x80, v2, vm0, $0xb8;
	[tilespmem:$0x18100] =	vst v63  }
0xfb: {  	_ =	swait.ge [sflag:s19], $0x4000  }
0xfc: {  	[sflag:s19] =	ssyncset.done $0x0  }
0xfd: {  	s0 =	simm.s32 $0xC100;
	s14 =	rddreg [dreg:$0x8];
	[sflag:s19] =	ssyncadd.s32 $0xFFFFC000  }
0xfe: {  	[hbm4b:s14+s3] =	stream.linear.scatter [tilespmem:s0], [sflag:$0xA], $0x4000, $0x38;
	[tilespmem:$0x18100] =	vst v63  }
0xff: {  	_ =	swait.ge [sflag:s20], $0x4000  }
0x100: {  	[sflag:s20] =	ssyncset.done $0x0  }
0x101: {  	[sflag:s20] =	ssyncadd.s32 $0xFFFFC000  }
0x102: {  	v2 =	vld.msk [tilespmem:$0x40], $0xff;
	_ =	sdelay $0x4  }
0x103: {  	v3 =	vshll.u32 v2, $0x4  }
0x104: {  	v2 =	vand.u32 $0x7, v2;
	v3 =	vand.u32 $0xFFFFFF80, v3  }
0x105: {  	v2 =	vor.u32 v2, v3  }
0x106: {  	v2 =	vperm.xlane v2, v0;
	_ =	sdelay $0x1  }
0x107: {  	v2 =	vadd.s32 v1, v2;
	_ =	sdelay $0x4  }
0x108: {  	[tilespmem:s17], [sflag:$0x3] =	stream.indirect_vreg.gather [hbm4b:s2+s3], $0x80, v2, vm0, $0xb8;
	[tilespmem:$0x18100] =	vst v63  }
0x109: {  	s29 =	simm.s32 $0x8900  }
0x10a: {  	[tilespmem:s29], [sflag:$0x3] =	stream.indirect_vreg.gather [hbm4b:s5+s3], $0x80, v2, vm0, $0xb8;
	[tilespmem:$0x18100] =	vst v63  }
0x10b: {  	s17 =	simm.s32 $0x9100  }
0x10c: {  	[tilespmem:s17], [sflag:$0x3] =	stream.indirect_vreg.gather [hbm4b:s6+s3], $0x80, v2, vm0, $0xb8;
	[tilespmem:$0x18100] =	vst v63  }
0x10d: {  	s22 =	simm.s32 $0x9900  }
0x10e: {  	[tilespmem:s22], [sflag:$0x3] =	stream.indirect_vreg.gather [hbm4b:s7+s3], $0x80, v2, vm0, $0xb8;
	[tilespmem:$0x18100] =	vst v63  }
0x10f: {  	s28 =	simm.s32 $0xA100  }
0x110: {  	[tilespmem:s28], [sflag:$0x3] =	stream.indirect_vreg.gather [hbm4b:s8+s3], $0x80, v2, vm0, $0xb8;
	[tilespmem:$0x18100] =	vst v63  }
0x111: {  	s30 =	simm.s32 $0xA900  }
0x112: {  	[tilespmem:s30], [sflag:$0x3] =	stream.indirect_vreg.gather [hbm4b:s9+s3], $0x80, v2, vm0, $0xb8;
	[tilespmem:$0x18100] =	vst v63  }
0x113: {  	s14 =	simm.s32 $0xB100  }
0x114: {  	[tilespmem:s14], [sflag:$0x3] =	stream.indirect_vreg.gather [hbm4b:s10+s3], $0x80, v2, vm0, $0xb8;
	[tilespmem:$0x18100] =	vst v63  }
0x115: {  	s17 =	simm.s32 $0xB900  }
0x116: {  	[tilespmem:s17], [sflag:$0x3] =	stream.indirect_vreg.gather [hbm4b:s11+s3], $0x80, v2, vm0, $0xb8;
	[tilespmem:$0x18100] =	vst v63  }
0x117: {  	_ =	swait.ge [sflag:s21], $0x4000  }
0x118: {  	[sflag:s21] =	ssyncset.done $0x0  }
0x119: {  	s17 =	simm.s32 $0x10100;
	s22 =	rddreg [dreg:$0x9];
	[sflag:s21] =	ssyncadd.s32 $0xFFFFC000  }
0x11a: {  	[hbm4b:s22+s3] =	stream.linear.scatter [tilespmem:s17], [sflag:$0xB], $0x4000, $0x38;
	[tilespmem:$0x18100] =	vst v63  }
0x11b: {  	_ =	swait.ge [sflag:s23], $0x4000  }
0x11c: {  	[sflag:s23] =	ssyncset.done $0x0  }
0x11d: {  	[sflag:s23] =	ssyncadd.s32 $0xFFFFC000  }
0x11e: {  	v2 =	vld.msk [tilespmem:$0x48], $0xff;
	_ =	sdelay $0x4  }
0x11f: {  	v3 =	vshll.u32 v2, $0x4  }
0x120: {  	v2 =	vand.u32 $0x7, v2;
	v3 =	vand.u32 $0xFFFFFF80, v3  }
0x121: {  	v2 =	vor.u32 v2, v3  }
0x122: {  	v2 =	vperm.xlane v2, v0;
	_ =	sdelay $0x1  }
0x123: {  	v2 =	vadd.s32 v1, v2;
	_ =	sdelay $0x4  }
0x124: {  	[tilespmem:s0], [sflag:$0x4] =	stream.indirect_vreg.gather [hbm4b:s2+s3], $0x80, v2, vm0, $0xb8;
	[tilespmem:$0x18100] =	vst v63  }
0x125: {  	s22 =	simm.s32 $0xC900  }
0x126: {  	[tilespmem:s22], [sflag:$0x4] =	stream.indirect_vreg.gather [hbm4b:s5+s3], $0x80, v2, vm0, $0xb8;
	[tilespmem:$0x18100] =	vst v63  }
0x127: {  	s30 =	simm.s32 $0xD100  }
0x128: {  	[tilespmem:s30], [sflag:$0x4] =	stream.indirect_vreg.gather [hbm4b:s6+s3], $0x80, v2, vm0, $0xb8;
	[tilespmem:$0x18100] =	vst v63  }
0x129: {  	s1 =	simm.s32 $0xD900  }
0x12a: {  	[tilespmem:s1], [sflag:$0x4] =	stream.indirect_vreg.gather [hbm4b:s7+s3], $0x80, v2, vm0, $0xb8;
	[tilespmem:$0x18100] =	vst v63  }
0x12b: {  	s14 =	simm.s32 $0xE100  }
0x12c: {  	[tilespmem:s14], [sflag:$0x4] =	stream.indirect_vreg.gather [hbm4b:s8+s3], $0x80, v2, vm0, $0xb8;
	[tilespmem:$0x18100] =	vst v63  }
0x12d: {  	s28 =	simm.s32 $0xE900  }
0x12e: {  	[tilespmem:s28], [sflag:$0x4] =	stream.indirect_vreg.gather [hbm4b:s9+s3], $0x80, v2, vm0, $0xb8;
	[tilespmem:$0x18100] =	vst v63  }
0x12f: {  	s30 =	simm.s32 $0xF100  }
0x130: {  	[tilespmem:s30], [sflag:$0x4] =	stream.indirect_vreg.gather [hbm4b:s10+s3], $0x80, v2, vm0, $0xb8;
	[tilespmem:$0x18100] =	vst v63  }
0x131: {  	s1 =	simm.s32 $0xF900  }
0x132: {  	[tilespmem:s1], [sflag:$0x4] =	stream.indirect_vreg.gather [hbm4b:s11+s3], $0x80, v2, vm0, $0xb8;
	[tilespmem:$0x18100] =	vst v63  }
0x133: {  	_ =	swait.ge [sflag:s24], $0x4000  }
0x134: {  	[sflag:s24] =	ssyncset.done $0x0  }
0x135: {  	s0 =	simm.s32 $0x14100;
	s14 =	rddreg [dreg:$0xa];
	[sflag:s24] =	ssyncadd.s32 $0xFFFFC000  }
0x136: {  	[hbm4b:s14+s3] =	stream.linear.scatter [tilespmem:s0], [sflag:$0xC], $0x4000, $0x38;
	[tilespmem:$0x18100] =	vst v63  }
0x137: {  	_ =	swait.ge [sflag:s25], $0x4000  }
0x138: {  	[sflag:s25] =	ssyncset.done $0x0  }
0x139: {  	[sflag:s25] =	ssyncadd.s32 $0xFFFFC000  }
0x13a: {  	v2 =	vld.msk [tilespmem:$0x50], $0xff;
	_ =	sdelay $0x4  }
0x13b: {  	v3 =	vshll.u32 v2, $0x4  }
0x13c: {  	v2 =	vand.u32 $0x7, v2;
	v3 =	vand.u32 $0xFFFFFF80, v3  }
0x13d: {  	v2 =	vor.u32 v2, v3  }
0x13e: {  	v2 =	vperm.xlane v2, v0;
	_ =	sdelay $0x1  }
0x13f: {  	v2 =	vadd.s32 v1, v2;
	_ =	sdelay $0x4  }
0x140: {  	[tilespmem:s17], [sflag:$0x5] =	stream.indirect_vreg.gather [hbm4b:s2+s3], $0x80, v2, vm0, $0xb8;
	[tilespmem:$0x18100] =	vst v63  }
0x141: {  	s28 =	simm.s32 $0x10900  }
0x142: {  	[tilespmem:s28], [sflag:$0x5] =	stream.indirect_vreg.gather [hbm4b:s5+s3], $0x80, v2, vm0, $0xb8;
	[tilespmem:$0x18100] =	vst v63  }
0x143: {  	s30 =	simm.s32 $0x11100  }
0x144: {  	[tilespmem:s30], [sflag:$0x5] =	stream.indirect_vreg.gather [hbm4b:s6+s3], $0x80, v2, vm0, $0xb8;
	[tilespmem:$0x18100] =	vst v63  }
0x145: {  	s14 =	simm.s32 $0x11900  }
0x146: {  	[tilespmem:s14], [sflag:$0x5] =	stream.indirect_vreg.gather [hbm4b:s7+s3], $0x80, v2, vm0, $0xb8;
	[tilespmem:$0x18100] =	vst v63  }
0x147: {  	s17 =	simm.s32 $0x12100  }
0x148: {  	[tilespmem:s17], [sflag:$0x5] =	stream.indirect_vreg.gather [hbm4b:s8+s3], $0x80, v2, vm0, $0xb8;
	[tilespmem:$0x18100] =	vst v63  }
0x149: {  	s28 =	simm.s32 $0x12900  }
0x14a: {  	[tilespmem:s28], [sflag:$0x5] =	stream.indirect_vreg.gather [hbm4b:s9+s3], $0x80, v2, vm0, $0xb8;
	[tilespmem:$0x18100] =	vst v63  }
0x14b: {  	s30 =	simm.s32 $0x13100  }
0x14c: {  	[tilespmem:s30], [sflag:$0x5] =	stream.indirect_vreg.gather [hbm4b:s10+s3], $0x80, v2, vm0, $0xb8;
	[tilespmem:$0x18100] =	vst v63  }
0x14d: {  	s14 =	simm.s32 $0x13900  }
0x14e: {  	[tilespmem:s14], [sflag:$0x5] =	stream.indirect_vreg.gather [hbm4b:s11+s3], $0x80, v2, vm0, $0xb8;
	[tilespmem:$0x18100] =	vst v63  }
0x14f: {  	_ =	swait.ge [sflag:s4], $0x4000  }
0x150: {  	[sflag:s4] =	ssyncset.done $0x0  }
0x151: {  	s1 =	simm.s32 $0x100;
	s17 =	rddreg [dreg:$0xb];
	[sflag:s4] =	ssyncadd.s32 $0xFFFFC000  }
0x152: {  	[hbm4b:s17+s3] =	stream.linear.scatter [tilespmem:s1], [sflag:$0x7], $0x4000, $0x38;
	[tilespmem:$0x18100] =	vst v63  }
0x153: {  	_ =	swait.ge [sflag:s26], $0x4000  }
0x154: {  	[sflag:s26] =	ssyncset.done $0x0  }
0x155: {  	[sflag:s26] =	ssyncadd.s32 $0xFFFFC000  }
0x156: {  	v2 =	vld.msk [tilespmem:$0x58], $0xff;
	_ =	sdelay $0x4  }
0x157: {  	v3 =	vshll.u32 v2, $0x4  }
0x158: {  	v2 =	vand.u32 $0x7, v2;
	v3 =	vand.u32 $0xFFFFFF80, v3  }
0x159: {  	v2 =	vor.u32 v2, v3  }
0x15a: {  	v2 =	vperm.xlane v2, v0;
	_ =	sdelay $0x1  }
0x15b: {  	v2 =	vadd.s32 v1, v2;
	_ =	sdelay $0x4  }
0x15c: {  	[tilespmem:s0], [sflag:$0x6] =	stream.indirect_vreg.gather [hbm4b:s2+s3], $0x80, v2, vm0, $0xb8;
	[tilespmem:$0x18100] =	vst v63  }
0x15d: {  	s14 =	simm.s32 $0x14900  }
0x15e: {  	[tilespmem:s14], [sflag:$0x6] =	stream.indirect_vreg.gather [hbm4b:s5+s3], $0x80, v2, vm0, $0xb8;
	[tilespmem:$0x18100] =	vst v63  }
0x15f: {  	s30 =	simm.s32 $0x15100  }
0x160: {  	[tilespmem:s30], [sflag:$0x6] =	stream.indirect_vreg.gather [hbm4b:s6+s3], $0x80, v2, vm0, $0xb8;
	[tilespmem:$0x18100] =	vst v63  }
0x161: {  	s17 =	simm.s32 $0x15900  }
0x162: {  	[tilespmem:s17], [sflag:$0x6] =	stream.indirect_vreg.gather [hbm4b:s7+s3], $0x80, v2, vm0, $0xb8;
	[tilespmem:$0x18100] =	vst v63  }
0x163: {  	s28 =	simm.s32 $0x16100  }
0x164: {  	[tilespmem:s28], [sflag:$0x6] =	stream.indirect_vreg.gather [hbm4b:s8+s3], $0x80, v2, vm0, $0xb8;
	[tilespmem:$0x18100] =	vst v63  }
0x165: {  	s30 =	simm.s32 $0x16900  }
0x166: {  	[tilespmem:s30], [sflag:$0x6] =	stream.indirect_vreg.gather [hbm4b:s9+s3], $0x80, v2, vm0, $0xb8;
	[tilespmem:$0x18100] =	vst v63  }
0x167: {  	s17 =	simm.s32 $0x17100  }
0x168: {  	[tilespmem:s17], [sflag:$0x6] =	stream.indirect_vreg.gather [hbm4b:s10+s3], $0x80, v2, vm0, $0xb8;
	[tilespmem:$0x18100] =	vst v63  }
0x169: {  	s28 =	simm.s32 $0x17900  }
0x16a: {  	[tilespmem:s28], [sflag:$0x6] =	stream.indirect_vreg.gather [hbm4b:s11+s3], $0x80, v2, vm0, $0xb8;
	[tilespmem:$0x18100] =	vst v63  }
0x16b: {  	_ =	swait.ge [sflag:s15], $0x4000  }
0x16c: {  	[sflag:s15] =	ssyncset.done $0x0  }
0x16d: {  	s0 =	simm.s32 $0x4100;
	s30 =	rddreg [dreg:$0xc];
	[sflag:s15] =	ssyncadd.s32 $0xFFFFC000  }
0x16e: {  	[hbm4b:s30+s3] =	stream.linear.scatter [tilespmem:s0], [sflag:$0x8], $0x4000, $0x38;
	[tilespmem:$0x18100] =	vst v63  }
0x16f: {  	_ =	swait.ge [sflag:s16], $0x4000  }
0x170: {  	[sflag:s16] =	ssyncset.done $0x0  }
0x171: {  	[sflag:s16] =	ssyncadd.s32 $0xFFFFC000  }
0x172: {  	v2 =	vld.msk [tilespmem:$0x60], $0xff;
	_ =	sdelay $0x4  }
0x173: {  	v3 =	vshll.u32 v2, $0x4  }
0x174: {  	v2 =	vand.u32 $0x7, v2;
	v3 =	vand.u32 $0xFFFFFF80, v3  }
0x175: {  	v2 =	vor.u32 v2, v3  }
0x176: {  	v2 =	vperm.xlane v2, v0;
	_ =	sdelay $0x1  }
0x177: {  	v2 =	vadd.s32 v1, v2;
	_ =	sdelay $0x4  }
0x178: {  	[tilespmem:s1], [sflag:$0x1] =	stream.indirect_vreg.gather [hbm4b:s2+s3], $0x80, v2, vm0, $0xb8;
	[tilespmem:$0x18100] =	vst v63  }
0x179: {  	s30 =	simm.s32 $0x900  }
0x17a: {  	[tilespmem:s30], [sflag:$0x1] =	stream.indirect_vreg.gather [hbm4b:s5+s3], $0x80, v2, vm0, $0xb8;
	[tilespmem:$0x18100] =	vst v63  }
0x17b: {  	s17 =	simm.s32 $0x1100  }
0x17c: {  	[tilespmem:s17], [sflag:$0x1] =	stream.indirect_vreg.gather [hbm4b:s6+s3], $0x80, v2, vm0, $0xb8;
	[tilespmem:$0x18100] =	vst v63  }
0x17d: {  	s28 =	simm.s32 $0x1900  }
0x17e: {  	[tilespmem:s28], [sflag:$0x1] =	stream.indirect_vreg.gather [hbm4b:s7+s3], $0x80, v2, vm0, $0xb8;
	[tilespmem:$0x18100] =	vst v63  }
0x17f: {  	s17 =	simm.s32 $0x2100  }
0x180: {  	[tilespmem:s17], [sflag:$0x1] =	stream.indirect_vreg.gather [hbm4b:s8+s3], $0x80, v2, vm0, $0xb8;
	[tilespmem:$0x18100] =	vst v63  }
0x181: {  	s28 =	simm.s32 $0x2900  }
0x182: {  	[tilespmem:s28], [sflag:$0x1] =	stream.indirect_vreg.gather [hbm4b:s9+s3], $0x80, v2, vm0, $0xb8;
	[tilespmem:$0x18100] =	vst v63  }
0x183: {  	_ = 	snop  }
0x184: {  	[tilespmem:s12], [sflag:$0x1] =	stream.indirect_vreg.gather [hbm4b:s10+s3], $0x80, v2, vm0, $0xb8;
	[tilespmem:$0x18100] =	vst v63  }
0x185: {  	s12 =	simm.s32 $0x3900  }
0x186: {  	[tilespmem:s12], [sflag:$0x1] =	stream.indirect_vreg.gather [hbm4b:s11+s3], $0x80, v2, vm0, $0xb8;
	[tilespmem:$0x18100] =	vst v63  }
0x187: {  	_ =	swait.ge [sflag:s13], $0x4000  }
0x188: {  	[sflag:s13] =	ssyncset.done $0x0  }
0x189: {  	s12 =	simm.s32 $0x8100;
	s17 =	rddreg [dreg:$0xd];
	[sflag:s13] =	ssyncadd.s32 $0xFFFFC000  }
0x18a: {  	[hbm4b:s17+s3] =	stream.linear.scatter [tilespmem:s12], [sflag:$0x9], $0x4000, $0x38;
	[tilespmem:$0x18100] =	vst v63  }
0x18b: {  	_ =	swait.ge [sflag:s18], $0x4000  }
0x18c: {  	[sflag:s18] =	ssyncset.done $0x0  }
0x18d: {  	[sflag:s18] =	ssyncadd.s32 $0xFFFFC000  }
0x18e: {  	v2 =	vld.msk [tilespmem:$0x68], $0xff;
	_ =	sdelay $0x4  }
0x18f: {  	v3 =	vshll.u32 v2, $0x4  }
0x190: {  	v2 =	vand.u32 $0x7, v2;
	v3 =	vand.u32 $0xFFFFFF80, v3  }
0x191: {  	v2 =	vor.u32 v2, v3  }
0x192: {  	v2 =	vperm.xlane v2, v0;
	_ =	sdelay $0x1  }
0x193: {  	v2 =	vadd.s32 v1, v2;
	_ =	sdelay $0x4  }
0x194: {  	[tilespmem:s0], [sflag:$0x2] =	stream.indirect_vreg.gather [hbm4b:s2+s3], $0x80, v2, vm0, $0xb8;
	[tilespmem:$0x18100] =	vst v63  }
0x195: {  	_ = 	snop  }
0x196: {  	[tilespmem:s31], [sflag:$0x2] =	stream.indirect_vreg.gather [hbm4b:s5+s3], $0x80, v2, vm0, $0xb8;
	[tilespmem:$0x18100] =	vst v63  }
0x197: {  	s31 =	simm.s32 $0x5100  }
0x198: {  	[tilespmem:s31], [sflag:$0x2] =	stream.indirect_vreg.gather [hbm4b:s6+s3], $0x80, v2, vm0, $0xb8;
	[tilespmem:$0x18100] =	vst v63  }
0x199: {  	s1 =	simm.s32 $0x5900  }
0x19a: {  	[tilespmem:s1], [sflag:$0x2] =	stream.indirect_vreg.gather [hbm4b:s7+s3], $0x80, v2, vm0, $0xb8;
	[tilespmem:$0x18100] =	vst v63  }
0x19b: {  	s17 =	simm.s32 $0x6100  }
0x19c: {  	[tilespmem:s17], [sflag:$0x2] =	stream.indirect_vreg.gather [hbm4b:s8+s3], $0x80, v2, vm0, $0xb8;
	[tilespmem:$0x18100] =	vst v63  }
0x19d: {  	s28 =	simm.s32 $0x6900  }
0x19e: {  	[tilespmem:s28], [sflag:$0x2] =	stream.indirect_vreg.gather [hbm4b:s9+s3], $0x80, v2, vm0, $0xb8;
	[tilespmem:$0x18100] =	vst v63  }
0x19f: {  	s31 =	simm.s32 $0x7100  }
0x1a0: {  	[tilespmem:s31], [sflag:$0x2] =	stream.indirect_vreg.gather [hbm4b:s10+s3], $0x80, v2, vm0, $0xb8;
	[tilespmem:$0x18100] =	vst v63  }
0x1a1: {  	s1 =	simm.s32 $0x7900  }
0x1a2: {  	[tilespmem:s1], [sflag:$0x2] =	stream.indirect_vreg.gather [hbm4b:s11+s3], $0x80, v2, vm0, $0xb8;
	[tilespmem:$0x18100] =	vst v63  }
0x1a3: {  	_ =	swait.ge [sflag:s19], $0x4000  }
0x1a4: {  	[sflag:s19] =	ssyncset.done $0x0  }
0x1a5: {  	s0 =	simm.s32 $0xC100;
	s17 =	rddreg [dreg:$0xe];
	[sflag:s19] =	ssyncadd.s32 $0xFFFFC000  }
0x1a6: {  	[hbm4b:s17+s3] =	stream.linear.scatter [tilespmem:s0], [sflag:$0xA], $0x4000, $0x38;
	[tilespmem:$0x18100] =	vst v63  }
0x1a7: {  	_ =	swait.ge [sflag:s20], $0x4000  }
0x1a8: {  	[sflag:s20] =	ssyncset.done $0x0  }
0x1a9: {  	[sflag:s20] =	ssyncadd.s32 $0xFFFFC000  }
0x1aa: {  	v2 =	vld.msk [tilespmem:$0x70], $0xff;
	_ =	sdelay $0x4  }
0x1ab: {  	v3 =	vshll.u32 v2, $0x4  }
0x1ac: {  	v2 =	vand.u32 $0x7, v2;
	v3 =	vand.u32 $0xFFFFFF80, v3  }
0x1ad: {  	v2 =	vor.u32 v2, v3  }
0x1ae: {  	v2 =	vperm.xlane v2, v0;
	_ =	sdelay $0x1  }
0x1af: {  	v2 =	vadd.s32 v1, v2;
	_ =	sdelay $0x4  }
0x1b0: {  	[tilespmem:s12], [sflag:$0x3] =	stream.indirect_vreg.gather [hbm4b:s2+s3], $0x80, v2, vm0, $0xb8;
	[tilespmem:$0x18100] =	vst v63  }
0x1b1: {  	_ = 	snop  }
0x1b2: {  	[tilespmem:s29], [sflag:$0x3] =	stream.indirect_vreg.gather [hbm4b:s5+s3], $0x80, v2, vm0, $0xb8;
	[tilespmem:$0x18100] =	vst v63  }
0x1b3: {  	s29 =	simm.s32 $0x9100  }
0x1b4: {  	[tilespmem:s29], [sflag:$0x3] =	stream.indirect_vreg.gather [hbm4b:s6+s3], $0x80, v2, vm0, $0xb8;
	[tilespmem:$0x18100] =	vst v63  }
0x1b5: {  	s31 =	simm.s32 $0x9900  }
0x1b6: {  	[tilespmem:s31], [sflag:$0x3] =	stream.indirect_vreg.gather [hbm4b:s7+s3], $0x80, v2, vm0, $0xb8;
	[tilespmem:$0x18100] =	vst v63  }
0x1b7: {  	s12 =	simm.s32 $0xA100  }
0x1b8: {  	[tilespmem:s12], [sflag:$0x3] =	stream.indirect_vreg.gather [hbm4b:s8+s3], $0x80, v2, vm0, $0xb8;
	[tilespmem:$0x18100] =	vst v63  }
0x1b9: {  	s17 =	simm.s32 $0xA900  }
0x1ba: {  	[tilespmem:s17], [sflag:$0x3] =	stream.indirect_vreg.gather [hbm4b:s9+s3], $0x80, v2, vm0, $0xb8;
	[tilespmem:$0x18100] =	vst v63  }
0x1bb: {  	s28 =	simm.s32 $0xB100  }
0x1bc: {  	[tilespmem:s28], [sflag:$0x3] =	stream.indirect_vreg.gather [hbm4b:s10+s3], $0x80, v2, vm0, $0xb8;
	[tilespmem:$0x18100] =	vst v63  }
0x1bd: {  	s29 =	simm.s32 $0xB900  }
0x1be: {  	[tilespmem:s29], [sflag:$0x3] =	stream.indirect_vreg.gather [hbm4b:s11+s3], $0x80, v2, vm0, $0xb8;
	[tilespmem:$0x18100] =	vst v63  }
0x1bf: {  	_ =	swait.ge [sflag:s21], $0x4000  }
0x1c0: {  	[sflag:s21] =	ssyncset.done $0x0  }
0x1c1: {  	s12 =	simm.s32 $0x10100;
	s31 =	rddreg [dreg:$0xf];
	[sflag:s21] =	ssyncadd.s32 $0xFFFFC000  }
0x1c2: {  	[hbm4b:s31+s3] =	stream.linear.scatter [tilespmem:s12], [sflag:$0xB], $0x4000, $0x38;
	[tilespmem:$0x18100] =	vst v63  }
0x1c3: {  	_ =	swait.ge [sflag:s23], $0x4000  }
0x1c4: {  	[sflag:s23] =	ssyncset.done $0x0  }
0x1c5: {  	[sflag:s23] =	ssyncadd.s32 $0xFFFFC000  }
0x1c6: {  	v2 =	vld.msk [tilespmem:$0x78], $0xff;
	_ =	sdelay $0x4  }
0x1c7: {  	v3 =	vshll.u32 v2, $0x4  }
0x1c8: {  	v2 =	vand.u32 $0x7, v2;
	v3 =	vand.u32 $0xFFFFFF80, v3  }
0x1c9: {  	v2 =	vor.u32 v2, v3  }
0x1ca: {  	v2 =	vperm.xlane v2, v0;
	_ =	sdelay $0x1  }
0x1cb: {  	v2 =	vadd.s32 v1, v2;
	_ =	sdelay $0x4  }
0x1cc: {  	[tilespmem:s0], [sflag:$0x4] =	stream.indirect_vreg.gather [hbm4b:s2+s3], $0x80, v2, vm0, $0xb8;
	[tilespmem:$0x18100] =	vst v63  }
0x1cd: {  	_ = 	snop  }
0x1ce: {  	[tilespmem:s22], [sflag:$0x4] =	stream.indirect_vreg.gather [hbm4b:s5+s3], $0x80, v2, vm0, $0xb8;
	[tilespmem:$0x18100] =	vst v63  }
0x1cf: {  	s1 =	simm.s32 $0xD100  }
0x1d0: {  	[tilespmem:s1], [sflag:$0x4] =	stream.indirect_vreg.gather [hbm4b:s6+s3], $0x80, v2, vm0, $0xb8;
	[tilespmem:$0x18100] =	vst v63  }
0x1d1: {  	s22 =	simm.s32 $0xD900  }
0x1d2: {  	[tilespmem:s22], [sflag:$0x4] =	stream.indirect_vreg.gather [hbm4b:s7+s3], $0x80, v2, vm0, $0xb8;
	[tilespmem:$0x18100] =	vst v63  }
0x1d3: {  	s28 =	simm.s32 $0xE100  }
0x1d4: {  	[tilespmem:s28], [sflag:$0x4] =	stream.indirect_vreg.gather [hbm4b:s8+s3], $0x80, v2, vm0, $0xb8;
	[tilespmem:$0x18100] =	vst v63  }
0x1d5: {  	s29 =	simm.s32 $0xE900  }
0x1d6: {  	[tilespmem:s29], [sflag:$0x4] =	stream.indirect_vreg.gather [hbm4b:s9+s3], $0x80, v2, vm0, $0xb8;
	[tilespmem:$0x18100] =	vst v63  }
0x1d7: {  	s31 =	simm.s32 $0xF100  }
0x1d8: {  	[tilespmem:s31], [sflag:$0x4] =	stream.indirect_vreg.gather [hbm4b:s10+s3], $0x80, v2, vm0, $0xb8;
	[tilespmem:$0x18100] =	vst v63  }
0x1d9: {  	s1 =	simm.s32 $0xF900  }
0x1da: {  	[tilespmem:s1], [sflag:$0x4] =	stream.indirect_vreg.gather [hbm4b:s11+s3], $0x80, v2, vm0, $0xb8;
	[tilespmem:$0x18100] =	vst v63  }
0x1db: {  	_ =	swait.ge [sflag:s24], $0x4000  }
0x1dc: {  	[sflag:s24] =	ssyncset.done $0x0  }
0x1dd: {  	s0 =	simm.s32 $0x14100;
	s22 =	rddreg [dreg:$0x10];
	[sflag:s24] =	ssyncadd.s32 $0xFFFFC000  }
0x1de: {  	[hbm4b:s22+s3] =	stream.linear.scatter [tilespmem:s0], [sflag:$0xC], $0x4000, $0x38;
	[tilespmem:$0x18100] =	vst v63  }
0x1df: {  	_ =	swait.ge [sflag:s25], $0x4000  }
0x1e0: {  	[sflag:s25] =	ssyncset.done $0x0  }
0x1e1: {  	[sflag:s25] =	ssyncadd.s32 $0xFFFFC000  }
0x1e2: {  	v2 =	vld.msk [tilespmem:$0x80], $0xff;
	_ =	sdelay $0x4  }
0x1e3: {  	v3 =	vshll.u32 v2, $0x4  }
0x1e4: {  	v2 =	vand.u32 $0x7, v2;
	v3 =	vand.u32 $0xFFFFFF80, v3  }
0x1e5: {  	v2 =	vor.u32 v2, v3  }
0x1e6: {  	v2 =	vperm.xlane v2, v0;
	_ =	sdelay $0x1  }
0x1e7: {  	v2 =	vadd.s32 v1, v2;
	_ =	sdelay $0x4  }
0x1e8: {  	[tilespmem:s12], [sflag:$0x5] =	stream.indirect_vreg.gather [hbm4b:s2+s3], $0x80, v2, vm0, $0xb8;
	[tilespmem:$0x18100] =	vst v63  }
0x1e9: {  	s29 =	simm.s32 $0x10900  }
0x1ea: {  	[tilespmem:s29], [sflag:$0x5] =	stream.indirect_vreg.gather [hbm4b:s5+s3], $0x80, v2, vm0, $0xb8;
	[tilespmem:$0x18100] =	vst v63  }
0x1eb: {  	s31 =	simm.s32 $0x11100  }
0x1ec: {  	[tilespmem:s31], [sflag:$0x5] =	stream.indirect_vreg.gather [hbm4b:s6+s3], $0x80, v2, vm0, $0xb8;
	[tilespmem:$0x18100] =	vst v63  }
0x1ed: {  	s12 =	simm.s32 $0x11900  }
0x1ee: {  	[tilespmem:s12], [sflag:$0x5] =	stream.indirect_vreg.gather [hbm4b:s7+s3], $0x80, v2, vm0, $0xb8;
	[tilespmem:$0x18100] =	vst v63  }
0x1ef: {  	s22 =	simm.s32 $0x12100  }
0x1f0: {  	[tilespmem:s22], [sflag:$0x5] =	stream.indirect_vreg.gather [hbm4b:s8+s3], $0x80, v2, vm0, $0xb8;
	[tilespmem:$0x18100] =	vst v63  }
0x1f1: {  	s28 =	simm.s32 $0x12900  }
0x1f2: {  	[tilespmem:s28], [sflag:$0x5] =	stream.indirect_vreg.gather [hbm4b:s9+s3], $0x80, v2, vm0, $0xb8;
	[tilespmem:$0x18100] =	vst v63  }
0x1f3: {  	s29 =	simm.s32 $0x13100  }
0x1f4: {  	[tilespmem:s29], [sflag:$0x5] =	stream.indirect_vreg.gather [hbm4b:s10+s3], $0x80, v2, vm0, $0xb8;
	[tilespmem:$0x18100] =	vst v63  }
0x1f5: {  	s31 =	simm.s32 $0x13900  }
0x1f6: {  	[tilespmem:s31], [sflag:$0x5] =	stream.indirect_vreg.gather [hbm4b:s11+s3], $0x80, v2, vm0, $0xb8;
	[tilespmem:$0x18100] =	vst v63  }
0x1f7: {  	_ =	swait.ge [sflag:s4], $0x4000  }
0x1f8: {  	[sflag:s4] =	ssyncset.done $0x0  }
0x1f9: {  	s1 =	simm.s32 $0x100;
	s12 =	rddreg [dreg:$0x11];
	[sflag:s4] =	ssyncadd.s32 $0xFFFFC000  }
0x1fa: {  	[hbm4b:s12+s3] =	stream.linear.scatter [tilespmem:s1], [sflag:$0x7], $0x4000, $0x38;
	[tilespmem:$0x18100] =	vst v63  }
0x1fb: {  	_ =	swait.ge [sflag:s26], $0x4000  }
0x1fc: {  	[sflag:s26] =	ssyncset.done $0x0  }
0x1fd: {  	[sflag:s26] =	ssyncadd.s32 $0xFFFFC000  }
0x1fe: {  	v2 =	vld.msk [tilespmem:$0x88], $0xff;
	_ =	sdelay $0x4  }
0x1ff: {  	v3 =	vshll.u32 v2, $0x4  }
0x200: {  	v2 =	vand.u32 $0x7, v2;
	v3 =	vand.u32 $0xFFFFFF80, v3  }
0x201: {  	v2 =	vor.u32 v2, v3  }
0x202: {  	v2 =	vperm.xlane v2, v0;
	_ =	sdelay $0x1  }
0x203: {  	v2 =	vadd.s32 v1, v2;
	_ =	sdelay $0x4  }
0x204: {  	[tilespmem:s0], [sflag:$0x6] =	stream.indirect_vreg.gather [hbm4b:s2+s3], $0x80, v2, vm0, $0xb8;
	[tilespmem:$0x18100] =	vst v63  }
0x205: {  	_ = 	snop  }
0x206: {  	[tilespmem:s14], [sflag:$0x6] =	stream.indirect_vreg.gather [hbm4b:s5+s3], $0x80, v2, vm0, $0xb8;
	[tilespmem:$0x18100] =	vst v63  }
0x207: {  	s14 =	simm.s32 $0x15100  }
0x208: {  	[tilespmem:s14], [sflag:$0x6] =	stream.indirect_vreg.gather [hbm4b:s6+s3], $0x80, v2, vm0, $0xb8;
	[tilespmem:$0x18100] =	vst v63  }
0x209: {  	s22 =	simm.s32 $0x15900  }
0x20a: {  	[tilespmem:s22], [sflag:$0x6] =	stream.indirect_vreg.gather [hbm4b:s7+s3], $0x80, v2, vm0, $0xb8;
	[tilespmem:$0x18100] =	vst v63  }
0x20b: {  	s28 =	simm.s32 $0x16100  }
0x20c: {  	[tilespmem:s28], [sflag:$0x6] =	stream.indirect_vreg.gather [hbm4b:s8+s3], $0x80, v2, vm0, $0xb8;
	[tilespmem:$0x18100] =	vst v63  }
0x20d: {  	s29 =	simm.s32 $0x16900  }
0x20e: {  	[tilespmem:s29], [sflag:$0x6] =	stream.indirect_vreg.gather [hbm4b:s9+s3], $0x80, v2, vm0, $0xb8;
	[tilespmem:$0x18100] =	vst v63  }
0x20f: {  	s31 =	simm.s32 $0x17100  }
0x210: {  	[tilespmem:s31], [sflag:$0x6] =	stream.indirect_vreg.gather [hbm4b:s10+s3], $0x80, v2, vm0, $0xb8;
	[tilespmem:$0x18100] =	vst v63  }
0x211: {  	s14 =	simm.s32 $0x17900  }
0x212: {  	[tilespmem:s14], [sflag:$0x6] =	stream.indirect_vreg.gather [hbm4b:s11+s3], $0x80, v2, vm0, $0xb8;
	[tilespmem:$0x18100] =	vst v63  }
0x213: {  	_ =	swait.ge [sflag:s15], $0x4000  }
0x214: {  	[sflag:s15] =	ssyncset.done $0x0  }
0x215: {  	s0 =	simm.s32 $0x4100;
	s22 =	rddreg [dreg:$0x12];
	[sflag:s15] =	ssyncadd.s32 $0xFFFFC000  }
0x216: {  	[hbm4b:s22+s3] =	stream.linear.scatter [tilespmem:s0], [sflag:$0x8], $0x4000, $0x38;
	[tilespmem:$0x18100] =	vst v63  }
0x217: {  	_ =	swait.ge [sflag:s16], $0x4000  }
0x218: {  	[sflag:s16] =	ssyncset.done $0x0  }
0x219: {  	[sflag:s16] =	ssyncadd.s32 $0xFFFFC000  }
0x21a: {  	v2 =	vld.msk [tilespmem:$0x90], $0xff;
	_ =	sdelay $0x4  }
0x21b: {  	v3 =	vshll.u32 v2, $0x4  }
0x21c: {  	v2 =	vand.u32 $0x7, v2;
	v3 =	vand.u32 $0xFFFFFF80, v3  }
0x21d: {  	v2 =	vor.u32 v2, v3  }
0x21e: {  	v2 =	vperm.xlane v2, v0;
	_ =	sdelay $0x1  }
0x21f: {  	v2 =	vadd.s32 v1, v2;
	_ =	sdelay $0x4  }
0x220: {  	[tilespmem:s1], [sflag:$0x1] =	stream.indirect_vreg.gather [hbm4b:s2+s3], $0x80, v2, vm0, $0xb8;
	[tilespmem:$0x18100] =	vst v63  }
0x221: {  	_ = 	snop  }
0x222: {  	[tilespmem:s30], [sflag:$0x1] =	stream.indirect_vreg.gather [hbm4b:s5+s3], $0x80, v2, vm0, $0xb8;
	[tilespmem:$0x18100] =	vst v63  }
0x223: {  	s28 =	simm.s32 $0x1100  }
0x224: {  	[tilespmem:s28], [sflag:$0x1] =	stream.indirect_vreg.gather [hbm4b:s6+s3], $0x80, v2, vm0, $0xb8;
	[tilespmem:$0x18100] =	vst v63  }
0x225: {  	s29 =	simm.s32 $0x1900  }
0x226: {  	[tilespmem:s29], [sflag:$0x1] =	stream.indirect_vreg.gather [hbm4b:s7+s3], $0x80, v2, vm0, $0xb8;
	[tilespmem:$0x18100] =	vst v63  }
0x227: {  	s30 =	simm.s32 $0x2100  }
0x228: {  	[tilespmem:s30], [sflag:$0x1] =	stream.indirect_vreg.gather [hbm4b:s8+s3], $0x80, v2, vm0, $0xb8;
	[tilespmem:$0x18100] =	vst v63  }
0x229: {  	s31 =	simm.s32 $0x2900  }
0x22a: {  	[tilespmem:s31], [sflag:$0x1] =	stream.indirect_vreg.gather [hbm4b:s9+s3], $0x80, v2, vm0, $0xb8;
	[tilespmem:$0x18100] =	vst v63  }
0x22b: {  	s29 =	simm.s32 $0x3100  }
0x22c: {  	[tilespmem:s29], [sflag:$0x1] =	stream.indirect_vreg.gather [hbm4b:s10+s3], $0x80, v2, vm0, $0xb8;
	[tilespmem:$0x18100] =	vst v63  }
0x22d: {  	s14 =	simm.s32 $0x3900  }
0x22e: {  	[tilespmem:s14], [sflag:$0x1] =	stream.indirect_vreg.gather [hbm4b:s11+s3], $0x80, v2, vm0, $0xb8;
	[tilespmem:$0x18100] =	vst v63  }
0x22f: {  	_ =	swait.ge [sflag:s13], $0x4000  }
0x230: {  	[sflag:s13] =	ssyncset.done $0x0  }
0x231: {  	s1 =	simm.s32 $0x8100;
	s22 =	rddreg [dreg:$0x13];
	[sflag:s13] =	ssyncadd.s32 $0xFFFFC000  }
0x232: {  	[hbm4b:s22+s3] =	stream.linear.scatter [tilespmem:s1], [sflag:$0x9], $0x4000, $0x38;
	[tilespmem:$0x18100] =	vst v63  }
0x233: {  	_ =	swait.ge [sflag:s18], $0x4000  }
0x234: {  	[sflag:s18] =	ssyncset.done $0x0  }
0x235: {  	[sflag:s18] =	ssyncadd.s32 $0xFFFFC000  }
0x236: {  	v2 =	vld.msk [tilespmem:$0x98], $0xff;
	_ =	sdelay $0x4  }
0x237: {  	v3 =	vshll.u32 v2, $0x4  }
0x238: {  	v2 =	vand.u32 $0x7, v2;
	v3 =	vand.u32 $0xFFFFFF80, v3  }
0x239: {  	v2 =	vor.u32 v2, v3  }
0x23a: {  	v2 =	vperm.xlane v2, v0;
	_ =	sdelay $0x1  }
0x23b: {  	v2 =	vadd.s32 v1, v2;
	_ =	sdelay $0x4  }
0x23c: {  	[tilespmem:s0], [sflag:$0x2] =	stream.indirect_vreg.gather [hbm4b:s2+s3], $0x80, v2, vm0, $0xb8;
	[tilespmem:$0x18100] =	vst v63  }
0x23d: {  	s28 =	simm.s32 $0x4900  }
0x23e: {  	[tilespmem:s28], [sflag:$0x2] =	stream.indirect_vreg.gather [hbm4b:s5+s3], $0x80, v2, vm0, $0xb8;
	[tilespmem:$0x18100] =	vst v63  }
0x23f: {  	s0 =	simm.s32 $0x5100  }
0x240: {  	[tilespmem:s0], [sflag:$0x2] =	stream.indirect_vreg.gather [hbm4b:s6+s3], $0x80, v2, vm0, $0xb8;
	[tilespmem:$0x18100] =	vst v63  }
0x241: {  	s30 =	simm.s32 $0x5900  }
0x242: {  	[tilespmem:s30], [sflag:$0x2] =	stream.indirect_vreg.gather [hbm4b:s7+s3], $0x80, v2, vm0, $0xb8;
	[tilespmem:$0x18100] =	vst v63  }
0x243: {  	s31 =	simm.s32 $0x6100  }
0x244: {  	[tilespmem:s31], [sflag:$0x2] =	stream.indirect_vreg.gather [hbm4b:s8+s3], $0x80, v2, vm0, $0xb8;
	[tilespmem:$0x18100] =	vst v63  }
0x245: {  	s30 =	simm.s32 $0x6900  }
0x246: {  	[tilespmem:s30], [sflag:$0x2] =	stream.indirect_vreg.gather [hbm4b:s9+s3], $0x80, v2, vm0, $0xb8;
	[tilespmem:$0x18100] =	vst v63  }
0x247: {  	s31 =	simm.s32 $0x7100  }
0x248: {  	[tilespmem:s31], [sflag:$0x2] =	stream.indirect_vreg.gather [hbm4b:s10+s3], $0x80, v2, vm0, $0xb8;
	[tilespmem:$0x18100] =	vst v63  }
0x249: {  	s14 =	simm.s32 $0x7900  }
0x24a: {  	[tilespmem:s14], [sflag:$0x2] =	stream.indirect_vreg.gather [hbm4b:s11+s3], $0x80, v2, vm0, $0xb8;
	[tilespmem:$0x18100] =	vst v63  }
0x24b: {  	_ =	swait.ge [sflag:s19], $0x4000  }
0x24c: {  	[sflag:s19] =	ssyncset.done $0x0  }
0x24d: {  	s17 =	simm.s32 $0xC100;
	s14 =	rddreg [dreg:$0x14];
	[sflag:s19] =	ssyncadd.s32 $0xFFFFC000  }
0x24e: {  	[hbm4b:s14+s3] =	stream.linear.scatter [tilespmem:s17], [sflag:$0xA], $0x4000, $0x38;
	[tilespmem:$0x18100] =	vst v63  }
0x24f: {  	_ =	swait.ge [sflag:s20], $0x4000  }
0x250: {  	[sflag:s20] =	ssyncset.done $0x0  }
0x251: {  	[sflag:s20] =	ssyncadd.s32 $0xFFFFC000  }
0x252: {  	v2 =	vld.msk [tilespmem:$0xA0], $0xff;
	_ =	sdelay $0x4  }
0x253: {  	v3 =	vshll.u32 v2, $0x4  }
0x254: {  	v2 =	vand.u32 $0x7, v2;
	v3 =	vand.u32 $0xFFFFFF80, v3  }
0x255: {  	v2 =	vor.u32 v2, v3  }
0x256: {  	v2 =	vperm.xlane v2, v0;
	_ =	sdelay $0x1  }
0x257: {  	v2 =	vadd.s32 v1, v2;
	_ =	sdelay $0x4  }
0x258: {  	[tilespmem:s1], [sflag:$0x3] =	stream.indirect_vreg.gather [hbm4b:s2+s3], $0x80, v2, vm0, $0xb8;
	[tilespmem:$0x18100] =	vst v63  }
0x259: {  	s28 =	simm.s32 $0x8900  }
0x25a: {  	[tilespmem:s28], [sflag:$0x3] =	stream.indirect_vreg.gather [hbm4b:s5+s3], $0x80, v2, vm0, $0xb8;
	[tilespmem:$0x18100] =	vst v63  }
0x25b: {  	s14 =	simm.s32 $0x9100  }
0x25c: {  	[tilespmem:s14], [sflag:$0x3] =	stream.indirect_vreg.gather [hbm4b:s6+s3], $0x80, v2, vm0, $0xb8;
	[tilespmem:$0x18100] =	vst v63  }
0x25d: {  	s28 =	simm.s32 $0x9900  }
0x25e: {  	[tilespmem:s28], [sflag:$0x3] =	stream.indirect_vreg.gather [hbm4b:s7+s3], $0x80, v2, vm0, $0xb8;
	[tilespmem:$0x18100] =	vst v63  }
0x25f: {  	s14 =	simm.s32 $0xA100  }
0x260: {  	[tilespmem:s14], [sflag:$0x3] =	stream.indirect_vreg.gather [hbm4b:s8+s3], $0x80, v2, vm0, $0xb8;
	[tilespmem:$0x18100] =	vst v63  }
0x261: {  	s28 =	simm.s32 $0xA900  }
0x262: {  	[tilespmem:s28], [sflag:$0x3] =	stream.indirect_vreg.gather [hbm4b:s9+s3], $0x80, v2, vm0, $0xb8;
	[tilespmem:$0x18100] =	vst v63  }
0x263: {  	s14 =	simm.s32 $0xB100  }
0x264: {  	[tilespmem:s14], [sflag:$0x3] =	stream.indirect_vreg.gather [hbm4b:s10+s3], $0x80, v2, vm0, $0xb8;
	[tilespmem:$0x18100] =	vst v63  }
0x265: {  	s28 =	simm.s32 $0xB900  }
0x266: {  	[tilespmem:s28], [sflag:$0x3] =	stream.indirect_vreg.gather [hbm4b:s11+s3], $0x80, v2, vm0, $0xb8;
	[tilespmem:$0x18100] =	vst v63  }
0x267: {  	_ =	swait.ge [sflag:s21], $0x4000  }
0x268: {  	[sflag:s21] =	ssyncset.done $0x0  }
0x269: {  	s1 =	simm.s32 $0x10100;
	s14 =	rddreg [dreg:$0x15];
	[sflag:s21] =	ssyncadd.s32 $0xFFFFC000  }
0x26a: {  	[hbm4b:s14+s3] =	stream.linear.scatter [tilespmem:s1], [sflag:$0xB], $0x4000, $0x38;
	[tilespmem:$0x18100] =	vst v63  }
0x26b: {  	_ =	swait.ge [sflag:s23], $0x4000  }
0x26c: {  	[sflag:s23] =	ssyncset.done $0x0  }
0x26d: {  	[sflag:s23] =	ssyncadd.s32 $0xFFFFC000  }
0x26e: {  	v2 =	vld.msk [tilespmem:$0xA8], $0xff;
	_ =	sdelay $0x4  }
0x26f: {  	v3 =	vshll.u32 v2, $0x4  }
0x270: {  	v2 =	vand.u32 $0x7, v2;
	v3 =	vand.u32 $0xFFFFFF80, v3  }
0x271: {  	v2 =	vor.u32 v2, v3  }
0x272: {  	v2 =	vperm.xlane v2, v0;
	_ =	sdelay $0x1  }
0x273: {  	v2 =	vadd.s32 v1, v2;
	_ =	sdelay $0x4  }
0x274: {  	[tilespmem:s17], [sflag:$0x4] =	stream.indirect_vreg.gather [hbm4b:s2+s3], $0x80, v2, vm0, $0xb8;
	[tilespmem:$0x18100] =	vst v63  }
0x275: {  	s14 =	simm.s32 $0xC900  }
0x276: {  	[tilespmem:s14], [sflag:$0x4] =	stream.indirect_vreg.gather [hbm4b:s5+s3], $0x80, v2, vm0, $0xb8;
	[tilespmem:$0x18100] =	vst v63  }
0x277: {  	s14 =	simm.s32 $0xD100  }
0x278: {  	[tilespmem:s14], [sflag:$0x4] =	stream.indirect_vreg.gather [hbm4b:s6+s3], $0x80, v2, vm0, $0xb8;
	[tilespmem:$0x18100] =	vst v63  }
0x279: {  	s17 =	simm.s32 $0xD900  }
0x27a: {  	[tilespmem:s17], [sflag:$0x4] =	stream.indirect_vreg.gather [hbm4b:s7+s3], $0x80, v2, vm0, $0xb8;
	[tilespmem:$0x18100] =	vst v63  }
0x27b: {  	s28 =	simm.s32 $0xE100  }
0x27c: {  	[tilespmem:s28], [sflag:$0x4] =	stream.indirect_vreg.gather [hbm4b:s8+s3], $0x80, v2, vm0, $0xb8;
	[tilespmem:$0x18100] =	vst v63  }
0x27d: {  	s28 =	simm.s32 $0xE900  }
0x27e: {  	[tilespmem:s28], [sflag:$0x4] =	stream.indirect_vreg.gather [hbm4b:s9+s3], $0x80, v2, vm0, $0xb8;
	[tilespmem:$0x18100] =	vst v63  }
0x27f: {  	s28 =	simm.s32 $0xF100  }
0x280: {  	[tilespmem:s28], [sflag:$0x4] =	stream.indirect_vreg.gather [hbm4b:s10+s3], $0x80, v2, vm0, $0xb8;
	[tilespmem:$0x18100] =	vst v63  }
0x281: {  	s28 =	simm.s32 $0xF900  }
0x282: {  	[tilespmem:s28], [sflag:$0x4] =	stream.indirect_vreg.gather [hbm4b:s11+s3], $0x80, v2, vm0, $0xb8;
	[tilespmem:$0x18100] =	vst v63  }
0x283: {  	_ =	swait.ge [sflag:s24], $0x4000  }
0x284: {  	[sflag:s24] =	ssyncset.done $0x0  }
0x285: {  	s12 =	simm.s32 $0x14100;
	s28 =	rddreg [dreg:$0x16];
	[sflag:s24] =	ssyncadd.s32 $0xFFFFC000  }
0x286: {  	[hbm4b:s28+s3] =	stream.linear.scatter [tilespmem:s12], [sflag:$0xC], $0x4000, $0x38;
	[tilespmem:$0x18100] =	vst v63  }
0x287: {  	_ =	swait.ge [sflag:s25], $0x4000  }
0x288: {  	[sflag:s25] =	ssyncset.done $0x0  }
0x289: {  	[sflag:s25] =	ssyncadd.s32 $0xFFFFC000  }
0x28a: {  	v2 =	vld.msk [tilespmem:$0xB0], $0xff;
	_ =	sdelay $0x4  }
0x28b: {  	v3 =	vshll.u32 v2, $0x4  }
0x28c: {  	v2 =	vand.u32 $0x7, v2;
	v3 =	vand.u32 $0xFFFFFF80, v3  }
0x28d: {  	v2 =	vor.u32 v2, v3  }
0x28e: {  	v2 =	vperm.xlane v2, v0;
	_ =	sdelay $0x1  }
0x28f: {  	v2 =	vadd.s32 v1, v2;
	_ =	sdelay $0x4  }
0x290: {  	[tilespmem:s1], [sflag:$0x5] =	stream.indirect_vreg.gather [hbm4b:s2+s3], $0x80, v2, vm0, $0xb8;
	[tilespmem:$0x18100] =	vst v63  }
0x291: {  	s28 =	simm.s32 $0x10900  }
0x292: {  	[tilespmem:s28], [sflag:$0x5] =	stream.indirect_vreg.gather [hbm4b:s5+s3], $0x80, v2, vm0, $0xb8;
	[tilespmem:$0x18100] =	vst v63  }
0x293: {  	s28 =	simm.s32 $0x11100  }
0x294: {  	[tilespmem:s28], [sflag:$0x5] =	stream.indirect_vreg.gather [hbm4b:s6+s3], $0x80, v2, vm0, $0xb8;
	[tilespmem:$0x18100] =	vst v63  }
0x295: {  	s28 =	simm.s32 $0x11900  }
0x296: {  	[tilespmem:s28], [sflag:$0x5] =	stream.indirect_vreg.gather [hbm4b:s7+s3], $0x80, v2, vm0, $0xb8;
	[tilespmem:$0x18100] =	vst v63  }
0x297: {  	s28 =	simm.s32 $0x12100  }
0x298: {  	[tilespmem:s28], [sflag:$0x5] =	stream.indirect_vreg.gather [hbm4b:s8+s3], $0x80, v2, vm0, $0xb8;
	[tilespmem:$0x18100] =	vst v63  }
0x299: {  	s28 =	simm.s32 $0x12900  }
0x29a: {  	[tilespmem:s28], [sflag:$0x5] =	stream.indirect_vreg.gather [hbm4b:s9+s3], $0x80, v2, vm0, $0xb8;
	[tilespmem:$0x18100] =	vst v63  }
0x29b: {  	s28 =	simm.s32 $0x13100  }
0x29c: {  	[tilespmem:s28], [sflag:$0x5] =	stream.indirect_vreg.gather [hbm4b:s10+s3], $0x80, v2, vm0, $0xb8;
	[tilespmem:$0x18100] =	vst v63  }
0x29d: {  	s28 =	simm.s32 $0x13900  }
0x29e: {  	[tilespmem:s28], [sflag:$0x5] =	stream.indirect_vreg.gather [hbm4b:s11+s3], $0x80, v2, vm0, $0xb8;
	[tilespmem:$0x18100] =	vst v63  }
0x29f: {  	_ =	swait.ge [sflag:s4], $0x4000  }
0x2a0: {  	[sflag:s4] =	ssyncset.done $0x0  }
0x2a1: {  	s1 =	simm.s32 $0x100;
	s28 =	rddreg [dreg:$0x17];
	[sflag:s4] =	ssyncadd.s32 $0xFFFFC000  }
0x2a2: {  	[hbm4b:s28+s3] =	stream.linear.scatter [tilespmem:s1], [sflag:$0x7], $0x4000, $0x38;
	[tilespmem:$0x18100] =	vst v63  }
0x2a3: {  	_ =	swait.ge [sflag:s26], $0x4000  }
0x2a4: {  	[sflag:s26] =	ssyncset.done $0x0  }
0x2a5: {  	[sflag:s26] =	ssyncadd.s32 $0xFFFFC000  }
0x2a6: {  	v2 =	vld.msk [tilespmem:$0xB8], $0xff;
	_ =	sdelay $0x4  }
0x2a7: {  	v3 =	vshll.u32 v2, $0x4  }
0x2a8: {  	v2 =	vand.u32 $0x7, v2;
	v3 =	vand.u32 $0xFFFFFF80, v3  }
0x2a9: {  	v2 =	vor.u32 v2, v3  }
0x2aa: {  	v2 =	vperm.xlane v2, v0;
	_ =	sdelay $0x1  }
0x2ab: {  	v2 =	vadd.s32 v1, v2;
	_ =	sdelay $0x4  }
0x2ac: {  	[tilespmem:s12], [sflag:$0x6] =	stream.indirect_vreg.gather [hbm4b:s2+s3], $0x80, v2, vm0, $0xb8;
	[tilespmem:$0x18100] =	vst v63  }
0x2ad: {  	s28 =	simm.s32 $0x14900  }
0x2ae: {  	[tilespmem:s28], [sflag:$0x6] =	stream.indirect_vreg.gather [hbm4b:s5+s3], $0x80, v2, vm0, $0xb8;
	[tilespmem:$0x18100] =	vst v63  }
0x2af: {  	s28 =	simm.s32 $0x15100  }
0x2b0: {  	[tilespmem:s28], [sflag:$0x6] =	stream.indirect_vreg.gather [hbm4b:s6+s3], $0x80, v2, vm0, $0xb8;
	[tilespmem:$0x18100] =	vst v63  }
0x2b1: {  	s28 =	simm.s32 $0x15900  }
0x2b2: {  	[tilespmem:s28], [sflag:$0x6] =	stream.indirect_vreg.gather [hbm4b:s7+s3], $0x80, v2, vm0, $0xb8;
	[tilespmem:$0x18100] =	vst v63  }
0x2b3: {  	s28 =	simm.s32 $0x16100  }
0x2b4: {  	[tilespmem:s28], [sflag:$0x6] =	stream.indirect_vreg.gather [hbm4b:s8+s3], $0x80, v2, vm0, $0xb8;
	[tilespmem:$0x18100] =	vst v63  }
0x2b5: {  	s28 =	simm.s32 $0x16900  }
0x2b6: {  	[tilespmem:s28], [sflag:$0x6] =	stream.indirect_vreg.gather [hbm4b:s9+s3], $0x80, v2, vm0, $0xb8;
	[tilespmem:$0x18100] =	vst v63  }
0x2b7: {  	s28 =	simm.s32 $0x17100  }
0x2b8: {  	[tilespmem:s28], [sflag:$0x6] =	stream.indirect_vreg.gather [hbm4b:s10+s3], $0x80, v2, vm0, $0xb8;
	[tilespmem:$0x18100] =	vst v63  }
0x2b9: {  	s28 =	simm.s32 $0x17900  }
0x2ba: {  	[tilespmem:s28], [sflag:$0x6] =	stream.indirect_vreg.gather [hbm4b:s11+s3], $0x80, v2, vm0, $0xb8;
	[tilespmem:$0x18100] =	vst v63  }
0x2bb: {  	_ =	swait.ge [sflag:s15], $0x4000  }
0x2bc: {  	[sflag:s15] =	ssyncset.done $0x0  }
0x2bd: {  	s22 =	simm.s32 $0x4100;
	s12 =	rddreg [dreg:$0x18];
	[sflag:s15] =	ssyncadd.s32 $0xFFFFC000  }
0x2be: {  	[hbm4b:s12+s3] =	stream.linear.scatter [tilespmem:s22], [sflag:$0x8], $0x4000, $0x38;
	[tilespmem:$0x18100] =	vst v63  }
0x2bf: {  	_ =	swait.ge [sflag:s16], $0x4000  }
0x2c0: {  	[sflag:s16] =	ssyncset.done $0x0  }
0x2c1: {  	[sflag:s16] =	ssyncadd.s32 $0xFFFFC000  }
0x2c2: {  	v2 =	vld.msk [tilespmem:$0xC0], $0xff;
	_ =	sdelay $0x4  }
0x2c3: {  	v3 =	vshll.u32 v2, $0x4  }
0x2c4: {  	v2 =	vand.u32 $0x7, v2;
	v3 =	vand.u32 $0xFFFFFF80, v3  }
0x2c5: {  	v2 =	vor.u32 v2, v3  }
0x2c6: {  	v2 =	vperm.xlane v2, v0;
	_ =	sdelay $0x1  }
0x2c7: {  	v2 =	vadd.s32 v1, v2;
	_ =	sdelay $0x4  }
0x2c8: {  	[tilespmem:s1], [sflag:$0x1] =	stream.indirect_vreg.gather [hbm4b:s2+s3], $0x80, v2, vm0, $0xb8;
	[tilespmem:$0x18100] =	vst v63  }
0x2c9: {  	s28 =	simm.s32 $0x900  }
0x2ca: {  	[tilespmem:s28], [sflag:$0x1] =	stream.indirect_vreg.gather [hbm4b:s5+s3], $0x80, v2, vm0, $0xb8;
	[tilespmem:$0x18100] =	vst v63  }
0x2cb: {  	s28 =	simm.s32 $0x1100  }
0x2cc: {  	[tilespmem:s28], [sflag:$0x1] =	stream.indirect_vreg.gather [hbm4b:s6+s3], $0x80, v2, vm0, $0xb8;
	[tilespmem:$0x18100] =	vst v63  }
0x2cd: {  	s28 =	simm.s32 $0x1900  }
0x2ce: {  	[tilespmem:s28], [sflag:$0x1] =	stream.indirect_vreg.gather [hbm4b:s7+s3], $0x80, v2, vm0, $0xb8;
	[tilespmem:$0x18100] =	vst v63  }
0x2cf: {  	s28 =	simm.s32 $0x2100  }
0x2d0: {  	[tilespmem:s28], [sflag:$0x1] =	stream.indirect_vreg.gather [hbm4b:s8+s3], $0x80, v2, vm0, $0xb8;
	[tilespmem:$0x18100] =	vst v63  }
0x2d1: {  	s28 =	simm.s32 $0x2900  }
0x2d2: {  	[tilespmem:s28], [sflag:$0x1] =	stream.indirect_vreg.gather [hbm4b:s9+s3], $0x80, v2, vm0, $0xb8;
	[tilespmem:$0x18100] =	vst v63  }
0x2d3: {  	_ = 	snop  }
0x2d4: {  	[tilespmem:s29], [sflag:$0x1] =	stream.indirect_vreg.gather [hbm4b:s10+s3], $0x80, v2, vm0, $0xb8;
	[tilespmem:$0x18100] =	vst v63  }
0x2d5: {  	s29 =	simm.s32 $0x3900  }
0x2d6: {  	[tilespmem:s29], [sflag:$0x1] =	stream.indirect_vreg.gather [hbm4b:s11+s3], $0x80, v2, vm0, $0xb8;
	[tilespmem:$0x18100] =	vst v63  }
0x2d7: {  	_ =	swait.ge [sflag:s13], $0x4000  }
0x2d8: {  	[sflag:s13] =	ssyncset.done $0x0  }
0x2d9: {  	s29 =	simm.s32 $0x8100;
	s1 =	rddreg [dreg:$0x19];
	[sflag:s13] =	ssyncadd.s32 $0xFFFFC000  }
0x2da: {  	[hbm4b:s1+s3] =	stream.linear.scatter [tilespmem:s29], [sflag:$0x9], $0x4000, $0x38;
	[tilespmem:$0x18100] =	vst v63  }
0x2db: {  	_ =	swait.ge [sflag:s18], $0x4000  }
0x2dc: {  	[sflag:s18] =	ssyncset.done $0x0  }
0x2dd: {  	[sflag:s18] =	ssyncadd.s32 $0xFFFFC000  }
0x2de: {  	v2 =	vld.msk [tilespmem:$0xC8], $0xff;
	_ =	sdelay $0x4  }
0x2df: {  	v3 =	vshll.u32 v2, $0x4  }
0x2e0: {  	v2 =	vand.u32 $0x7, v2;
	v3 =	vand.u32 $0xFFFFFF80, v3  }
0x2e1: {  	v2 =	vor.u32 v2, v3  }
0x2e2: {  	v2 =	vperm.xlane v2, v0;
	_ =	sdelay $0x1  }
0x2e3: {  	v2 =	vadd.s32 v1, v2;
	_ =	sdelay $0x4  }
0x2e4: {  	[tilespmem:s22], [sflag:$0x2] =	stream.indirect_vreg.gather [hbm4b:s2+s3], $0x80, v2, vm0, $0xb8;
	[tilespmem:$0x18100] =	vst v63  }
0x2e5: {  	s28 =	simm.s32 $0x4900  }
0x2e6: {  	[tilespmem:s28], [sflag:$0x2] =	stream.indirect_vreg.gather [hbm4b:s5+s3], $0x80, v2, vm0, $0xb8;
	[tilespmem:$0x18100] =	vst v63  }
0x2e7: {  	_ = 	snop  }
0x2e8: {  	[tilespmem:s0], [sflag:$0x2] =	stream.indirect_vreg.gather [hbm4b:s6+s3], $0x80, v2, vm0, $0xb8;
	[tilespmem:$0x18100] =	vst v63  }
0x2e9: {  	s22 =	simm.s32 $0x5900  }
0x2ea: {  	[tilespmem:s22], [sflag:$0x2] =	stream.indirect_vreg.gather [hbm4b:s7+s3], $0x80, v2, vm0, $0xb8;
	[tilespmem:$0x18100] =	vst v63  }
0x2eb: {  	s28 =	simm.s32 $0x6100  }
0x2ec: {  	[tilespmem:s28], [sflag:$0x2] =	stream.indirect_vreg.gather [hbm4b:s8+s3], $0x80, v2, vm0, $0xb8;
	[tilespmem:$0x18100] =	vst v63  }
0x2ed: {  	_ = 	snop  }
0x2ee: {  	[tilespmem:s30], [sflag:$0x2] =	stream.indirect_vreg.gather [hbm4b:s9+s3], $0x80, v2, vm0, $0xb8;
	[tilespmem:$0x18100] =	vst v63  }
0x2ef: {  	_ = 	snop  }
0x2f0: {  	[tilespmem:s31], [sflag:$0x2] =	stream.indirect_vreg.gather [hbm4b:s10+s3], $0x80, v2, vm0, $0xb8;
	[tilespmem:$0x18100] =	vst v63  }
0x2f1: {  	s1 =	simm.s32 $0x7900  }
0x2f2: {  	[tilespmem:s1], [sflag:$0x2] =	stream.indirect_vreg.gather [hbm4b:s11+s3], $0x80, v2, vm0, $0xb8;
	[tilespmem:$0x18100] =	vst v63  }
0x2f3: {  	_ =	swait.ge [sflag:s19], $0x4000  }
0x2f4: {  	[sflag:s19] =	ssyncset.done $0x0  }
0x2f5: {  	s0 =	simm.s32 $0xC100;
	s22 =	rddreg [dreg:$0x1a];
	[sflag:s19] =	ssyncadd.s32 $0xFFFFC000  }
0x2f6: {  	[hbm4b:s22+s3] =	stream.linear.scatter [tilespmem:s0], [sflag:$0xA], $0x4000, $0x38;
	[tilespmem:$0x18100] =	vst v63  }
0x2f7: {  	_ =	swait.ge [sflag:s20], $0x4000  }
0x2f8: {  	[sflag:s20] =	ssyncset.done $0x0  }
0x2f9: {  	[sflag:s20] =	ssyncadd.s32 $0xFFFFC000  }
0x2fa: {  	v2 =	vld.msk [tilespmem:$0xD0], $0xff;
	_ =	sdelay $0x4  }
0x2fb: {  	v3 =	vshll.u32 v2, $0x4  }
0x2fc: {  	v2 =	vand.u32 $0x7, v2;
	v3 =	vand.u32 $0xFFFFFF80, v3  }
0x2fd: {  	v2 =	vor.u32 v2, v3  }
0x2fe: {  	v2 =	vperm.xlane v2, v0;
	_ =	sdelay $0x1  }
0x2ff: {  	v2 =	vadd.s32 v1, v2;
	_ =	sdelay $0x4  }
0x300: {  	[tilespmem:s29], [sflag:$0x3] =	stream.indirect_vreg.gather [hbm4b:s2+s3], $0x80, v2, vm0, $0xb8;
	[tilespmem:$0x18100] =	vst v63  }
0x301: {  	s29 =	simm.s32 $0x8900  }
0x302: {  	[tilespmem:s29], [sflag:$0x3] =	stream.indirect_vreg.gather [hbm4b:s5+s3], $0x80, v2, vm0, $0xb8;
	[tilespmem:$0x18100] =	vst v63  }
0x303: {  	s28 =	simm.s32 $0x9100  }
0x304: {  	[tilespmem:s28], [sflag:$0x3] =	stream.indirect_vreg.gather [hbm4b:s6+s3], $0x80, v2, vm0, $0xb8;
	[tilespmem:$0x18100] =	vst v63  }
0x305: {  	s29 =	simm.s32 $0x9900  }
0x306: {  	[tilespmem:s29], [sflag:$0x3] =	stream.indirect_vreg.gather [hbm4b:s7+s3], $0x80, v2, vm0, $0xb8;
	[tilespmem:$0x18100] =	vst v63  }
0x307: {  	s28 =	simm.s32 $0xA100  }
0x308: {  	[tilespmem:s28], [sflag:$0x3] =	stream.indirect_vreg.gather [hbm4b:s8+s3], $0x80, v2, vm0, $0xb8;
	[tilespmem:$0x18100] =	vst v63  }
0x309: {  	s29 =	simm.s32 $0xA900  }
0x30a: {  	[tilespmem:s29], [sflag:$0x3] =	stream.indirect_vreg.gather [hbm4b:s9+s3], $0x80, v2, vm0, $0xb8;
	[tilespmem:$0x18100] =	vst v63  }
0x30b: {  	s28 =	simm.s32 $0xB100  }
0x30c: {  	[tilespmem:s28], [sflag:$0x3] =	stream.indirect_vreg.gather [hbm4b:s10+s3], $0x80, v2, vm0, $0xb8;
	[tilespmem:$0x18100] =	vst v63  }
0x30d: {  	s29 =	simm.s32 $0xB900  }
0x30e: {  	[tilespmem:s29], [sflag:$0x3] =	stream.indirect_vreg.gather [hbm4b:s11+s3], $0x80, v2, vm0, $0xb8;
	[tilespmem:$0x18100] =	vst v63  }
0x30f: {  	_ =	swait.ge [sflag:s21], $0x4000  }
0x310: {  	[sflag:s21] =	ssyncset.done $0x0  }
0x311: {  	s29 =	simm.s32 $0x10100;
	s22 =	rddreg [dreg:$0x1b];
	[sflag:s21] =	ssyncadd.s32 $0xFFFFC000  }
0x312: {  	[hbm4b:s22+s3] =	stream.linear.scatter [tilespmem:s29], [sflag:$0xB], $0x4000, $0x38;
	[tilespmem:$0x18100] =	vst v63  }
0x313: {  	_ =	swait.ge [sflag:s23], $0x4000  }
0x314: {  	[sflag:s23] =	ssyncset.done $0x0  }
0x315: {  	[sflag:s23] =	ssyncadd.s32 $0xFFFFC000  }
0x316: {  	v2 =	vld.msk [tilespmem:$0xD8], $0xff;
	_ =	sdelay $0x4  }
0x317: {  	v3 =	vshll.u32 v2, $0x4  }
0x318: {  	v2 =	vand.u32 $0x7, v2;
	v3 =	vand.u32 $0xFFFFFF80, v3  }
0x319: {  	v2 =	vor.u32 v2, v3  }
0x31a: {  	v2 =	vperm.xlane v2, v0;
	_ =	sdelay $0x1  }
0x31b: {  	v2 =	vadd.s32 v1, v2;
	_ =	sdelay $0x4  }
0x31c: {  	[tilespmem:s0], [sflag:$0x4] =	stream.indirect_vreg.gather [hbm4b:s2+s3], $0x80, v2, vm0, $0xb8;
	[tilespmem:$0x18100] =	vst v63  }
0x31d: {  	s28 =	simm.s32 $0xC900  }
0x31e: {  	[tilespmem:s28], [sflag:$0x4] =	stream.indirect_vreg.gather [hbm4b:s5+s3], $0x80, v2, vm0, $0xb8;
	[tilespmem:$0x18100] =	vst v63  }
0x31f: {  	_ = 	snop  }
0x320: {  	[tilespmem:s14], [sflag:$0x4] =	stream.indirect_vreg.gather [hbm4b:s6+s3], $0x80, v2, vm0, $0xb8;
	[tilespmem:$0x18100] =	vst v63  }
0x321: {  	_ = 	snop  }
0x322: {  	[tilespmem:s17], [sflag:$0x4] =	stream.indirect_vreg.gather [hbm4b:s7+s3], $0x80, v2, vm0, $0xb8;
	[tilespmem:$0x18100] =	vst v63  }
0x323: {  	s28 =	simm.s32 $0xE100  }
0x324: {  	[tilespmem:s28], [sflag:$0x4] =	stream.indirect_vreg.gather [hbm4b:s8+s3], $0x80, v2, vm0, $0xb8;
	[tilespmem:$0x18100] =	vst v63  }
0x325: {  	s17 =	simm.s32 $0xE900  }
0x326: {  	[tilespmem:s17], [sflag:$0x4] =	stream.indirect_vreg.gather [hbm4b:s9+s3], $0x80, v2, vm0, $0xb8;
	[tilespmem:$0x18100] =	vst v63  }
0x327: {  	s22 =	simm.s32 $0xF100  }
0x328: {  	[tilespmem:s22], [sflag:$0x4] =	stream.indirect_vreg.gather [hbm4b:s10+s3], $0x80, v2, vm0, $0xb8;
	[tilespmem:$0x18100] =	vst v63  }
0x329: {  	s28 =	simm.s32 $0xF900  }
0x32a: {  	[tilespmem:s28], [sflag:$0x4] =	stream.indirect_vreg.gather [hbm4b:s11+s3], $0x80, v2, vm0, $0xb8;
	[tilespmem:$0x18100] =	vst v63  }
0x32b: {  	_ =	swait.ge [sflag:s24], $0x4000  }
0x32c: {  	[sflag:s24] =	ssyncset.done $0x0  }
0x32d: {  	s22 =	simm.s32 $0x14100;
	s17 =	rddreg [dreg:$0x1c];
	[sflag:s24] =	ssyncadd.s32 $0xFFFFC000  }
0x32e: {  	[hbm4b:s17+s3] =	stream.linear.scatter [tilespmem:s22], [sflag:$0xC], $0x4000, $0x38;
	[tilespmem:$0x18100] =	vst v63  }
0x32f: {  	_ =	swait.ge [sflag:s25], $0x4000  }
0x330: {  	[sflag:s25] =	ssyncset.done $0x0  }
0x331: {  	[sflag:s25] =	ssyncadd.s32 $0xFFFFC000  }
0x332: {  	v2 =	vld.msk [tilespmem:$0xE0], $0xff;
	_ =	sdelay $0x4  }
0x333: {  	v3 =	vshll.u32 v2, $0x4  }
0x334: {  	v2 =	vand.u32 $0x7, v2;
	v3 =	vand.u32 $0xFFFFFF80, v3  }
0x335: {  	v2 =	vor.u32 v2, v3  }
0x336: {  	v2 =	vperm.xlane v2, v0;
	_ =	sdelay $0x1  }
0x337: {  	v2 =	vadd.s32 v1, v2;
	_ =	sdelay $0x4  }
0x338: {  	[tilespmem:s29], [sflag:$0x5] =	stream.indirect_vreg.gather [hbm4b:s2+s3], $0x80, v2, vm0, $0xb8;
	[tilespmem:$0x18100] =	vst v63  }
0x339: {  	s29 =	simm.s32 $0x10900  }
0x33a: {  	[tilespmem:s29], [sflag:$0x5] =	stream.indirect_vreg.gather [hbm4b:s5+s3], $0x80, v2, vm0, $0xb8;
	[tilespmem:$0x18100] =	vst v63  }
0x33b: {  	s28 =	simm.s32 $0x11100  }
0x33c: {  	[tilespmem:s28], [sflag:$0x5] =	stream.indirect_vreg.gather [hbm4b:s6+s3], $0x80, v2, vm0, $0xb8;
	[tilespmem:$0x18100] =	vst v63  }
0x33d: {  	s29 =	simm.s32 $0x11900  }
0x33e: {  	[tilespmem:s29], [sflag:$0x5] =	stream.indirect_vreg.gather [hbm4b:s7+s3], $0x80, v2, vm0, $0xb8;
	[tilespmem:$0x18100] =	vst v63  }
0x33f: {  	s28 =	simm.s32 $0x12100  }
0x340: {  	[tilespmem:s28], [sflag:$0x5] =	stream.indirect_vreg.gather [hbm4b:s8+s3], $0x80, v2, vm0, $0xb8;
	[tilespmem:$0x18100] =	vst v63  }
0x341: {  	s29 =	simm.s32 $0x12900  }
0x342: {  	[tilespmem:s29], [sflag:$0x5] =	stream.indirect_vreg.gather [hbm4b:s9+s3], $0x80, v2, vm0, $0xb8;
	[tilespmem:$0x18100] =	vst v63  }
0x343: {  	s28 =	simm.s32 $0x13100  }
0x344: {  	[tilespmem:s28], [sflag:$0x5] =	stream.indirect_vreg.gather [hbm4b:s10+s3], $0x80, v2, vm0, $0xb8;
	[tilespmem:$0x18100] =	vst v63  }
0x345: {  	s29 =	simm.s32 $0x13900  }
0x346: {  	[tilespmem:s29], [sflag:$0x5] =	stream.indirect_vreg.gather [hbm4b:s11+s3], $0x80, v2, vm0, $0xb8;
	[tilespmem:$0x18100] =	vst v63  }
0x347: {  	_ =	swait.ge [sflag:s4], $0x4000  }
0x348: {  	[sflag:s4] =	ssyncset.done $0x0  }
0x349: {  	s12 =	simm.s32 $0x100;
	s17 =	rddreg [dreg:$0x1d];
	[sflag:s4] =	ssyncadd.s32 $0xFFFFC000  }
0x34a: {  	[hbm4b:s17+s3] =	stream.linear.scatter [tilespmem:s12], [sflag:$0x7], $0x4000, $0x38;
	[tilespmem:$0x18100] =	vst v63  }
0x34b: {  	_ =	swait.ge [sflag:s26], $0x4000  }
0x34c: {  	[sflag:s26] =	ssyncset.done $0x0  }
0x34d: {  	[sflag:s26] =	ssyncadd.s32 $0xFFFFC000  }
0x34e: {  	v2 =	vld.msk [tilespmem:$0xE8], $0xff;
	_ =	sdelay $0x4  }
0x34f: {  	v3 =	vshll.u32 v2, $0x4  }
0x350: {  	v2 =	vand.u32 $0x7, v2;
	v3 =	vand.u32 $0xFFFFFF80, v3  }
0x351: {  	v2 =	vor.u32 v2, v3  }
0x352: {  	v2 =	vperm.xlane v2, v0;
	_ =	sdelay $0x1  }
0x353: {  	v2 =	vadd.s32 v1, v2;
	_ =	sdelay $0x4  }
0x354: {  	[tilespmem:s22], [sflag:$0x6] =	stream.indirect_vreg.gather [hbm4b:s2+s3], $0x80, v2, vm0, $0xb8;
	[tilespmem:$0x18100] =	vst v63  }
0x355: {  	s29 =	simm.s32 $0x14900  }
0x356: {  	[tilespmem:s29], [sflag:$0x6] =	stream.indirect_vreg.gather [hbm4b:s5+s3], $0x80, v2, vm0, $0xb8;
	[tilespmem:$0x18100] =	vst v63  }
0x357: {  	s28 =	simm.s32 $0x15100  }
0x358: {  	[tilespmem:s28], [sflag:$0x6] =	stream.indirect_vreg.gather [hbm4b:s6+s3], $0x80, v2, vm0, $0xb8;
	[tilespmem:$0x18100] =	vst v63  }
0x359: {  	s29 =	simm.s32 $0x15900  }
0x35a: {  	[tilespmem:s29], [sflag:$0x6] =	stream.indirect_vreg.gather [hbm4b:s7+s3], $0x80, v2, vm0, $0xb8;
	[tilespmem:$0x18100] =	vst v63  }
0x35b: {  	s28 =	simm.s32 $0x16100  }
0x35c: {  	[tilespmem:s28], [sflag:$0x6] =	stream.indirect_vreg.gather [hbm4b:s8+s3], $0x80, v2, vm0, $0xb8;
	[tilespmem:$0x18100] =	vst v63  }
0x35d: {  	s29 =	simm.s32 $0x16900  }
0x35e: {  	[tilespmem:s29], [sflag:$0x6] =	stream.indirect_vreg.gather [hbm4b:s9+s3], $0x80, v2, vm0, $0xb8;
	[tilespmem:$0x18100] =	vst v63  }
0x35f: {  	s28 =	simm.s32 $0x17100  }
0x360: {  	[tilespmem:s28], [sflag:$0x6] =	stream.indirect_vreg.gather [hbm4b:s10+s3], $0x80, v2, vm0, $0xb8;
	[tilespmem:$0x18100] =	vst v63  }
0x361: {  	s29 =	simm.s32 $0x17900  }
0x362: {  	[tilespmem:s29], [sflag:$0x6] =	stream.indirect_vreg.gather [hbm4b:s11+s3], $0x80, v2, vm0, $0xb8;
	[tilespmem:$0x18100] =	vst v63  }
0x363: {  	_ =	swait.ge [sflag:s15], $0x4000  }
0x364: {  	[sflag:s15] =	ssyncset.done $0x0  }
0x365: {  	s29 =	simm.s32 $0x4100;
	s17 =	rddreg [dreg:$0x1e];
	[sflag:s15] =	ssyncadd.s32 $0xFFFFC000  }
0x366: {  	[hbm4b:s17+s3] =	stream.linear.scatter [tilespmem:s29], [sflag:$0x8], $0x4000, $0x38;
	[tilespmem:$0x18100] =	vst v63  }
0x367: {  	_ =	swait.ge [sflag:s16], $0x4000  }
0x368: {  	[sflag:s16] =	ssyncset.done $0x0  }
0x369: {  	[sflag:s16] =	ssyncadd.s32 $0xFFFFC000  }
0x36a: {  	v2 =	vld.msk [tilespmem:$0xF0], $0xff;
	_ =	sdelay $0x4  }
0x36b: {  	v3 =	vshll.u32 v2, $0x4  }
0x36c: {  	v2 =	vand.u32 $0x7, v2;
	v3 =	vand.u32 $0xFFFFFF80, v3  }
0x36d: {  	v2 =	vor.u32 v2, v3  }
0x36e: {  	v2 =	vperm.xlane v2, v0;
	_ =	sdelay $0x1  }
0x36f: {  	v2 =	vadd.s32 v1, v2;
	_ =	sdelay $0x4  }
0x370: {  	[tilespmem:s12], [sflag:$0x1] =	stream.indirect_vreg.gather [hbm4b:s2+s3], $0x80, v2, vm0, $0xb8;
	[tilespmem:$0x18100] =	vst v63  }
0x371: {  	s28 =	simm.s32 $0x900  }
0x372: {  	[tilespmem:s28], [sflag:$0x1] =	stream.indirect_vreg.gather [hbm4b:s5+s3], $0x80, v2, vm0, $0xb8;
	[tilespmem:$0x18100] =	vst v63  }
0x373: {  	s28 =	simm.s32 $0x1100  }
0x374: {  	[tilespmem:s28], [sflag:$0x1] =	stream.indirect_vreg.gather [hbm4b:s6+s3], $0x80, v2, vm0, $0xb8;
	[tilespmem:$0x18100] =	vst v63  }
0x375: {  	s28 =	simm.s32 $0x1900  }
0x376: {  	[tilespmem:s28], [sflag:$0x1] =	stream.indirect_vreg.gather [hbm4b:s7+s3], $0x80, v2, vm0, $0xb8;
	[tilespmem:$0x18100] =	vst v63  }
0x377: {  	s28 =	simm.s32 $0x2100  }
0x378: {  	[tilespmem:s28], [sflag:$0x1] =	stream.indirect_vreg.gather [hbm4b:s8+s3], $0x80, v2, vm0, $0xb8;
	[tilespmem:$0x18100] =	vst v63  }
0x379: {  	s28 =	simm.s32 $0x2900  }
0x37a: {  	[tilespmem:s28], [sflag:$0x1] =	stream.indirect_vreg.gather [hbm4b:s9+s3], $0x80, v2, vm0, $0xb8;
	[tilespmem:$0x18100] =	vst v63  }
0x37b: {  	s28 =	simm.s32 $0x3100  }
0x37c: {  	[tilespmem:s28], [sflag:$0x1] =	stream.indirect_vreg.gather [hbm4b:s10+s3], $0x80, v2, vm0, $0xb8;
	[tilespmem:$0x18100] =	vst v63  }
0x37d: {  	s28 =	simm.s32 $0x3900  }
0x37e: {  	[tilespmem:s28], [sflag:$0x1] =	stream.indirect_vreg.gather [hbm4b:s11+s3], $0x80, v2, vm0, $0xb8;
	[tilespmem:$0x18100] =	vst v63  }
0x37f: {  	_ =	swait.ge [sflag:s13], $0x4000  }
0x380: {  	[sflag:s13] =	ssyncset.done $0x0  }
0x381: {  	s1 =	simm.s32 $0x8100;
	s17 =	rddreg [dreg:$0x1f];
	[sflag:s13] =	ssyncadd.s32 $0xFFFFC000  }
0x382: {  	[hbm4b:s17+s3] =	stream.linear.scatter [tilespmem:s1], [sflag:$0x9], $0x4000, $0x38;
	[tilespmem:$0x18100] =	vst v63  }
0x383: {  	_ =	swait.ge [sflag:s18], $0x4000  }
0x384: {  	[sflag:s18] =	ssyncset.done $0x0  }
0x385: {  	[sflag:s18] =	ssyncadd.s32 $0xFFFFC000  }
0x386: {  	v2 =	vld.msk [tilespmem:$0xF8], $0xff;
	_ =	sdelay $0x4  }
0x387: {  	v3 =	vshll.u32 v2, $0x4  }
0x388: {  	v2 =	vand.u32 $0x7, v2;
	v3 =	vand.u32 $0xFFFFFF80, v3  }
0x389: {  	v2 =	vor.u32 v2, v3  }
0x38a: {  	v2 =	vperm.xlane v2, v0;
	_ =	sdelay $0x1  }
0x38b: {  	v2 =	vadd.s32 v1, v2;
	_ =	sdelay $0x4  }
0x38c: {  	[tilespmem:s29], [sflag:$0x2] =	stream.indirect_vreg.gather [hbm4b:s2+s3], $0x80, v2, vm0, $0xb8;
	[tilespmem:$0x18100] =	vst v63  }
0x38d: {  	s28 =	simm.s32 $0x4900  }
0x38e: {  	[tilespmem:s28], [sflag:$0x2] =	stream.indirect_vreg.gather [hbm4b:s5+s3], $0x80, v2, vm0, $0xb8;
	[tilespmem:$0x18100] =	vst v63  }
0x38f: {  	s17 =	simm.s32 $0x5100  }
0x390: {  	[tilespmem:s17], [sflag:$0x2] =	stream.indirect_vreg.gather [hbm4b:s6+s3], $0x80, v2, vm0, $0xb8;
	[tilespmem:$0x18100] =	vst v63  }
0x391: {  	s28 =	simm.s32 $0x5900  }
0x392: {  	[tilespmem:s28], [sflag:$0x2] =	stream.indirect_vreg.gather [hbm4b:s7+s3], $0x80, v2, vm0, $0xb8;
	[tilespmem:$0x18100] =	vst v63  }
0x393: {  	s17 =	simm.s32 $0x6100  }
0x394: {  	[tilespmem:s17], [sflag:$0x2] =	stream.indirect_vreg.gather [hbm4b:s8+s3], $0x80, v2, vm0, $0xb8;
	[tilespmem:$0x18100] =	vst v63  }
0x395: {  	s28 =	simm.s32 $0x6900  }
0x396: {  	[tilespmem:s28], [sflag:$0x2] =	stream.indirect_vreg.gather [hbm4b:s9+s3], $0x80, v2, vm0, $0xb8;
	[tilespmem:$0x18100] =	vst v63  }
0x397: {  	s30 =	simm.s32 $0x7100  }
0x398: {  	[tilespmem:s30], [sflag:$0x2] =	stream.indirect_vreg.gather [hbm4b:s10+s3], $0x80, v2, vm0, $0xb8;
	[tilespmem:$0x18100] =	vst v63  }
0x399: {  	s31 =	simm.s32 $0x7900  }
0x39a: {  	[tilespmem:s31], [sflag:$0x2] =	stream.indirect_vreg.gather [hbm4b:s11+s3], $0x80, v2, vm0, $0xb8;
	[tilespmem:$0x18100] =	vst v63  }
0x39b: {  	s1 =	sld [smem:$0x7F6];
	_ =	swait.ge [sflag:s19], $0x4000  }
0x39c: {  	s31 =	sld [smem:$0x7F7]  }
0x39d: {  	[sflag:s19] =	ssyncset.done $0x0  }
0x39e: {  	s0 =	simm.s32 $0xC100;
	[sflag:s19] =	ssyncadd.s32 $0xFFFFC000  }
0x39f: {  	[hbm4b:s31+s3] =	stream.linear.scatter [tilespmem:s0], [sflag:$0xA], $0x4000, $0x38;
	[tilespmem:$0x18100] =	vst v63  }
0x3a0: {  	_ =	swait.ge [sflag:s21], $0x4000  }
0x3a1: {  	s0 =	sld [smem:$0x7F8]  }
0x3a2: {  	[sflag:s21] =	ssyncset.done $0x0  }
0x3a3: {  	s14 =	simm.s32 $0x10100;
	[sflag:s21] =	ssyncadd.s32 $0xFFFFC000  }
0x3a4: {  	[hbm4b:s0+s3] =	stream.linear.scatter [tilespmem:s14], [sflag:$0xB], $0x4000, $0x38;
	[tilespmem:$0x18100] =	vst v63  }
0x3a5: {  	_ =	swait.ge [sflag:s24], $0x4000  }
0x3a6: {  	s17 =	sld [smem:$0x7F9]  }
0x3a7: {  	[sflag:s24] =	ssyncset.done $0x0  }
0x3a8: {  	s22 =	simm.s32 $0x14100;
	[sflag:s24] =	ssyncadd.s32 $0xFFFFC000  }
0x3a9: {  	[hbm4b:s17+s3] =	stream.linear.scatter [tilespmem:s22], [sflag:$0xC], $0x4000, $0x38;
	[tilespmem:$0x18100] =	vst v63  }
0x3aa: {  	_ =	swait.ge [sflag:s4], $0x4000  }
0x3ab: {  	s30 =	sld [smem:$0x7FA]  }
0x3ac: {  	[sflag:s4] =	ssyncset.done $0x0  }
0x3ad: {  	[sflag:s4] =	ssyncadd.s32 $0xFFFFC000  }
0x3ae: {  	[hbm4b:s30+s3] =	stream.linear.scatter [tilespmem:s12], [sflag:$0x7], $0x4000, $0x38;
	[tilespmem:$0x18100] =	vst v63  }
0x3af: {  	_ =	swait.ge [sflag:s15], $0x4000  }
0x3b0: {  	s31 =	sld [smem:$0x7FC]  }
0x3b1: {  	[sflag:s15] =	ssyncset.done $0x0  }
0x3b2: {  	s29 =	simm.s32 $0x4100;
	[sflag:s15] =	ssyncadd.s32 $0xFFFFC000  }
0x3b3: {  	[hbm4b:s31+s3] =	stream.linear.scatter [tilespmem:s29], [sflag:$0x8], $0x4000, $0x38;
	[tilespmem:$0x18100] =	vst v63  }
0x3b4: {  	_ =	swait.ge [sflag:s20], $0x4000  }
0x3b5: {  	[sflag:s20] =	ssyncset.done $0x0  }
0x3b6: {  	[sflag:s20] =	ssyncadd.s32 $0xFFFFC000  }
0x3b7: {  	_ =	swait.ge [sflag:s23], $0x4000  }
0x3b8: {  	[sflag:s23] =	ssyncset.done $0x0  }
0x3b9: {  	[sflag:s23] =	ssyncadd.s32 $0xFFFFC000  }
0x3ba: {  	_ =	swait.ge [sflag:s25], $0x4000  }
0x3bb: {  	[sflag:s25] =	ssyncset.done $0x0  }
0x3bc: {  	[sflag:s25] =	ssyncadd.s32 $0xFFFFC000  }
0x3bd: {  	_ =	swait.ge [sflag:s26], $0x4000  }
0x3be: {  	[sflag:s26] =	ssyncset.done $0x0  }
0x3bf: {  	[sflag:s26] =	ssyncadd.s32 $0xFFFFC000  }
0x3c0: {  	p0 =	sne.s32 s1, $0x1;
	_ =	swait.ge [sflag:s16], $0x4000  }
.Ltmp0:
0x3c1: {  	[sflag:s16] =	ssyncset.done $0x0;
	(pc) =	sbr.rel @p0 .LBB2_1-.Ltmp0, $4  }
0x3c2: {  	[sflag:s16] =	ssyncadd.s32 $0xFFFFC000  }
0x3c3: {  	_ =	swait.ge [sflag:s18], $0x4000  }
0x3c4: {  	[sflag:s18] =	ssyncset.done $0x0  }
0x3c5: {  	s1 =	sadd.s32 $0xFFFFFFFF, s1;
	[sflag:s18] =	ssyncadd.s32 $0xFFFFC000  }
0x3c6: {  	_ =	sfence.sel $0x180000  }
0x3c7: {  	[bflag:$0x0] =	sbarrier.arrive $0xFFFF  }
0x3c8: {  	_ =	strace $0x90000047  }
0x3c9: {  	s0 =	stileid.u32;
	[bflag:$0x2] =	sbarrier.arrive $0xFFFF  }
0x3ca: {  	p0 =	sne.s32 s0, $0x0;
	s0 =	rddreg [dreg:$0x3]  }
0x3cb: {  	s0 =	sadd.s32 @!p0 $0x100000, s0  }
0x3cc: {  	[sflag:s0] =	ssyncadd.tile.s32 @!p0 $0x1;
	_ =	shalt  }
.Lfunc_end2:
_tile_overlayer_lowered:
.L_overlay_start_2:
0x3cd: {  	(tag) =	ssettag $0x2  }
0x3ce: {  	s0 =	rddreg [dreg:$0x0];
	s2 =	stileid.u32  }
0x3cf: {  	s1 =	rddreg [dreg:$0x1];
	p0 =	sne.s32 s2, $0x0  }
0x3d0: {  	s3 =	rddreg [dreg:$0x2];
	[bflag:$0x3] =	sbarrier.arrive $0xFFFF;
	s2 =	simm.s32 @!p0 $0x1C0D  }
0x3d1: {  	[timem:s3], [sflag:s2] =	dma.local @!p0 [hbm:s0], s1  }
0x3d2: {  	s0 =	simm.s32 @!p0 $0xD  }
0x3d3: {  	_ =	swait.ge @!p0 [sflag:s0], s1  }
0x3d4: {  	s1 =	ssub.s32 @!p0 $0x0, s1;
	[sflag:s0] =	ssyncset.done @!p0 $0x0  }
0x3d5: {  	[sflag:s0] =	ssyncadd.s32 @!p0 s1  }
0x3d6: {  	[bflag:$0x3] =	sbarrier.arrive $0xFFFF  }
0x3d7: {  	_ =	shalt  }

</sc_bundles>
